<compile_context>
chip_gen: v7x
topology: tpu7x:2x2x1
jax: 0.10.2.dev20260603
libtpu: 0.0.44.dev20260713+nightly
codegen_flags: <defaults>
</compile_context>

<pallas_src>
import jax
import jax.numpy as jnp
from jax import lax
from jax.experimental import pallas as pl
from jax.experimental.pallas import tpu as pltpu
from jax.experimental.pallas import tpu_sc as plsc

NC = 2
NS = 16
NW = NC * NS
CH = 128


def _sc_mesh():
    return plsc.VectorSubcoreMesh(
        core_axis_name="c", subcore_axis_name="s", num_cores=NC, num_subcores=NS
    )



def _part_copy(sid, n, copy_slice):
    rpt = (n // NS) // 8 * 8
    rem = n - NS * rpt
    copy_slice(sid * rpt, rpt)
    if rem:
        @pl.when(sid == 0)
        def _():
            copy_slice(NS * rpt, rem)


DG = 8


def _deg_body(dst_hbm, ones_hbm, out_hbm,
              ones_v, idxa_v, idxb_v, slab_v, sem, deg_sh):
    cid = lax.axis_index("c")
    sid = lax.axis_index("s")
    wid = cid * NS + sid
    dpad = deg_sh.shape[0]
    spt = dpad // NS
    for i in range(spt // 16):
        slab_v[pl.ds(i * 16, 16)] = jnp.zeros((16,), jnp.float32)
    pltpu.sync_copy(slab_v, deg_sh.at[pl.ds(sid * spt, spt)])
    pltpu.sync_copy(ones_hbm, ones_v)
    plsc.subcore_barrier()

    gpw = dst_hbm.shape[0] // (NW * DG)
    row0 = wid * gpw * DG

    def load(g, idx_v):
        pltpu.sync_copy(dst_hbm.at[pl.ds(row0 + g * DG, DG)], idx_v)

    def group(idx_v):
        for j in range(DG):
            pltpu.async_copy(ones_v, deg_sh.at[idx_v.at[j]], sem, add=True)
        for j in range(DG):
            pltpu.make_async_copy(ones_v, deg_sh.at[idx_v.at[j]], sem).wait()

    load(0, idxa_v)

    def body(i, carry):
        g0 = 2 * i
        g1 = g0 + 1
        g2 = g0 + 2

        @pl.when(g1 < gpw)
        def _():
            load(g1, idxb_v)

        group(idxa_v)

        @pl.when(g2 < gpw)
        def _():
            load(g2, idxa_v)

        @pl.when(g1 < gpw)
        def _():
            group(idxb_v)

        return carry

    lax.fori_loop(0, (gpw + 1) // 2, body, 0)
    plsc.subcore_barrier()
    pltpu.sync_copy(deg_sh.at[pl.ds(sid * spt, spt)], slab_v)
    pltpu.sync_copy(slab_v, out_hbm.at[pl.ds(cid * dpad + sid * spt, spt)])


def _agg_body(src_hbm, dst_hbm, g_hbm, zeros_hbm, out_hbm,
              src0_v, dst0_v, rows0_v, sem0,
              src1_v, dst1_v, rows1_v, sem1, acc_sh):
    cid = lax.axis_index("c")
    sid = lax.axis_index("s")
    wid = cid * NS + sid
    n = acc_sh.shape[0]
    _part_copy(sid, n, lambda o, sz: pltpu.sync_copy(
        zeros_hbm.at[pl.ds(o, sz)], acc_sh.at[pl.ds(o, sz)]))
    plsc.subcore_barrier()

    nchunks = src_hbm.shape[0] // CH
    bufs = ((src0_v, dst0_v, rows0_v, sem0), (src1_v, dst1_v, rows1_v, sem1))

    def gstart(c, b):
        src_v, dst_v, rows_v, sem = bufs[b]
        pltpu.sync_copy(src_hbm.at[pl.ds(c * CH, CH)], src_v)
        pltpu.sync_copy(dst_hbm.at[pl.ds(c * CH, CH)], dst_v)
        pltpu.async_copy(g_hbm.at[src_v], rows_v, sem)

    def finish(b):
        src_v, dst_v, rows_v, sem = bufs[b]
        pltpu.make_async_copy(g_hbm.at[src_v], rows_v, sem).wait()
        pltpu.sync_copy(rows_v, acc_sh.at[dst_v], add=True)

    gstart(wid, 0)

    def body(i, carry):
        c0 = wid + (2 * i) * NW
        c1 = c0 + NW
        c2 = c1 + NW

        @pl.when(c1 < nchunks)
        def _():
            gstart(c1, 1)

        @pl.when(c0 < nchunks)
        def _():
            finish(0)

        @pl.when(c2 < nchunks)
        def _():
            gstart(c2, 0)

        @pl.when(c1 < nchunks)
        def _():
            finish(1)

        return carry

    lax.fori_loop(0, (nchunks // NW + 2) // 2, body, 0)
    plsc.subcore_barrier()
    _part_copy(sid, n, lambda o, sz: pltpu.sync_copy(
        acc_sh.at[pl.ds(o, sz)], out_hbm.at[cid, pl.ds(o, sz)]))


def _sc_degree(dst, ones, dpad):
    call = pl.kernel(
        _deg_body,
        out_type=jax.ShapeDtypeStruct((NC * dpad,), jnp.float32),
        mesh=_sc_mesh(),
        scratch_types=[
            pltpu.VMEM((CH,), jnp.float32),
            pltpu.VMEM((DG, CH), jnp.int32),
            pltpu.VMEM((DG, CH), jnp.int32),
            pltpu.VMEM((dpad // NS,), jnp.float32),
            pltpu.SemaphoreType.DMA,
            pltpu.VMEM_SHARED((dpad,), jnp.float32),
        ],
    )
    return call(dst, ones)


def _sc_aggregate(src, dst, g, zeros, n, d):
    call = pl.kernel(
        _agg_body,
        out_type=jax.ShapeDtypeStruct((NC, n, d), jnp.float32),
        mesh=_sc_mesh(),
        scratch_types=[
            pltpu.VMEM((CH,), jnp.int32),
            pltpu.VMEM((CH,), jnp.int32),
            pltpu.VMEM((CH, d), jnp.float32),
            pltpu.SemaphoreType.DMA,
            pltpu.VMEM((CH,), jnp.int32),
            pltpu.VMEM((CH,), jnp.int32),
            pltpu.VMEM((CH, d), jnp.float32),
            pltpu.SemaphoreType.DMA,
            pltpu.VMEM_SHARED((n, d), jnp.float32),
        ],
    )
    return call(src, dst, g, zeros)



def _lin1_body(x_ref, w_ref, d0_ref, d1_ref, g_ref, dv_ref):
    deg = d0_ref[...] + d1_ref[...] + 1.0
    dinv = lax.rsqrt(deg)
    dv_ref[...] = jnp.broadcast_to(dinv, dv_ref.shape)
    u = jnp.dot(x_ref[...], w_ref[...], preferred_element_type=jnp.float32)
    g_ref[...] = dinv * u


def _mid_body(a0_ref, a1_ref, g_ref, dv_ref, b_ref, w_ref, o_ref):
    dinv = dv_ref[:, 0:1]
    h = dinv * (a0_ref[...] + a1_ref[...] + g_ref[...]) + b_ref[...]
    h = jnp.maximum(h, 0.0)
    o_ref[...] = dinv * jnp.dot(h, w_ref[...], preferred_element_type=jnp.float32)


def _out_body(a0_ref, a1_ref, g_ref, dv_ref, b_ref, w_ref, b3_ref, o_ref):
    dinv = dv_ref[:, 0:1]
    h = dinv * (a0_ref[...] + a1_ref[...] + g_ref[...]) + b_ref[...]
    h = jnp.maximum(h, 0.0)
    o_ref[...] = (
        jnp.dot(h, w_ref[...], preferred_element_type=jnp.float32) + b3_ref[...]
    )


def _row_spec(br, d):
    return pl.BlockSpec((br, d), lambda i: (i, 0))


def _rep_spec(shape):
    return pl.BlockSpec(shape, lambda i: (0,) * len(shape))


DVW = 8


def _tc_lin1(x, w, d0, d1, br):
    n, d = x.shape
    h = w.shape[1]
    return pl.pallas_call(
        _lin1_body,
        grid=(n // br,),
        in_specs=[
            _row_spec(br, d),
            _rep_spec(w.shape),
            _row_spec(br, 1),
            _row_spec(br, 1),
        ],
        out_specs=[_row_spec(br, h), _row_spec(br, DVW)],
        out_shape=[
            jax.ShapeDtypeStruct((n, h), jnp.float32),
            jax.ShapeDtypeStruct((n, DVW), jnp.float32),
        ],
    )(x, w, d0, d1)


def _tc_mid(a0, a1, g, dv, b, w, br):
    n, h = g.shape
    h2 = w.shape[1]
    return pl.pallas_call(
        _mid_body,
        grid=(n // br,),
        in_specs=[
            _row_spec(br, h),
            _row_spec(br, h),
            _row_spec(br, h),
            _row_spec(br, DVW),
            _rep_spec(b.shape),
            _rep_spec(w.shape),
        ],
        out_specs=_row_spec(br, h2),
        out_shape=jax.ShapeDtypeStruct((n, h2), jnp.float32),
    )(a0, a1, g, dv, b, w)


def _tc_out(a0, a1, g, dv, b, w, b3, br):
    n, h = g.shape
    c = w.shape[1]
    return pl.pallas_call(
        _out_body,
        grid=(n // br,),
        in_specs=[
            _row_spec(br, h),
            _row_spec(br, h),
            _row_spec(br, h),
            _row_spec(br, DVW),
            _rep_spec(b.shape),
            _rep_spec(w.shape),
            _rep_spec(b3.shape),
        ],
        out_specs=_row_spec(br, c),
        out_shape=jax.ShapeDtypeStruct((n, c), jnp.float32),
    )(a0, a1, g, dv, b, w, b3)



@jax.jit
def kernel(x, edge_index, W1, b1, W2, b2, W3, b3):
    n, d = x.shape
    h = W1.shape[1]
    c = W3.shape[1]
    e = edge_index.shape[1]
    assert n % NS == 0 and e % CH == 0 and d % 128 == 0 and h % 128 == 0

    br = 2000 if n % 2000 == 0 else max(
        bb for bb in (8, 16, 40, 200, 400, 1000) if n % bb == 0
    )

    src = edge_index[0].astype(jnp.int32)
    dst = edge_index[1].astype(jnp.int32)

    ones = jnp.ones((CH,), jnp.float32)
    zeros_acc = jnp.zeros((n, h), jnp.float32)

    spt = (-(-n // NS) + 15) // 16 * 16
    if NS * spt == n:
        spt += 16
    dpad = NS * spt

    nchunks = e // CH
    gpw = -(-nchunks // (NW * DG))
    rows = NW * gpw * DG
    pad = rows * CH - e
    dst2d = jnp.concatenate(
        [dst, n + jnp.arange(pad, dtype=jnp.int32) % (dpad - n)]
    ).reshape(rows, CH)

    degf = _sc_degree(dst2d, ones, dpad)
    d2 = degf.reshape(NC, dpad)
    d0 = d2[0, :n].reshape(n, 1)
    d1 = d2[1, :n].reshape(n, 1)

    b1r = b1.reshape(1, h)
    b2r = b2.reshape(1, h)

    wpad = 128
    W3p = jnp.zeros((h, wpad), jnp.float32).at[:, :c].set(W3)
    b3p = jnp.zeros((1, wpad), jnp.float32).at[:, :c].set(b3)

    g1, dv = _tc_lin1(x, W1, d0, d1, br)
    acc1 = _sc_aggregate(src, dst, g1, zeros_acc, n, h)
    g2 = _tc_mid(acc1[0], acc1[1], g1, dv, b1r, W2, br)
    acc2 = _sc_aggregate(src, dst, g2, zeros_acc, n, h)
    outp = _tc_out(acc2[0], acc2[1], g2, dv, b2r, W3p, b3p, br)
    return outp[:, :c]

# --- scband reference (transcript-rebuilt; emitter-appended) ---
"""Pipeline reference for scband-net-61160334295402 (READ-ONLY COPY).

The authoritative reference and input builder live on the scoring server;
editing this copy changes nothing except your own understanding.
"""

import jax, jax.numpy as jnp
import numpy as np

N = 10000
E = 320000
D = 128
H = 128
C = 3


def _gcn_conv(x, edge_index, W, b):
    n = x.shape[0]
    loop = jnp.arange(n, dtype=edge_index.dtype)
    src = jnp.concatenate([edge_index[0], loop])
    dst = jnp.concatenate([edge_index[1], loop])
    deg = jnp.zeros((n,), dtype=x.dtype).at[dst].add(1.0)
    dinv = jnp.where(deg > 0, jax.lax.rsqrt(jnp.maximum(deg, 1e-12)), 0.0)
    norm = dinv[src] * dinv[dst]
    h = x @ W
    msg = h[src] * norm[:, None]
    out = jnp.zeros((n, h.shape[1]), dtype=x.dtype).at[dst].add(msg)
    return out + b


def setup_inputs(seed: int = 0):
    key = jax.random.key(seed)
    ks = jax.random.split(key, 8)
    x = jax.random.normal(ks[0], (N, D), dtype=jnp.float32)
    edge_index = jax.random.randint(ks[1], (2, E), 0, N, dtype=jnp.int32)
    W1 = jax.random.normal(ks[2], (D, H), dtype=jnp.float32) * (1.0 / np.sqrt(D))
    b1 = jnp.zeros((H,), dtype=jnp.float32)
    W2 = jax.random.normal(ks[3], (H, H), dtype=jnp.float32) * (1.0 / np.sqrt(H))
    b2 = jnp.zeros((H,), dtype=jnp.float32)
    W3 = jax.random.normal(ks[4], (H, C), dtype=jnp.float32) * (1.0 / np.sqrt(H))
    b3 = jnp.zeros((C,), dtype=jnp.float32)
    return {"x": x, "edge_index": edge_index, "W1": W1, "b1": b1, "W2": W2, "b2": b2, "W3": W3, "b3": b3}


def reference(x, edge_index, W1, b1, W2, b2, W3, b3):
    h = jax.nn.relu(_gcn_conv(x, edge_index, W1, b1))
    h = jax.nn.relu(_gcn_conv(h, edge_index, W2, b2))
    return h @ W3 + b3

if __name__ == "__main__":
    import jax
    _d = setup_inputs()
    print(jax.jit(kernel)(*tuple(_d.values())))

</pallas_src>

<mosaic_0001>
#map = affine_map<(d0, d1) -> (0)>
#map1 = affine_map<(d0, d1) -> (0, 0)>
#map2 = affine_map<(d0, d1) -> (0, 0, 0)>
module attributes {stable_mosaic.version = 14 : i64} {
  func.func @_agg_body(%arg0: i32, %arg1: i32, %arg2: memref<320000xi32, #tpu.memory_space<hbm>>, %arg3: memref<320000xi32, #tpu.memory_space<hbm>>, %arg4: memref<10000x128xf32, #tpu.memory_space<hbm>>, %arg5: memref<10000x128xf32, #tpu.memory_space<hbm>>, %arg6: memref<2x10000x128xf32, #tpu.memory_space<hbm>>, %arg7: memref<128xi32, #tpu.memory_space<vmem>>, %arg8: memref<128xi32, #tpu.memory_space<vmem>>, %arg9: memref<128x128xf32, #tpu.memory_space<vmem>>, %arg10: memref<!tpu.dma_semaphore, #tpu.memory_space<semaphore_mem>>, %arg11: memref<128xi32, #tpu.memory_space<vmem>>, %arg12: memref<128xi32, #tpu.memory_space<vmem>>, %arg13: memref<128x128xf32, #tpu.memory_space<vmem>>, %arg14: memref<!tpu.dma_semaphore, #tpu.memory_space<semaphore_mem>>, %arg15: memref<10000x128xf32, #tpu.memory_space<vmem_shared>>) attributes {dimension_semantics = [#tpu.dimension_semantics<core_parallel>, #tpu.dimension_semantics<subcore_parallel>], iteration_bounds = array<i64: 2, 16>, scalar_prefetch = 0 : i64, scratch_operands = 9 : i64, tpu.core_type = #tpu.core_type<sc_vector_subcore>, window_params = [{transform_indices = #map}, {transform_indices = #map}, {transform_indices = #map1}, {transform_indices = #map1}, {transform_indices = #map2}]} {
    %mul3A = arith.constant 16 : i32
    %mul3A_0 = arith.muli %arg0, %mul3A : i32
    %add3A = arith.addi %mul3A_0, %arg1 : i32
    %mul3A_1 = arith.constant 624 : i32
    %mul3A_2 = arith.muli %arg1, %mul3A_1 : i32
    "tpu.region"() ({
      %run_scoped3A = tpu.sem_alloc : memref<!tpu.dma_semaphore, #tpu.memory_space<semaphore_mem>>
      %dma_start3A_24 = arith.constant 0 : i32
      %dma_start3A_25 = tpu.memref_slice %arg15[%mul3A_2, %dma_start3A_24] : memref<10000x128xf32, #tpu.memory_space<vmem_shared>> -> memref<624x128xf32, #tpu.memory_space<vmem_shared>>
      %dma_start3A_26 = arith.constant 0 : i32
      %dma_start3A_27 = tpu.memref_slice %arg5[%mul3A_2, %dma_start3A_26] : memref<10000x128xf32, #tpu.memory_space<hbm>> -> memref<624x128xf32, #tpu.memory_space<hbm>>
      tpu.enqueue_dma source(%dma_start3A_27 : memref<624x128xf32, #tpu.memory_space<hbm>>) target(%dma_start3A_25 : memref<624x128xf32, #tpu.memory_space<vmem_shared>>) target_semaphore(%run_scoped3A : memref<!tpu.dma_semaphore, #tpu.memory_space<semaphore_mem>>)
      %dma_wait3A = arith.constant 0 : i32
      %dma_wait3A_28 = tpu.memref_slice %arg15[%mul3A_2, %dma_wait3A] : memref<10000x128xf32, #tpu.memory_space<vmem_shared>> -> memref<624x128xf32, #tpu.memory_space<vmem_shared>>
      %dma_wait3A_29 = arith.constant 0 : i32
      %dma_wait3A_30 = tpu.memref_slice %arg5[%mul3A_2, %dma_wait3A_29] : memref<10000x128xf32, #tpu.memory_space<hbm>> -> memref<624x128xf32, #tpu.memory_space<hbm>>
      tpu.wait_dma2 semaphore(%run_scoped3A : memref<!tpu.dma_semaphore, #tpu.memory_space<semaphore_mem>>) src(%dma_wait3A_30 : memref<624x128xf32, #tpu.memory_space<hbm>>) dst(%dma_wait3A_28 : memref<624x128xf32, #tpu.memory_space<vmem_shared>>)
      tpu.yield
    }) : () -> ()
    %eq3A = arith.constant 0 : i32
    %eq3A_3 = arith.cmpi eq, %arg1, %eq3A : i32
    %convert_element_type3A = arith.extui %eq3A_3 : i1 to i32
    %cond3A = arith.constant 0 : i32
    %cond3A_4 = arith.cmpi ne, %convert_element_type3A, %cond3A : i32
    scf.if %cond3A_4 {
      "tpu.region"() ({
        %run_scoped3A = tpu.sem_alloc : memref<!tpu.dma_semaphore, #tpu.memory_space<semaphore_mem>>
        %dma_start3A_24 = arith.constant 9984 : i32
        %dma_start3A_25 = arith.constant 0 : i32
        %dma_start3A_26 = tpu.memref_slice %arg15[%dma_start3A_24, %dma_start3A_25] : memref<10000x128xf32, #tpu.memory_space<vmem_shared>> -> memref<16x128xf32, #tpu.memory_space<vmem_shared>>
        %dma_start3A_27 = arith.constant 9984 : i32
        %dma_start3A_28 = arith.constant 0 : i32
        %dma_start3A_29 = tpu.memref_slice %arg5[%dma_start3A_27, %dma_start3A_28] : memref<10000x128xf32, #tpu.memory_space<hbm>> -> memref<16x128xf32, #tpu.memory_space<hbm>>
        tpu.enqueue_dma source(%dma_start3A_29 : memref<16x128xf32, #tpu.memory_space<hbm>>) target(%dma_start3A_26 : memref<16x128xf32, #tpu.memory_space<vmem_shared>>) target_semaphore(%run_scoped3A : memref<!tpu.dma_semaphore, #tpu.memory_space<semaphore_mem>>)
        %dma_wait3A = arith.constant 9984 : i32
        %dma_wait3A_30 = arith.constant 0 : i32
        %dma_wait3A_31 = tpu.memref_slice %arg15[%dma_wait3A, %dma_wait3A_30] : memref<10000x128xf32, #tpu.memory_space<vmem_shared>> -> memref<16x128xf32, #tpu.memory_space<vmem_shared>>
        %dma_wait3A_32 = arith.constant 9984 : i32
        %dma_wait3A_33 = arith.constant 0 : i32
        %dma_wait3A_34 = tpu.memref_slice %arg5[%dma_wait3A_32, %dma_wait3A_33] : memref<10000x128xf32, #tpu.memory_space<hbm>> -> memref<16x128xf32, #tpu.memory_space<hbm>>
        tpu.wait_dma2 semaphore(%run_scoped3A : memref<!tpu.dma_semaphore, #tpu.memory_space<semaphore_mem>>) src(%dma_wait3A_34 : memref<16x128xf32, #tpu.memory_space<hbm>>) dst(%dma_wait3A_31 : memref<16x128xf32, #tpu.memory_space<vmem_shared>>)
        tpu.yield
      }) : () -> ()
    } else {
    }
    %barrier3A = arith.constant 0 : index
    tpu.barrier barrier_id(%barrier3A)
    %mul3A_5 = arith.constant 128 : i32
    %mul3A_6 = arith.muli %add3A, %mul3A_5 : i32
    "tpu.region"() ({
      %run_scoped3A = tpu.sem_alloc : memref<!tpu.dma_semaphore, #tpu.memory_space<semaphore_mem>>
      %dma_start3A_24 = tpu.memref_slice %arg2[%mul3A_6] : memref<320000xi32, #tpu.memory_space<hbm>> -> memref<128xi32, #tpu.memory_space<hbm>>
      %dma_start3A_25 = tpu.memref_slice %arg2[%mul3A_6] : memref<320000xi32, #tpu.memory_space<hbm>> -> memref<128xi32, #tpu.memory_space<hbm>>
      tpu.enqueue_dma source(%dma_start3A_25 : memref<128xi32, #tpu.memory_space<hbm>>) target(%arg7 : memref<128xi32, #tpu.memory_space<vmem>>) target_semaphore(%run_scoped3A : memref<!tpu.dma_semaphore, #tpu.memory_space<semaphore_mem>>)
      %dma_wait3A = tpu.memref_slice %arg2[%mul3A_6] : memref<320000xi32, #tpu.memory_space<hbm>> -> memref<128xi32, #tpu.memory_space<hbm>>
      %dma_wait3A_26 = tpu.memref_slice %arg2[%mul3A_6] : memref<320000xi32, #tpu.memory_space<hbm>> -> memref<128xi32, #tpu.memory_space<hbm>>
      tpu.wait_dma2 semaphore(%run_scoped3A : memref<!tpu.dma_semaphore, #tpu.memory_space<semaphore_mem>>) src(%dma_wait3A_26 : memref<128xi32, #tpu.memory_space<hbm>>) dst(%arg7 : memref<128xi32, #tpu.memory_space<vmem>>)
      tpu.yield
    }) : () -> ()
    %mul3A_7 = arith.constant 128 : i32
    %mul3A_8 = arith.muli %add3A, %mul3A_7 : i32
    "tpu.region"() ({
      %run_scoped3A = tpu.sem_alloc : memref<!tpu.dma_semaphore, #tpu.memory_space<semaphore_mem>>
      %dma_start3A_24 = tpu.memref_slice %arg3[%mul3A_8] : memref<320000xi32, #tpu.memory_space<hbm>> -> memref<128xi32, #tpu.memory_space<hbm>>
      %dma_start3A_25 = tpu.memref_slice %arg3[%mul3A_8] : memref<320000xi32, #tpu.memory_space<hbm>> -> memref<128xi32, #tpu.memory_space<hbm>>
      tpu.enqueue_dma source(%dma_start3A_25 : memref<128xi32, #tpu.memory_space<hbm>>) target(%arg8 : memref<128xi32, #tpu.memory_space<vmem>>) target_semaphore(%run_scoped3A : memref<!tpu.dma_semaphore, #tpu.memory_space<semaphore_mem>>)
      %dma_wait3A = tpu.memref_slice %arg3[%mul3A_8] : memref<320000xi32, #tpu.memory_space<hbm>> -> memref<128xi32, #tpu.memory_space<hbm>>
      %dma_wait3A_26 = tpu.memref_slice %arg3[%mul3A_8] : memref<320000xi32, #tpu.memory_space<hbm>> -> memref<128xi32, #tpu.memory_space<hbm>>
      tpu.wait_dma2 semaphore(%run_scoped3A : memref<!tpu.dma_semaphore, #tpu.memory_space<semaphore_mem>>) src(%dma_wait3A_26 : memref<128xi32, #tpu.memory_space<hbm>>) dst(%arg8 : memref<128xi32, #tpu.memory_space<vmem>>)
      tpu.yield
    }) : () -> ()
    %dma_start3A = arith.constant 0 : i32
    %dma_start3A_9 = arith.constant 0 : i32
    %dma_start3A_10 = tpu.memref_slice %arg4[%dma_start3A, %dma_start3A_9] : memref<10000x128xf32, #tpu.memory_space<hbm>> -> memref<10000x128xf32, #tpu.memory_space<hbm>>
    tpu.enqueue_indirect_dma source(%dma_start3A_10 : memref<10000x128xf32, #tpu.memory_space<hbm>>) target(%arg9 : memref<128x128xf32, #tpu.memory_space<vmem>>) offsets(%arg7 : memref<128xi32, #tpu.memory_space<vmem>>) semaphore(%arg10 : memref<!tpu.dma_semaphore, #tpu.memory_space<semaphore_mem>>)
    %scan3A = arith.constant 0 : i32
    %scan3A_11 = arith.constant 0 : i32
    %scan3A_12 = arith.constant 40 : i32
    %scan3A_13 = arith.addi %scan3A_11, %scan3A_12 : i32
    %scan3A_14 = arith.constant 1 : i32
    scf.for %scan3A_24 = %scan3A_11 to %scan3A_13 step %scan3A_14  : i32 {
      %mul3A_25 = arith.constant 2 : i32
      %mul3A_26 = arith.muli %mul3A_25, %scan3A_24 : i32
      %mul3A_27 = arith.constant 32 : i32
      %mul3A_28 = arith.muli %mul3A_26, %mul3A_27 : i32
      %add3A_29 = arith.addi %add3A, %mul3A_28 : i32
      %add3A_30 = arith.constant 32 : i32
      %add3A_31 = arith.addi %add3A_29, %add3A_30 : i32
      %add3A_32 = arith.constant 32 : i32
      %add3A_33 = arith.addi %add3A_31, %add3A_32 : i32
      %lt3A = arith.constant 2500 : i32
      %lt3A_34 = arith.cmpi slt, %add3A_31, %lt3A : i32
      %convert_element_type3A_35 = arith.extui %lt3A_34 : i1 to i32
      %cond3A_36 = arith.constant 0 : i32
      %cond3A_37 = arith.cmpi ne, %convert_element_type3A_35, %cond3A_36 : i32
      scf.if %cond3A_37 {
        %mul3A_53 = arith.constant 128 : i32
        %mul3A_54 = arith.muli %add3A_31, %mul3A_53 : i32
        "tpu.region"() ({
          %run_scoped3A = tpu.sem_alloc : memref<!tpu.dma_semaphore, #tpu.memory_space<semaphore_mem>>
          %dma_start3A_60 = tpu.memref_slice %arg2[%mul3A_54] : memref<320000xi32, #tpu.memory_space<hbm>> -> memref<128xi32, #tpu.memory_space<hbm>>
          %dma_start3A_61 = tpu.memref_slice %arg2[%mul3A_54] : memref<320000xi32, #tpu.memory_space<hbm>> -> memref<128xi32, #tpu.memory_space<hbm>>
          tpu.enqueue_dma source(%dma_start3A_61 : memref<128xi32, #tpu.memory_space<hbm>>) target(%arg11 : memref<128xi32, #tpu.memory_space<vmem>>) target_semaphore(%run_scoped3A : memref<!tpu.dma_semaphore, #tpu.memory_space<semaphore_mem>>)
          %dma_wait3A = tpu.memref_slice %arg2[%mul3A_54] : memref<320000xi32, #tpu.memory_space<hbm>> -> memref<128xi32, #tpu.memory_space<hbm>>
          %dma_wait3A_62 = tpu.memref_slice %arg2[%mul3A_54] : memref<320000xi32, #tpu.memory_space<hbm>> -> memref<128xi32, #tpu.memory_space<hbm>>
          tpu.wait_dma2 semaphore(%run_scoped3A : memref<!tpu.dma_semaphore, #tpu.memory_space<semaphore_mem>>) src(%dma_wait3A_62 : memref<128xi32, #tpu.memory_space<hbm>>) dst(%arg11 : memref<128xi32, #tpu.memory_space<vmem>>)
          tpu.yield
        }) : () -> ()
        %mul3A_55 = arith.constant 128 : i32
        %mul3A_56 = arith.muli %add3A_31, %mul3A_55 : i32
        "tpu.region"() ({
          %run_scoped3A = tpu.sem_alloc : memref<!tpu.dma_semaphore, #tpu.memory_space<semaphore_mem>>
          %dma_start3A_60 = tpu.memref_slice %arg3[%mul3A_56] : memref<320000xi32, #tpu.memory_space<hbm>> -> memref<128xi32, #tpu.memory_space<hbm>>
          %dma_start3A_61 = tpu.memref_slice %arg3[%mul3A_56] : memref<320000xi32, #tpu.memory_space<hbm>> -> memref<128xi32, #tpu.memory_space<hbm>>
          tpu.enqueue_dma source(%dma_start3A_61 : memref<128xi32, #tpu.memory_space<hbm>>) target(%arg12 : memref<128xi32, #tpu.memory_space<vmem>>) target_semaphore(%run_scoped3A : memref<!tpu.dma_semaphore, #tpu.memory_space<semaphore_mem>>)
          %dma_wait3A = tpu.memref_slice %arg3[%mul3A_56] : memref<320000xi32, #tpu.memory_space<hbm>> -> memref<128xi32, #tpu.memory_space<hbm>>
          %dma_wait3A_62 = tpu.memref_slice %arg3[%mul3A_56] : memref<320000xi32, #tpu.memory_space<hbm>> -> memref<128xi32, #tpu.memory_space<hbm>>
          tpu.wait_dma2 semaphore(%run_scoped3A : memref<!tpu.dma_semaphore, #tpu.memory_space<semaphore_mem>>) src(%dma_wait3A_62 : memref<128xi32, #tpu.memory_space<hbm>>) dst(%arg12 : memref<128xi32, #tpu.memory_space<vmem>>)
          tpu.yield
        }) : () -> ()
        %dma_start3A_57 = arith.constant 0 : i32
        %dma_start3A_58 = arith.constant 0 : i32
        %dma_start3A_59 = tpu.memref_slice %arg4[%dma_start3A_57, %dma_start3A_58] : memref<10000x128xf32, #tpu.memory_space<hbm>> -> memref<10000x128xf32, #tpu.memory_space<hbm>>
        tpu.enqueue_indirect_dma source(%dma_start3A_59 : memref<10000x128xf32, #tpu.memory_space<hbm>>) target(%arg13 : memref<128x128xf32, #tpu.memory_space<vmem>>) offsets(%arg11 : memref<128xi32, #tpu.memory_space<vmem>>) semaphore(%arg14 : memref<!tpu.dma_semaphore, #tpu.memory_space<semaphore_mem>>)
      } else {
      }
      %lt3A_38 = arith.constant 2500 : i32
      %lt3A_39 = arith.cmpi slt, %add3A_29, %lt3A_38 : i32
      %convert_element_type3A_40 = arith.extui %lt3A_39 : i1 to i32
      %cond3A_41 = arith.constant 0 : i32
      %cond3A_42 = arith.cmpi ne, %convert_element_type3A_40, %cond3A_41 : i32
      scf.if %cond3A_42 {
        %dma_wait3A = arith.constant 0 : i32
        %dma_wait3A_53 = arith.constant 0 : i32
        %dma_wait3A_54 = tpu.memref_slice %arg4[%dma_wait3A, %dma_wait3A_53] : memref<10000x128xf32, #tpu.memory_space<hbm>> -> memref<10000x128xf32, #tpu.memory_space<hbm>>
        tpu.wait_indirect_dma semaphore(%arg10 : memref<!tpu.dma_semaphore, #tpu.memory_space<semaphore_mem>>) src(%dma_wait3A_54 : memref<10000x128xf32, #tpu.memory_space<hbm>>) dst(%arg9 : memref<128x128xf32, #tpu.memory_space<vmem>>)
        "tpu.region"() ({
          %run_scoped3A = tpu.sem_alloc : memref<!tpu.dma_semaphore, #tpu.memory_space<semaphore_mem>>
          %dma_start3A_55 = arith.constant 0 : i32
          %dma_start3A_56 = arith.constant 0 : i32
          %dma_start3A_57 = tpu.memref_slice %arg15[%dma_start3A_55, %dma_start3A_56] : memref<10000x128xf32, #tpu.memory_space<vmem_shared>> -> memref<10000x128xf32, #tpu.memory_space<vmem_shared>>
          tpu.enqueue_indirect_dma source(%arg9 : memref<128x128xf32, #tpu.memory_space<vmem>>) target(%dma_start3A_57 : memref<10000x128xf32, #tpu.memory_space<vmem_shared>>) offsets(%arg8 : memref<128xi32, #tpu.memory_space<vmem>>) semaphore(%run_scoped3A : memref<!tpu.dma_semaphore, #tpu.memory_space<semaphore_mem>>) {add = true}
          %dma_wait3A_58 = arith.constant 0 : i32
          %dma_wait3A_59 = arith.constant 0 : i32
          %dma_wait3A_60 = tpu.memref_slice %arg15[%dma_wait3A_58, %dma_wait3A_59] : memref<10000x128xf32, #tpu.memory_space<vmem_shared>> -> memref<10000x128xf32, #tpu.memory_space<vmem_shared>>
          tpu.wait_indirect_dma semaphore(%run_scoped3A : memref<!tpu.dma_semaphore, #tpu.memory_space<semaphore_mem>>) src(%arg9 : memref<128x128xf32, #tpu.memory_space<vmem>>) dst(%dma_wait3A_60 : memref<10000x128xf32, #tpu.memory_space<vmem_shared>>)
          tpu.yield
        }) : () -> ()
      } else {
      }
      %lt3A_43 = arith.constant 2500 : i32
      %lt3A_44 = arith.cmpi slt, %add3A_33, %lt3A_43 : i32
      %convert_element_type3A_45 = arith.extui %lt3A_44 : i1 to i32
      %cond3A_46 = arith.constant 0 : i32
      %cond3A_47 = arith.cmpi ne, %convert_element_type3A_45, %cond3A_46 : i32
      scf.if %cond3A_47 {
        %mul3A_53 = arith.constant 128 : i32
        %mul3A_54 = arith.muli %add3A_33, %mul3A_53 : i32
        "tpu.region"() ({
          %run_scoped3A = tpu.sem_alloc : memref<!tpu.dma_semaphore, #tpu.memory_space<semaphore_mem>>
          %dma_start3A_60 = tpu.memref_slice %arg2[%mul3A_54] : memref<320000xi32, #tpu.memory_space<hbm>> -> memref<128xi32, #tpu.memory_space<hbm>>
          %dma_start3A_61 = tpu.memref_slice %arg2[%mul3A_54] : memref<320000xi32, #tpu.memory_space<hbm>> -> memref<128xi32, #tpu.memory_space<hbm>>
          tpu.enqueue_dma source(%dma_start3A_61 : memref<128xi32, #tpu.memory_space<hbm>>) target(%arg7 : memref<128xi32, #tpu.memory_space<vmem>>) target_semaphore(%run_scoped3A : memref<!tpu.dma_semaphore, #tpu.memory_space<semaphore_mem>>)
          %dma_wait3A = tpu.memref_slice %arg2[%mul3A_54] : memref<320000xi32, #tpu.memory_space<hbm>> -> memref<128xi32, #tpu.memory_space<hbm>>
          %dma_wait3A_62 = tpu.memref_slice %arg2[%mul3A_54] : memref<320000xi32, #tpu.memory_space<hbm>> -> memref<128xi32, #tpu.memory_space<hbm>>
          tpu.wait_dma2 semaphore(%run_scoped3A : memref<!tpu.dma_semaphore, #tpu.memory_space<semaphore_mem>>) src(%dma_wait3A_62 : memref<128xi32, #tpu.memory_space<hbm>>) dst(%arg7 : memref<128xi32, #tpu.memory_space<vmem>>)
          tpu.yield
        }) : () -> ()
        %mul3A_55 = arith.constant 128 : i32
        %mul3A_56 = arith.muli %add3A_33, %mul3A_55 : i32
        "tpu.region"() ({
          %run_scoped3A = tpu.sem_alloc : memref<!tpu.dma_semaphore, #tpu.memory_space<semaphore_mem>>
          %dma_start3A_60 = tpu.memref_slice %arg3[%mul3A_56] : memref<320000xi32, #tpu.memory_space<hbm>> -> memref<128xi32, #tpu.memory_space<hbm>>
          %dma_start3A_61 = tpu.memref_slice %arg3[%mul3A_56] : memref<320000xi32, #tpu.memory_space<hbm>> -> memref<128xi32, #tpu.memory_space<hbm>>
          tpu.enqueue_dma source(%dma_start3A_61 : memref<128xi32, #tpu.memory_space<hbm>>) target(%arg8 : memref<128xi32, #tpu.memory_space<vmem>>) target_semaphore(%run_scoped3A : memref<!tpu.dma_semaphore, #tpu.memory_space<semaphore_mem>>)
          %dma_wait3A = tpu.memref_slice %arg3[%mul3A_56] : memref<320000xi32, #tpu.memory_space<hbm>> -> memref<128xi32, #tpu.memory_space<hbm>>
          %dma_wait3A_62 = tpu.memref_slice %arg3[%mul3A_56] : memref<320000xi32, #tpu.memory_space<hbm>> -> memref<128xi32, #tpu.memory_space<hbm>>
          tpu.wait_dma2 semaphore(%run_scoped3A : memref<!tpu.dma_semaphore, #tpu.memory_space<semaphore_mem>>) src(%dma_wait3A_62 : memref<128xi32, #tpu.memory_space<hbm>>) dst(%arg8 : memref<128xi32, #tpu.memory_space<vmem>>)
          tpu.yield
        }) : () -> ()
        %dma_start3A_57 = arith.constant 0 : i32
        %dma_start3A_58 = arith.constant 0 : i32
        %dma_start3A_59 = tpu.memref_slice %arg4[%dma_start3A_57, %dma_start3A_58] : memref<10000x128xf32, #tpu.memory_space<hbm>> -> memref<10000x128xf32, #tpu.memory_space<hbm>>
        tpu.enqueue_indirect_dma source(%dma_start3A_59 : memref<10000x128xf32, #tpu.memory_space<hbm>>) target(%arg9 : memref<128x128xf32, #tpu.memory_space<vmem>>) offsets(%arg7 : memref<128xi32, #tpu.memory_space<vmem>>) semaphore(%arg10 : memref<!tpu.dma_semaphore, #tpu.memory_space<semaphore_mem>>)
      } else {
      }
      %lt3A_48 = arith.constant 2500 : i32
      %lt3A_49 = arith.cmpi slt, %add3A_31, %lt3A_48 : i32
      %convert_element_type3A_50 = arith.extui %lt3A_49 : i1 to i32
      %cond3A_51 = arith.constant 0 : i32
      %cond3A_52 = arith.cmpi ne, %convert_element_type3A_50, %cond3A_51 : i32
      scf.if %cond3A_52 {
        %dma_wait3A = arith.constant 0 : i32
        %dma_wait3A_53 = arith.constant 0 : i32
        %dma_wait3A_54 = tpu.memref_slice %arg4[%dma_wait3A, %dma_wait3A_53] : memref<10000x128xf32, #tpu.memory_space<hbm>> -> memref<10000x128xf32, #tpu.memory_space<hbm>>
        tpu.wait_indirect_dma semaphore(%arg14 : memref<!tpu.dma_semaphore, #tpu.memory_space<semaphore_mem>>) src(%dma_wait3A_54 : memref<10000x128xf32, #tpu.memory_space<hbm>>) dst(%arg13 : memref<128x128xf32, #tpu.memory_space<vmem>>)
        "tpu.region"() ({
          %run_scoped3A = tpu.sem_alloc : memref<!tpu.dma_semaphore, #tpu.memory_space<semaphore_mem>>
          %dma_start3A_55 = arith.constant 0 : i32
          %dma_start3A_56 = arith.constant 0 : i32
          %dma_start3A_57 = tpu.memref_slice %arg15[%dma_start3A_55, %dma_start3A_56] : memref<10000x128xf32, #tpu.memory_space<vmem_shared>> -> memref<10000x128xf32, #tpu.memory_space<vmem_shared>>
          tpu.enqueue_indirect_dma source(%arg13 : memref<128x128xf32, #tpu.memory_space<vmem>>) target(%dma_start3A_57 : memref<10000x128xf32, #tpu.memory_space<vmem_shared>>) offsets(%arg12 : memref<128xi32, #tpu.memory_space<vmem>>) semaphore(%run_scoped3A : memref<!tpu.dma_semaphore, #tpu.memory_space<semaphore_mem>>) {add = true}
          %dma_wait3A_58 = arith.constant 0 : i32
          %dma_wait3A_59 = arith.constant 0 : i32
          %dma_wait3A_60 = tpu.memref_slice %arg15[%dma_wait3A_58, %dma_wait3A_59] : memref<10000x128xf32, #tpu.memory_space<vmem_shared>> -> memref<10000x128xf32, #tpu.memory_space<vmem_shared>>
          tpu.wait_indirect_dma semaphore(%run_scoped3A : memref<!tpu.dma_semaphore, #tpu.memory_space<semaphore_mem>>) src(%arg13 : memref<128x128xf32, #tpu.memory_space<vmem>>) dst(%dma_wait3A_60 : memref<10000x128xf32, #tpu.memory_space<vmem_shared>>)
          tpu.yield
        }) : () -> ()
      } else {
      }
    }
    %scan3A_15 = arith.constant 40 : i32
    %barrier3A_16 = arith.constant 0 : index
    tpu.barrier barrier_id(%barrier3A_16)
    %mul3A_17 = arith.constant 624 : i32
    %mul3A_18 = arith.muli %arg1, %mul3A_17 : i32
    "tpu.region"() ({
      %run_scoped3A = tpu.sem_alloc : memref<!tpu.dma_semaphore, #tpu.memory_space<semaphore_mem>>
      %dma_start3A_24 = arith.constant 0 : i32
      %dma_start3A_25 = tpu.memref_slice %arg6[%arg0, %mul3A_18, %dma_start3A_24] : memref<2x10000x128xf32, #tpu.memory_space<hbm>> -> memref<1x624x128xf32, #tpu.memory_space<hbm>>
      %dma_start3A_26 = tpu.memref_squeeze %dma_start3A_25 : memref<1x624x128xf32, #tpu.memory_space<hbm>> -> memref<624x128xf32, #tpu.memory_space<hbm>>
      %dma_start3A_27 = arith.constant 0 : i32
      %dma_start3A_28 = tpu.memref_slice %arg15[%mul3A_18, %dma_start3A_27] : memref<10000x128xf32, #tpu.memory_space<vmem_shared>> -> memref<624x128xf32, #tpu.memory_space<vmem_shared>>
      tpu.enqueue_dma source(%dma_start3A_28 : memref<624x128xf32, #tpu.memory_space<vmem_shared>>) target(%dma_start3A_26 : memref<624x128xf32, #tpu.memory_space<hbm>>) target_semaphore(%run_scoped3A : memref<!tpu.dma_semaphore, #tpu.memory_space<semaphore_mem>>)
      %dma_wait3A = arith.constant 0 : i32
      %dma_wait3A_29 = tpu.memref_slice %arg6[%arg0, %mul3A_18, %dma_wait3A] : memref<2x10000x128xf32, #tpu.memory_space<hbm>> -> memref<1x624x128xf32, #tpu.memory_space<hbm>>
      %dma_wait3A_30 = tpu.memref_squeeze %dma_wait3A_29 : memref<1x624x128xf32, #tpu.memory_space<hbm>> -> memref<624x128xf32, #tpu.memory_space<hbm>>
      %dma_wait3A_31 = arith.constant 0 : i32
      %dma_wait3A_32 = tpu.memref_slice %arg15[%mul3A_18, %dma_wait3A_31] : memref<10000x128xf32, #tpu.memory_space<vmem_shared>> -> memref<624x128xf32, #tpu.memory_space<vmem_shared>>
      tpu.wait_dma2 semaphore(%run_scoped3A : memref<!tpu.dma_semaphore, #tpu.memory_space<semaphore_mem>>) src(%dma_wait3A_32 : memref<624x128xf32, #tpu.memory_space<vmem_shared>>) dst(%dma_wait3A_30 : memref<624x128xf32, #tpu.memory_space<hbm>>)
      tpu.yield
    }) : () -> ()
    %eq3A_19 = arith.constant 0 : i32
    %eq3A_20 = arith.cmpi eq, %arg1, %eq3A_19 : i32
    %convert_element_type3A_21 = arith.extui %eq3A_20 : i1 to i32
    %cond3A_22 = arith.constant 0 : i32
    %cond3A_23 = arith.cmpi ne, %convert_element_type3A_21, %cond3A_22 : i32
    scf.if %cond3A_23 {
      "tpu.region"() ({
        %run_scoped3A = tpu.sem_alloc : memref<!tpu.dma_semaphore, #tpu.memory_space<semaphore_mem>>
        %dma_start3A_24 = arith.constant 9984 : i32
        %dma_start3A_25 = arith.constant 0 : i32
        %dma_start3A_26 = tpu.memref_slice %arg6[%arg0, %dma_start3A_24, %dma_start3A_25] : memref<2x10000x128xf32, #tpu.memory_space<hbm>> -> memref<1x16x128xf32, #tpu.memory_space<hbm>>
        %dma_start3A_27 = tpu.memref_squeeze %dma_start3A_26 : memref<1x16x128xf32, #tpu.memory_space<hbm>> -> memref<16x128xf32, #tpu.memory_space<hbm>>
        %dma_start3A_28 = arith.constant 9984 : i32
        %dma_start3A_29 = arith.constant 0 : i32
        %dma_start3A_30 = tpu.memref_slice %arg15[%dma_start3A_28, %dma_start3A_29] : memref<10000x128xf32, #tpu.memory_space<vmem_shared>> -> memref<16x128xf32, #tpu.memory_space<vmem_shared>>
        tpu.enqueue_dma source(%dma_start3A_30 : memref<16x128xf32, #tpu.memory_space<vmem_shared>>) target(%dma_start3A_27 : memref<16x128xf32, #tpu.memory_space<hbm>>) target_semaphore(%run_scoped3A : memref<!tpu.dma_semaphore, #tpu.memory_space<semaphore_mem>>)
        %dma_wait3A = arith.constant 9984 : i32
        %dma_wait3A_31 = arith.constant 0 : i32
        %dma_wait3A_32 = tpu.memref_slice %arg6[%arg0, %dma_wait3A, %dma_wait3A_31] : memref<2x10000x128xf32, #tpu.memory_space<hbm>> -> memref<1x16x128xf32, #tpu.memory_space<hbm>>
        %dma_wait3A_33 = tpu.memref_squeeze %dma_wait3A_32 : memref<1x16x128xf32, #tpu.memory_space<hbm>> -> memref<16x128xf32, #tpu.memory_space<hbm>>
        %dma_wait3A_34 = arith.constant 9984 : i32
        %dma_wait3A_35 = arith.constant 0 : i32
        %dma_wait3A_36 = tpu.memref_slice %arg15[%dma_wait3A_34, %dma_wait3A_35] : memref<10000x128xf32, #tpu.memory_space<vmem_shared>> -> memref<16x128xf32, #tpu.memory_space<vmem_shared>>
        tpu.wait_dma2 semaphore(%run_scoped3A : memref<!tpu.dma_semaphore, #tpu.memory_space<semaphore_mem>>) src(%dma_wait3A_36 : memref<16x128xf32, #tpu.memory_space<vmem_shared>>) dst(%dma_wait3A_33 : memref<16x128xf32, #tpu.memory_space<hbm>>)
        tpu.yield
      }) : () -> ()
    } else {
    }
    return
  }
}

#map = affine_map<(d0, d1) -> (0)>
#map1 = affine_map<(d0, d1) -> (0, 0)>
#map2 = affine_map<(d0, d1) -> (0, 0, 0)>
module attributes {stable_mosaic.version = 14 : i64} {
  func.func @_agg_body(%arg0: i32, %arg1: i32, %arg2: memref<320000xi32, #tpu.memory_space<hbm>>, %arg3: memref<320000xi32, #tpu.memory_space<hbm>>, %arg4: memref<10000x128xf32, #tpu.memory_space<hbm>>, %arg5: memref<10000x128xf32, #tpu.memory_space<hbm>>, %arg6: memref<2x10000x128xf32, #tpu.memory_space<hbm>>, %arg7: memref<128xi32, #tpu.memory_space<vmem>>, %arg8: memref<128xi32, #tpu.memory_space<vmem>>, %arg9: memref<128x128xf32, #tpu.memory_space<vmem>>, %arg10: memref<!tpu.dma_semaphore, #tpu.memory_space<semaphore_mem>>, %arg11: memref<128xi32, #tpu.memory_space<vmem>>, %arg12: memref<128xi32, #tpu.memory_space<vmem>>, %arg13: memref<128x128xf32, #tpu.memory_space<vmem>>, %arg14: memref<!tpu.dma_semaphore, #tpu.memory_space<semaphore_mem>>, %arg15: memref<10000x128xf32, #tpu.memory_space<vmem_shared>>) attributes {dimension_semantics = [#tpu.dimension_semantics<core_parallel>, #tpu.dimension_semantics<subcore_parallel>], iteration_bounds = array<i64: 2, 16>, scalar_prefetch = 0 : i64, scratch_operands = 9 : i64, tpu.core_type = #tpu.core_type<sc_vector_subcore>, window_params = [{transform_indices = #map}, {transform_indices = #map}, {transform_indices = #map1}, {transform_indices = #map1}, {transform_indices = #map2}]} {
    %mul3A = arith.constant 16 : i32
    %mul3A_0 = arith.muli %arg0, %mul3A : i32
    %add3A = arith.addi %mul3A_0, %arg1 : i32
    %mul3A_1 = arith.constant 624 : i32
    %mul3A_2 = arith.muli %arg1, %mul3A_1 : i32
    "tpu.region"() ({
      %run_scoped3A = tpu.sem_alloc : memref<!tpu.dma_semaphore, #tpu.memory_space<semaphore_mem>>
      %dma_start3A_24 = arith.constant 0 : i32
      %dma_start3A_25 = tpu.memref_slice %arg15[%mul3A_2, %dma_start3A_24] : memref<10000x128xf32, #tpu.memory_space<vmem_shared>> -> memref<624x128xf32, #tpu.memory_space<vmem_shared>>
      %dma_start3A_26 = arith.constant 0 : i32
      %dma_start3A_27 = tpu.memref_slice %arg5[%mul3A_2, %dma_start3A_26] : memref<10000x128xf32, #tpu.memory_space<hbm>> -> memref<624x128xf32, #tpu.memory_space<hbm>>
      tpu.enqueue_dma source(%dma_start3A_27 : memref<624x128xf32, #tpu.memory_space<hbm>>) target(%dma_start3A_25 : memref<624x128xf32, #tpu.memory_space<vmem_shared>>) target_semaphore(%run_scoped3A : memref<!tpu.dma_semaphore, #tpu.memory_space<semaphore_mem>>)
      %dma_wait3A = arith.constant 0 : i32
      %dma_wait3A_28 = tpu.memref_slice %arg15[%mul3A_2, %dma_wait3A] : memref<10000x128xf32, #tpu.memory_space<vmem_shared>> -> memref<624x128xf32, #tpu.memory_space<vmem_shared>>
      %dma_wait3A_29 = arith.constant 0 : i32
      %dma_wait3A_30 = tpu.memref_slice %arg5[%mul3A_2, %dma_wait3A_29] : memref<10000x128xf32, #tpu.memory_space<hbm>> -> memref<624x128xf32, #tpu.memory_space<hbm>>
      tpu.wait_dma2 semaphore(%run_scoped3A : memref<!tpu.dma_semaphore, #tpu.memory_space<semaphore_mem>>) src(%dma_wait3A_30 : memref<624x128xf32, #tpu.memory_space<hbm>>) dst(%dma_wait3A_28 : memref<624x128xf32, #tpu.memory_space<vmem_shared>>)
      tpu.yield
    }) : () -> ()
    %eq3A = arith.constant 0 : i32
    %eq3A_3 = arith.cmpi eq, %arg1, %eq3A : i32
    %convert_element_type3A = arith.extui %eq3A_3 : i1 to i32
    %cond3A = arith.constant 0 : i32
    %cond3A_4 = arith.cmpi ne, %convert_element_type3A, %cond3A : i32
    scf.if %cond3A_4 {
      "tpu.region"() ({
        %run_scoped3A = tpu.sem_alloc : memref<!tpu.dma_semaphore, #tpu.memory_space<semaphore_mem>>
        %dma_start3A_24 = arith.constant 9984 : i32
        %dma_start3A_25 = arith.constant 0 : i32
        %dma_start3A_26 = tpu.memref_slice %arg15[%dma_start3A_24, %dma_start3A_25] : memref<10000x128xf32, #tpu.memory_space<vmem_shared>> -> memref<16x128xf32, #tpu.memory_space<vmem_shared>>
        %dma_start3A_27 = arith.constant 9984 : i32
        %dma_start3A_28 = arith.constant 0 : i32
        %dma_start3A_29 = tpu.memref_slice %arg5[%dma_start3A_27, %dma_start3A_28] : memref<10000x128xf32, #tpu.memory_space<hbm>> -> memref<16x128xf32, #tpu.memory_space<hbm>>
        tpu.enqueue_dma source(%dma_start3A_29 : memref<16x128xf32, #tpu.memory_space<hbm>>) target(%dma_start3A_26 : memref<16x128xf32, #tpu.memory_space<vmem_shared>>) target_semaphore(%run_scoped3A : memref<!tpu.dma_semaphore, #tpu.memory_space<semaphore_mem>>)
        %dma_wait3A = arith.constant 9984 : i32
        %dma_wait3A_30 = arith.constant 0 : i32
        %dma_wait3A_31 = tpu.memref_slice %arg15[%dma_wait3A, %dma_wait3A_30] : memref<10000x128xf32, #tpu.memory_space<vmem_shared>> -> memref<16x128xf32, #tpu.memory_space<vmem_shared>>
        %dma_wait3A_32 = arith.constant 9984 : i32
        %dma_wait3A_33 = arith.constant 0 : i32
        %dma_wait3A_34 = tpu.memref_slice %arg5[%dma_wait3A_32, %dma_wait3A_33] : memref<10000x128xf32, #tpu.memory_space<hbm>> -> memref<16x128xf32, #tpu.memory_space<hbm>>
        tpu.wait_dma2 semaphore(%run_scoped3A : memref<!tpu.dma_semaphore, #tpu.memory_space<semaphore_mem>>) src(%dma_wait3A_34 : memref<16x128xf32, #tpu.memory_space<hbm>>) dst(%dma_wait3A_31 : memref<16x128xf32, #tpu.memory_space<vmem_shared>>)
        tpu.yield
      }) : () -> ()
    } else {
    }
    %barrier3A = arith.constant 0 : index
    tpu.barrier barrier_id(%barrier3A)
    %mul3A_5 = arith.constant 128 : i32
    %mul3A_6 = arith.muli %add3A, %mul3A_5 : i32
    "tpu.region"() ({
      %run_scoped3A = tpu.sem_alloc : memref<!tpu.dma_semaphore, #tpu.memory_space<semaphore_mem>>
      %dma_start3A_24 = tpu.memref_slice %arg2[%mul3A_6] : memref<320000xi32, #tpu.memory_space<hbm>> -> memref<128xi32, #tpu.memory_space<hbm>>
      %dma_start3A_25 = tpu.memref_slice %arg2[%mul3A_6] : memref<320000xi32, #tpu.memory_space<hbm>> -> memref<128xi32, #tpu.memory_space<hbm>>
      tpu.enqueue_dma source(%dma_start3A_25 : memref<128xi32, #tpu.memory_space<hbm>>) target(%arg7 : memref<128xi32, #tpu.memory_space<vmem>>) target_semaphore(%run_scoped3A : memref<!tpu.dma_semaphore, #tpu.memory_space<semaphore_mem>>)
      %dma_wait3A = tpu.memref_slice %arg2[%mul3A_6] : memref<320000xi32, #tpu.memory_space<hbm>> -> memref<128xi32, #tpu.memory_space<hbm>>
      %dma_wait3A_26 = tpu.memref_slice %arg2[%mul3A_6] : memref<320000xi32, #tpu.memory_space<hbm>> -> memref<128xi32, #tpu.memory_space<hbm>>
      tpu.wait_dma2 semaphore(%run_scoped3A : memref<!tpu.dma_semaphore, #tpu.memory_space<semaphore_mem>>) src(%dma_wait3A_26 : memref<128xi32, #tpu.memory_space<hbm>>) dst(%arg7 : memref<128xi32, #tpu.memory_space<vmem>>)
      tpu.yield
    }) : () -> ()
    %mul3A_7 = arith.constant 128 : i32
    %mul3A_8 = arith.muli %add3A, %mul3A_7 : i32
    "tpu.region"() ({
      %run_scoped3A = tpu.sem_alloc : memref<!tpu.dma_semaphore, #tpu.memory_space<semaphore_mem>>
      %dma_start3A_24 = tpu.memref_slice %arg3[%mul3A_8] : memref<320000xi32, #tpu.memory_space<hbm>> -> memref<128xi32, #tpu.memory_space<hbm>>
      %dma_start3A_25 = tpu.memref_slice %arg3[%mul3A_8] : memref<320000xi32, #tpu.memory_space<hbm>> -> memref<128xi32, #tpu.memory_space<hbm>>
      tpu.enqueue_dma source(%dma_start3A_25 : memref<128xi32, #tpu.memory_space<hbm>>) target(%arg8 : memref<128xi32, #tpu.memory_space<vmem>>) target_semaphore(%run_scoped3A : memref<!tpu.dma_semaphore, #tpu.memory_space<semaphore_mem>>)
      %dma_wait3A = tpu.memref_slice %arg3[%mul3A_8] : memref<320000xi32, #tpu.memory_space<hbm>> -> memref<128xi32, #tpu.memory_space<hbm>>
      %dma_wait3A_26 = tpu.memref_slice %arg3[%mul3A_8] : memref<320000xi32, #tpu.memory_space<hbm>> -> memref<128xi32, #tpu.memory_space<hbm>>
      tpu.wait_dma2 semaphore(%run_scoped3A : memref<!tpu.dma_semaphore, #tpu.memory_space<semaphore_mem>>) src(%dma_wait3A_26 : memref<128xi32, #tpu.memory_space<hbm>>) dst(%arg8 : memref<128xi32, #tpu.memory_space<vmem>>)
      tpu.yield
    }) : () -> ()
    %dma_start3A = arith.constant 0 : i32
    %dma_start3A_9 = arith.constant 0 : i32
    %dma_start3A_10 = tpu.memref_slice %arg4[%dma_start3A, %dma_start3A_9] : memref<10000x128xf32, #tpu.memory_space<hbm>> -> memref<10000x128xf32, #tpu.memory_space<hbm>>
    tpu.enqueue_indirect_dma source(%dma_start3A_10 : memref<10000x128xf32, #tpu.memory_space<hbm>>) target(%arg9 : memref<128x128xf32, #tpu.memory_space<vmem>>) offsets(%arg7 : memref<128xi32, #tpu.memory_space<vmem>>) semaphore(%arg10 : memref<!tpu.dma_semaphore, #tpu.memory_space<semaphore_mem>>)
    %scan3A = arith.constant 0 : i32
    %scan3A_11 = arith.constant 0 : i32
    %scan3A_12 = arith.constant 40 : i32
    %scan3A_13 = arith.addi %scan3A_11, %scan3A_12 : i32
    %scan3A_14 = arith.constant 1 : i32
    scf.for %scan3A_24 = %scan3A_11 to %scan3A_13 step %scan3A_14  : i32 {
      %mul3A_25 = arith.constant 2 : i32
      %mul3A_26 = arith.muli %mul3A_25, %scan3A_24 : i32
      %mul3A_27 = arith.constant 32 : i32
      %mul3A_28 = arith.muli %mul3A_26, %mul3A_27 : i32
      %add3A_29 = arith.addi %add3A, %mul3A_28 : i32
      %add3A_30 = arith.constant 32 : i32
      %add3A_31 = arith.addi %add3A_29, %add3A_30 : i32
      %add3A_32 = arith.constant 32 : i32
      %add3A_33 = arith.addi %add3A_31, %add3A_32 : i32
      %lt3A = arith.constant 2500 : i32
      %lt3A_34 = arith.cmpi slt, %add3A_31, %lt3A : i32
      %convert_element_type3A_35 = arith.extui %lt3A_34 : i1 to i32
      %cond3A_36 = arith.constant 0 : i32
      %cond3A_37 = arith.cmpi ne, %convert_element_type3A_35, %cond3A_36 : i32
      scf.if %cond3A_37 {
        %mul3A_53 = arith.constant 128 : i32
        %mul3A_54 = arith.muli %add3A_31, %mul3A_53 : i32
        "tpu.region"() ({
          %run_scoped3A = tpu.sem_alloc : memref<!tpu.dma_semaphore, #tpu.memory_space<semaphore_mem>>
          %dma_start3A_60 = tpu.memref_slice %arg2[%mul3A_54] : memref<320000xi32, #tpu.memory_space<hbm>> -> memref<128xi32, #tpu.memory_space<hbm>>
          %dma_start3A_61 = tpu.memref_slice %arg2[%mul3A_54] : memref<320000xi32, #tpu.memory_space<hbm>> -> memref<128xi32, #tpu.memory_space<hbm>>
          tpu.enqueue_dma source(%dma_start3A_61 : memref<128xi32, #tpu.memory_space<hbm>>) target(%arg11 : memref<128xi32, #tpu.memory_space<vmem>>) target_semaphore(%run_scoped3A : memref<!tpu.dma_semaphore, #tpu.memory_space<semaphore_mem>>)
          %dma_wait3A = tpu.memref_slice %arg2[%mul3A_54] : memref<320000xi32, #tpu.memory_space<hbm>> -> memref<128xi32, #tpu.memory_space<hbm>>
          %dma_wait3A_62 = tpu.memref_slice %arg2[%mul3A_54] : memref<320000xi32, #tpu.memory_space<hbm>> -> memref<128xi32, #tpu.memory_space<hbm>>
          tpu.wait_dma2 semaphore(%run_scoped3A : memref<!tpu.dma_semaphore, #tpu.memory_space<semaphore_mem>>) src(%dma_wait3A_62 : memref<128xi32, #tpu.memory_space<hbm>>) dst(%arg11 : memref<128xi32, #tpu.memory_space<vmem>>)
          tpu.yield
        }) : () -> ()
        %mul3A_55 = arith.constant 128 : i32
        %mul3A_56 = arith.muli %add3A_31, %mul3A_55 : i32
        "tpu.region"() ({
          %run_scoped3A = tpu.sem_alloc : memref<!tpu.dma_semaphore, #tpu.memory_space<semaphore_mem>>
          %dma_start3A_60 = tpu.memref_slice %arg3[%mul3A_56] : memref<320000xi32, #tpu.memory_space<hbm>> -> memref<128xi32, #tpu.memory_space<hbm>>
          %dma_start3A_61 = tpu.memref_slice %arg3[%mul3A_56] : memref<320000xi32, #tpu.memory_space<hbm>> -> memref<128xi32, #tpu.memory_space<hbm>>
          tpu.enqueue_dma source(%dma_start3A_61 : memref<128xi32, #tpu.memory_space<hbm>>) target(%arg12 : memref<128xi32, #tpu.memory_space<vmem>>) target_semaphore(%run_scoped3A : memref<!tpu.dma_semaphore, #tpu.memory_space<semaphore_mem>>)
          %dma_wait3A = tpu.memref_slice %arg3[%mul3A_56] : memref<320000xi32, #tpu.memory_space<hbm>> -> memref<128xi32, #tpu.memory_space<hbm>>
          %dma_wait3A_62 = tpu.memref_slice %arg3[%mul3A_56] : memref<320000xi32, #tpu.memory_space<hbm>> -> memref<128xi32, #tpu.memory_space<hbm>>
          tpu.wait_dma2 semaphore(%run_scoped3A : memref<!tpu.dma_semaphore, #tpu.memory_space<semaphore_mem>>) src(%dma_wait3A_62 : memref<128xi32, #tpu.memory_space<hbm>>) dst(%arg12 : memref<128xi32, #tpu.memory_space<vmem>>)
          tpu.yield
        }) : () -> ()
        %dma_start3A_57 = arith.constant 0 : i32
        %dma_start3A_58 = arith.constant 0 : i32
        %dma_start3A_59 = tpu.memref_slice %arg4[%dma_start3A_57, %dma_start3A_58] : memref<10000x128xf32, #tpu.memory_space<hbm>> -> memref<10000x128xf32, #tpu.memory_space<hbm>>
        tpu.enqueue_indirect_dma source(%dma_start3A_59 : memref<10000x128xf32, #tpu.memory_space<hbm>>) target(%arg13 : memref<128x128xf32, #tpu.memory_space<vmem>>) offsets(%arg11 : memref<128xi32, #tpu.memory_space<vmem>>) semaphore(%arg14 : memref<!tpu.dma_semaphore, #tpu.memory_space<semaphore_mem>>)
      } else {
      }
      %lt3A_38 = arith.constant 2500 : i32
      %lt3A_39 = arith.cmpi slt, %add3A_29, %lt3A_38 : i32
      %convert_element_type3A_40 = arith.extui %lt3A_39 : i1 to i32
      %cond3A_41 = arith.constant 0 : i32
      %cond3A_42 = arith.cmpi ne, %convert_element_type3A_40, %cond3A_41 : i32
      scf.if %cond3A_42 {
        %dma_wait3A = arith.constant 0 : i32
        %dma_wait3A_53 = arith.constant 0 : i32
        %dma_wait3A_54 = tpu.memref_slice %arg4[%dma_wait3A, %dma_wait3A_53] : memref<10000x128xf32, #tpu.memory_space<hbm>> -> memref<10000x128xf32, #tpu.memory_space<hbm>>
        tpu.wait_indirect_dma semaphore(%arg10 : memref<!tpu.dma_semaphore, #tpu.memory_space<semaphore_mem>>) src(%dma_wait3A_54 : memref<10000x128xf32, #tpu.memory_space<hbm>>) dst(%arg9 : memref<128x128xf32, #tpu.memory_space<vmem>>)
        "tpu.region"() ({
          %run_scoped3A = tpu.sem_alloc : memref<!tpu.dma_semaphore, #tpu.memory_space<semaphore_mem>>
          %dma_start3A_55 = arith.constant 0 : i32
          %dma_start3A_56 = arith.constant 0 : i32
          %dma_start3A_57 = tpu.memref_slice %arg15[%dma_start3A_55, %dma_start3A_56] : memref<10000x128xf32, #tpu.memory_space<vmem_shared>> -> memref<10000x128xf32, #tpu.memory_space<vmem_shared>>
          tpu.enqueue_indirect_dma source(%arg9 : memref<128x128xf32, #tpu.memory_space<vmem>>) target(%dma_start3A_57 : memref<10000x128xf32, #tpu.memory_space<vmem_shared>>) offsets(%arg8 : memref<128xi32, #tpu.memory_space<vmem>>) semaphore(%run_scoped3A : memref<!tpu.dma_semaphore, #tpu.memory_space<semaphore_mem>>) {add = true}
          %dma_wait3A_58 = arith.constant 0 : i32
          %dma_wait3A_59 = arith.constant 0 : i32
          %dma_wait3A_60 = tpu.memref_slice %arg15[%dma_wait3A_58, %dma_wait3A_59] : memref<10000x128xf32, #tpu.memory_space<vmem_shared>> -> memref<10000x128xf32, #tpu.memory_space<vmem_shared>>
          tpu.wait_indirect_dma semaphore(%run_scoped3A : memref<!tpu.dma_semaphore, #tpu.memory_space<semaphore_mem>>) src(%arg9 : memref<128x128xf32, #tpu.memory_space<vmem>>) dst(%dma_wait3A_60 : memref<10000x128xf32, #tpu.memory_space<vmem_shared>>)
          tpu.yield
        }) : () -> ()
      } else {
      }
      %lt3A_43 = arith.constant 2500 : i32
      %lt3A_44 = arith.cmpi slt, %add3A_33, %lt3A_43 : i32
      %convert_element_type3A_45 = arith.extui %lt3A_44 : i1 to i32
      %cond3A_46 = arith.constant 0 : i32
      %cond3A_47 = arith.cmpi ne, %convert_element_type3A_45, %cond3A_46 : i32
      scf.if %cond3A_47 {
        %mul3A_53 = arith.constant 128 : i32
        %mul3A_54 = arith.muli %add3A_33, %mul3A_53 : i32
        "tpu.region"() ({
          %run_scoped3A = tpu.sem_alloc : memref<!tpu.dma_semaphore, #tpu.memory_space<semaphore_mem>>
          %dma_start3A_60 = tpu.memref_slice %arg2[%mul3A_54] : memref<320000xi32, #tpu.memory_space<hbm>> -> memref<128xi32, #tpu.memory_space<hbm>>
          %dma_start3A_61 = tpu.memref_slice %arg2[%mul3A_54] : memref<320000xi32, #tpu.memory_space<hbm>> -> memref<128xi32, #tpu.memory_space<hbm>>
          tpu.enqueue_dma source(%dma_start3A_61 : memref<128xi32, #tpu.memory_space<hbm>>) target(%arg7 : memref<128xi32, #tpu.memory_space<vmem>>) target_semaphore(%run_scoped3A : memref<!tpu.dma_semaphore, #tpu.memory_space<semaphore_mem>>)
          %dma_wait3A = tpu.memref_slice %arg2[%mul3A_54] : memref<320000xi32, #tpu.memory_space<hbm>> -> memref<128xi32, #tpu.memory_space<hbm>>
          %dma_wait3A_62 = tpu.memref_slice %arg2[%mul3A_54] : memref<320000xi32, #tpu.memory_space<hbm>> -> memref<128xi32, #tpu.memory_space<hbm>>
          tpu.wait_dma2 semaphore(%run_scoped3A : memref<!tpu.dma_semaphore, #tpu.memory_space<semaphore_mem>>) src(%dma_wait3A_62 : memref<128xi32, #tpu.memory_space<hbm>>) dst(%arg7 : memref<128xi32, #tpu.memory_space<vmem>>)
          tpu.yield
        }) : () -> ()
        %mul3A_55 = arith.constant 128 : i32
        %mul3A_56 = arith.muli %add3A_33, %mul3A_55 : i32
        "tpu.region"() ({
          %run_scoped3A = tpu.sem_alloc : memref<!tpu.dma_semaphore, #tpu.memory_space<semaphore_mem>>
          %dma_start3A_60 = tpu.memref_slice %arg3[%mul3A_56] : memref<320000xi32, #tpu.memory_space<hbm>> -> memref<128xi32, #tpu.memory_space<hbm>>
          %dma_start3A_61 = tpu.memref_slice %arg3[%mul3A_56] : memref<320000xi32, #tpu.memory_space<hbm>> -> memref<128xi32, #tpu.memory_space<hbm>>
          tpu.enqueue_dma source(%dma_start3A_61 : memref<128xi32, #tpu.memory_space<hbm>>) target(%arg8 : memref<128xi32, #tpu.memory_space<vmem>>) target_semaphore(%run_scoped3A : memref<!tpu.dma_semaphore, #tpu.memory_space<semaphore_mem>>)
          %dma_wait3A = tpu.memref_slice %arg3[%mul3A_56] : memref<320000xi32, #tpu.memory_space<hbm>> -> memref<128xi32, #tpu.memory_space<hbm>>
          %dma_wait3A_62 = tpu.memref_slice %arg3[%mul3A_56] : memref<320000xi32, #tpu.memory_space<hbm>> -> memref<128xi32, #tpu.memory_space<hbm>>
          tpu.wait_dma2 semaphore(%run_scoped3A : memref<!tpu.dma_semaphore, #tpu.memory_space<semaphore_mem>>) src(%dma_wait3A_62 : memref<128xi32, #tpu.memory_space<hbm>>) dst(%arg8 : memref<128xi32, #tpu.memory_space<vmem>>)
          tpu.yield
        }) : () -> ()
        %dma_start3A_57 = arith.constant 0 : i32
        %dma_start3A_58 = arith.constant 0 : i32
        %dma_start3A_59 = tpu.memref_slice %arg4[%dma_start3A_57, %dma_start3A_58] : memref<10000x128xf32, #tpu.memory_space<hbm>> -> memref<10000x128xf32, #tpu.memory_space<hbm>>
        tpu.enqueue_indirect_dma source(%dma_start3A_59 : memref<10000x128xf32, #tpu.memory_space<hbm>>) target(%arg9 : memref<128x128xf32, #tpu.memory_space<vmem>>) offsets(%arg7 : memref<128xi32, #tpu.memory_space<vmem>>) semaphore(%arg10 : memref<!tpu.dma_semaphore, #tpu.memory_space<semaphore_mem>>)
      } else {
      }
      %lt3A_48 = arith.constant 2500 : i32
      %lt3A_49 = arith.cmpi slt, %add3A_31, %lt3A_48 : i32
      %convert_element_type3A_50 = arith.extui %lt3A_49 : i1 to i32
      %cond3A_51 = arith.constant 0 : i32
      %cond3A_52 = arith.cmpi ne, %convert_element_type3A_50, %cond3A_51 : i32
      scf.if %cond3A_52 {
        %dma_wait3A = arith.constant 0 : i32
        %dma_wait3A_53 = arith.constant 0 : i32
        %dma_wait3A_54 = tpu.memref_slice %arg4[%dma_wait3A, %dma_wait3A_53] : memref<10000x128xf32, #tpu.memory_space<hbm>> -> memref<10000x128xf32, #tpu.memory_space<hbm>>
        tpu.wait_indirect_dma semaphore(%arg14 : memref<!tpu.dma_semaphore, #tpu.memory_space<semaphore_mem>>) src(%dma_wait3A_54 : memref<10000x128xf32, #tpu.memory_space<hbm>>) dst(%arg13 : memref<128x128xf32, #tpu.memory_space<vmem>>)
        "tpu.region"() ({
          %run_scoped3A = tpu.sem_alloc : memref<!tpu.dma_semaphore, #tpu.memory_space<semaphore_mem>>
          %dma_start3A_55 = arith.constant 0 : i32
          %dma_start3A_56 = arith.constant 0 : i32
          %dma_start3A_57 = tpu.memref_slice %arg15[%dma_start3A_55, %dma_start3A_56] : memref<10000x128xf32, #tpu.memory_space<vmem_shared>> -> memref<10000x128xf32, #tpu.memory_space<vmem_shared>>
          tpu.enqueue_indirect_dma source(%arg13 : memref<128x128xf32, #tpu.memory_space<vmem>>) target(%dma_start3A_57 : memref<10000x128xf32, #tpu.memory_space<vmem_shared>>) offsets(%arg12 : memref<128xi32, #tpu.memory_space<vmem>>) semaphore(%run_scoped3A : memref<!tpu.dma_semaphore, #tpu.memory_space<semaphore_mem>>) {add = true}
          %dma_wait3A_58 = arith.constant 0 : i32
          %dma_wait3A_59 = arith.constant 0 : i32
          %dma_wait3A_60 = tpu.memref_slice %arg15[%dma_wait3A_58, %dma_wait3A_59] : memref<10000x128xf32, #tpu.memory_space<vmem_shared>> -> memref<10000x128xf32, #tpu.memory_space<vmem_shared>>
          tpu.wait_indirect_dma semaphore(%run_scoped3A : memref<!tpu.dma_semaphore, #tpu.memory_space<semaphore_mem>>) src(%arg13 : memref<128x128xf32, #tpu.memory_space<vmem>>) dst(%dma_wait3A_60 : memref<10000x128xf32, #tpu.memory_space<vmem_shared>>)
          tpu.yield
        }) : () -> ()
      } else {
      }
    }
    %scan3A_15 = arith.constant 40 : i32
    %barrier3A_16 = arith.constant 0 : index
    tpu.barrier barrier_id(%barrier3A_16)
    %mul3A_17 = arith.constant 624 : i32
    %mul3A_18 = arith.muli %arg1, %mul3A_17 : i32
    "tpu.region"() ({
      %run_scoped3A = tpu.sem_alloc : memref<!tpu.dma_semaphore, #tpu.memory_space<semaphore_mem>>
      %dma_start3A_24 = arith.constant 0 : i32
      %dma_start3A_25 = tpu.memref_slice %arg6[%arg0, %mul3A_18, %dma_start3A_24] : memref<2x10000x128xf32, #tpu.memory_space<hbm>> -> memref<1x624x128xf32, #tpu.memory_space<hbm>>
      %dma_start3A_26 = tpu.memref_squeeze %dma_start3A_25 : memref<1x624x128xf32, #tpu.memory_space<hbm>> -> memref<624x128xf32, #tpu.memory_space<hbm>>
      %dma_start3A_27 = arith.constant 0 : i32
      %dma_start3A_28 = tpu.memref_slice %arg15[%mul3A_18, %dma_start3A_27] : memref<10000x128xf32, #tpu.memory_space<vmem_shared>> -> memref<624x128xf32, #tpu.memory_space<vmem_shared>>
      tpu.enqueue_dma source(%dma_start3A_28 : memref<624x128xf32, #tpu.memory_space<vmem_shared>>) target(%dma_start3A_26 : memref<624x128xf32, #tpu.memory_space<hbm>>) target_semaphore(%run_scoped3A : memref<!tpu.dma_semaphore, #tpu.memory_space<semaphore_mem>>)
      %dma_wait3A = arith.constant 0 : i32
      %dma_wait3A_29 = tpu.memref_slice %arg6[%arg0, %mul3A_18, %dma_wait3A] : memref<2x10000x128xf32, #tpu.memory_space<hbm>> -> memref<1x624x128xf32, #tpu.memory_space<hbm>>
      %dma_wait3A_30 = tpu.memref_squeeze %dma_wait3A_29 : memref<1x624x128xf32, #tpu.memory_space<hbm>> -> memref<624x128xf32, #tpu.memory_space<hbm>>
      %dma_wait3A_31 = arith.constant 0 : i32
      %dma_wait3A_32 = tpu.memref_slice %arg15[%mul3A_18, %dma_wait3A_31] : memref<10000x128xf32, #tpu.memory_space<vmem_shared>> -> memref<624x128xf32, #tpu.memory_space<vmem_shared>>
      tpu.wait_dma2 semaphore(%run_scoped3A : memref<!tpu.dma_semaphore, #tpu.memory_space<semaphore_mem>>) src(%dma_wait3A_32 : memref<624x128xf32, #tpu.memory_space<vmem_shared>>) dst(%dma_wait3A_30 : memref<624x128xf32, #tpu.memory_space<hbm>>)
      tpu.yield
    }) : () -> ()
    %eq3A_19 = arith.constant 0 : i32
    %eq3A_20 = arith.cmpi eq, %arg1, %eq3A_19 : i32
    %convert_element_type3A_21 = arith.extui %eq3A_20 : i1 to i32
    %cond3A_22 = arith.constant 0 : i32
    %cond3A_23 = arith.cmpi ne, %convert_element_type3A_21, %cond3A_22 : i32
    scf.if %cond3A_23 {
      "tpu.region"() ({
        %run_scoped3A = tpu.sem_alloc : memref<!tpu.dma_semaphore, #tpu.memory_space<semaphore_mem>>
        %dma_start3A_24 = arith.constant 9984 : i32
        %dma_start3A_25 = arith.constant 0 : i32
        %dma_start3A_26 = tpu.memref_slice %arg6[%arg0, %dma_start3A_24, %dma_start3A_25] : memref<2x10000x128xf32, #tpu.memory_space<hbm>> -> memref<1x16x128xf32, #tpu.memory_space<hbm>>
        %dma_start3A_27 = tpu.memref_squeeze %dma_start3A_26 : memref<1x16x128xf32, #tpu.memory_space<hbm>> -> memref<16x128xf32, #tpu.memory_space<hbm>>
        %dma_start3A_28 = arith.constant 9984 : i32
        %dma_start3A_29 = arith.constant 0 : i32
        %dma_start3A_30 = tpu.memref_slice %arg15[%dma_start3A_28, %dma_start3A_29] : memref<10000x128xf32, #tpu.memory_space<vmem_shared>> -> memref<16x128xf32, #tpu.memory_space<vmem_shared>>
        tpu.enqueue_dma source(%dma_start3A_30 : memref<16x128xf32, #tpu.memory_space<vmem_shared>>) target(%dma_start3A_27 : memref<16x128xf32, #tpu.memory_space<hbm>>) target_semaphore(%run_scoped3A : memref<!tpu.dma_semaphore, #tpu.memory_space<semaphore_mem>>)
        %dma_wait3A = arith.constant 9984 : i32
        %dma_wait3A_31 = arith.constant 0 : i32
        %dma_wait3A_32 = tpu.memref_slice %arg6[%arg0, %dma_wait3A, %dma_wait3A_31] : memref<2x10000x128xf32, #tpu.memory_space<hbm>> -> memref<1x16x128xf32, #tpu.memory_space<hbm>>
        %dma_wait3A_33 = tpu.memref_squeeze %dma_wait3A_32 : memref<1x16x128xf32, #tpu.memory_space<hbm>> -> memref<16x128xf32, #tpu.memory_space<hbm>>
        %dma_wait3A_34 = arith.constant 9984 : i32
        %dma_wait3A_35 = arith.constant 0 : i32
        %dma_wait3A_36 = tpu.memref_slice %arg15[%dma_wait3A_34, %dma_wait3A_35] : memref<10000x128xf32, #tpu.memory_space<vmem_shared>> -> memref<16x128xf32, #tpu.memory_space<vmem_shared>>
        tpu.wait_dma2 semaphore(%run_scoped3A : memref<!tpu.dma_semaphore, #tpu.memory_space<semaphore_mem>>) src(%dma_wait3A_36 : memref<16x128xf32, #tpu.memory_space<vmem_shared>>) dst(%dma_wait3A_33 : memref<16x128xf32, #tpu.memory_space<hbm>>)
        tpu.yield
      }) : () -> ()
    } else {
    }
    return
  }
}

#map = affine_map<(d0, d1) -> (0, 0)>
#map1 = affine_map<(d0, d1) -> (0)>
module attributes {stable_mosaic.version = 14 : i64} {
  func.func @_deg_body(%arg0: i32, %arg1: i32, %arg2: memref<2560x128xi32, #tpu.memory_space<hbm>>, %arg3: memref<128xf32, #tpu.memory_space<hbm>>, %arg4: memref<20480xf32, #tpu.memory_space<hbm>>, %arg5: memref<128xf32, #tpu.memory_space<vmem>>, %arg6: memref<8x128xi32, #tpu.memory_space<vmem>>, %arg7: memref<8x128xi32, #tpu.memory_space<vmem>>, %arg8: memref<640xf32, #tpu.memory_space<vmem>>, %arg9: memref<!tpu.dma_semaphore, #tpu.memory_space<semaphore_mem>>, %arg10: memref<10240xf32, #tpu.memory_space<vmem_shared>>) attributes {dimension_semantics = [#tpu.dimension_semantics<core_parallel>, #tpu.dimension_semantics<subcore_parallel>], iteration_bounds = array<i64: 2, 16>, scalar_prefetch = 0 : i64, scratch_operands = 6 : i64, tpu.core_type = #tpu.core_type<sc_vector_subcore>, window_params = [{transform_indices = #map}, {transform_indices = #map1}, {transform_indices = #map1}]} {
    %mul3A = arith.constant 16 : i32
    %mul3A_0 = arith.muli %arg0, %mul3A : i32
    %add3A = arith.addi %mul3A_0, %arg1 : i32
    %broadcast_in_dim3A = arith.constant 0.000000e+00 : f32
    %broadcast_in_dim3A_1 = vector.broadcast %broadcast_in_dim3A : f32 to vector<16xf32>
    %swap3A = arith.constant 0 : index
    %swap3A_2 = tpu.vector_load %arg8[%swap3A] {strides = array<i32>} : memref<640xf32, #tpu.memory_space<vmem>>, vector<16xf32>,
    %swap3A_3 = vector.shape_cast %swap3A_2 : vector<16xf32> to vector<16xf32>
    %swap3A_4 = vector.shape_cast %broadcast_in_dim3A_1 : vector<16xf32> to vector<16xf32>
    tpu.vector_store %arg8[%swap3A], %swap3A_4 {strides = array<i32>} : memref<640xf32, #tpu.memory_space<vmem>>, vector<16xf32>,
    %broadcast_in_dim3A_5 = arith.constant 0.000000e+00 : f32
    %broadcast_in_dim3A_6 = vector.broadcast %broadcast_in_dim3A_5 : f32 to vector<16xf32>
    %swap3A_7 = arith.constant 16 : index
    %swap3A_8 = tpu.vector_load %arg8[%swap3A_7] {strides = array<i32>} : memref<640xf32, #tpu.memory_space<vmem>>, vector<16xf32>,
    %swap3A_9 = vector.shape_cast %swap3A_8 : vector<16xf32> to vector<16xf32>
    %swap3A_10 = vector.shape_cast %broadcast_in_dim3A_6 : vector<16xf32> to vector<16xf32>
    tpu.vector_store %arg8[%swap3A_7], %swap3A_10 {strides = array<i32>} : memref<640xf32, #tpu.memory_space<vmem>>, vector<16xf32>,
    %broadcast_in_dim3A_11 = arith.constant 0.000000e+00 : f32
    %broadcast_in_dim3A_12 = vector.broadcast %broadcast_in_dim3A_11 : f32 to vector<16xf32>
    %swap3A_13 = arith.constant 32 : index
    %swap3A_14 = tpu.vector_load %arg8[%swap3A_13] {strides = array<i32>} : memref<640xf32, #tpu.memory_space<vmem>>, vector<16xf32>,
    %swap3A_15 = vector.shape_cast %swap3A_14 : vector<16xf32> to vector<16xf32>
    %swap3A_16 = vector.shape_cast %broadcast_in_dim3A_12 : vector<16xf32> to vector<16xf32>
    tpu.vector_store %arg8[%swap3A_13], %swap3A_16 {strides = array<i32>} : memref<640xf32, #tpu.memory_space<vmem>>, vector<16xf32>,
    %broadcast_in_dim3A_17 = arith.constant 0.000000e+00 : f32
    %broadcast_in_dim3A_18 = vector.broadcast %broadcast_in_dim3A_17 : f32 to vector<16xf32>
    %swap3A_19 = arith.constant 48 : index
    %swap3A_20 = tpu.vector_load %arg8[%swap3A_19] {strides = array<i32>} : memref<640xf32, #tpu.memory_space<vmem>>, vector<16xf32>,
    %swap3A_21 = vector.shape_cast %swap3A_20 : vector<16xf32> to vector<16xf32>
    %swap3A_22 = vector.shape_cast %broadcast_in_dim3A_18 : vector<16xf32> to vector<16xf32>
    tpu.vector_store %arg8[%swap3A_19], %swap3A_22 {strides = array<i32>} : memref<640xf32, #tpu.memory_space<vmem>>, vector<16xf32>,
    %broadcast_in_dim3A_23 = arith.constant 0.000000e+00 : f32
    %broadcast_in_dim3A_24 = vector.broadcast %broadcast_in_dim3A_23 : f32 to vector<16xf32>
    %swap3A_25 = arith.constant 64 : index
    %swap3A_26 = tpu.vector_load %arg8[%swap3A_25] {strides = array<i32>} : memref<640xf32, #tpu.memory_space<vmem>>, vector<16xf32>,
    %swap3A_27 = vector.shape_cast %swap3A_26 : vector<16xf32> to vector<16xf32>
    %swap3A_28 = vector.shape_cast %broadcast_in_dim3A_24 : vector<16xf32> to vector<16xf32>
    tpu.vector_store %arg8[%swap3A_25], %swap3A_28 {strides = array<i32>} : memref<640xf32, #tpu.memory_space<vmem>>, vector<16xf32>,
    %broadcast_in_dim3A_29 = arith.constant 0.000000e+00 : f32
    %broadcast_in_dim3A_30 = vector.broadcast %broadcast_in_dim3A_29 : f32 to vector<16xf32>
    %swap3A_31 = arith.constant 80 : index
    %swap3A_32 = tpu.vector_load %arg8[%swap3A_31] {strides = array<i32>} : memref<640xf32, #tpu.memory_space<vmem>>, vector<16xf32>,
    %swap3A_33 = vector.shape_cast %swap3A_32 : vector<16xf32> to vector<16xf32>
    %swap3A_34 = vector.shape_cast %broadcast_in_dim3A_30 : vector<16xf32> to vector<16xf32>
    tpu.vector_store %arg8[%swap3A_31], %swap3A_34 {strides = array<i32>} : memref<640xf32, #tpu.memory_space<vmem>>, vector<16xf32>,
    %broadcast_in_dim3A_35 = arith.constant 0.000000e+00 : f32
    %broadcast_in_dim3A_36 = vector.broadcast %broadcast_in_dim3A_35 : f32 to vector<16xf32>
    %swap3A_37 = arith.constant 96 : index
    %swap3A_38 = tpu.vector_load %arg8[%swap3A_37] {strides = array<i32>} : memref<640xf32, #tpu.memory_space<vmem>>, vector<16xf32>,
    %swap3A_39 = vector.shape_cast %swap3A_38 : vector<16xf32> to vector<16xf32>
    %swap3A_40 = vector.shape_cast %broadcast_in_dim3A_36 : vector<16xf32> to vector<16xf32>
    tpu.vector_store %arg8[%swap3A_37], %swap3A_40 {strides = array<i32>} : memref<640xf32, #tpu.memory_space<vmem>>, vector<16xf32>,
    %broadcast_in_dim3A_41 = arith.constant 0.000000e+00 : f32
    %broadcast_in_dim3A_42 = vector.broadcast %broadcast_in_dim3A_41 : f32 to vector<16xf32>
    %swap3A_43 = arith.constant 112 : index
    %swap3A_44 = tpu.vector_load %arg8[%swap3A_43] {strides = array<i32>} : memref<640xf32, #tpu.memory_space<vmem>>, vector<16xf32>,
    %swap3A_45 = vector.shape_cast %swap3A_44 : vector<16xf32> to vector<16xf32>
    %swap3A_46 = vector.shape_cast %broadcast_in_dim3A_42 : vector<16xf32> to vector<16xf32>
    tpu.vector_store %arg8[%swap3A_43], %swap3A_46 {strides = array<i32>} : memref<640xf32, #tpu.memory_space<vmem>>, vector<16xf32>,
    %broadcast_in_dim3A_47 = arith.constant 0.000000e+00 : f32
    %broadcast_in_dim3A_48 = vector.broadcast %broadcast_in_dim3A_47 : f32 to vector<16xf32>
    %swap3A_49 = arith.constant 128 : index
    %swap3A_50 = tpu.vector_load %arg8[%swap3A_49] {strides = array<i32>} : memref<640xf32, #tpu.memory_space<vmem>>, vector<16xf32>,
    %swap3A_51 = vector.shape_cast %swap3A_50 : vector<16xf32> to vector<16xf32>
    %swap3A_52 = vector.shape_cast %broadcast_in_dim3A_48 : vector<16xf32> to vector<16xf32>
    tpu.vector_store %arg8[%swap3A_49], %swap3A_52 {strides = array<i32>} : memref<640xf32, #tpu.memory_space<vmem>>, vector<16xf32>,
    %broadcast_in_dim3A_53 = arith.constant 0.000000e+00 : f32
    %broadcast_in_dim3A_54 = vector.broadcast %broadcast_in_dim3A_53 : f32 to vector<16xf32>
    %swap3A_55 = arith.constant 144 : index
    %swap3A_56 = tpu.vector_load %arg8[%swap3A_55] {strides = array<i32>} : memref<640xf32, #tpu.memory_space<vmem>>, vector<16xf32>,
    %swap3A_57 = vector.shape_cast %swap3A_56 : vector<16xf32> to vector<16xf32>
    %swap3A_58 = vector.shape_cast %broadcast_in_dim3A_54 : vector<16xf32> to vector<16xf32>
    tpu.vector_store %arg8[%swap3A_55], %swap3A_58 {strides = array<i32>} : memref<640xf32, #tpu.memory_space<vmem>>, vector<16xf32>,
    %broadcast_in_dim3A_59 = arith.constant 0.000000e+00 : f32
    %broadcast_in_dim3A_60 = vector.broadcast %broadcast_in_dim3A_59 : f32 to vector<16xf32>
    %swap3A_61 = arith.constant 160 : index
    %swap3A_62 = tpu.vector_load %arg8[%swap3A_61] {strides = array<i32>} : memref<640xf32, #tpu.memory_space<vmem>>, vector<16xf32>,
    %swap3A_63 = vector.shape_cast %swap3A_62 : vector<16xf32> to vector<16xf32>
    %swap3A_64 = vector.shape_cast %broadcast_in_dim3A_60 : vector<16xf32> to vector<16xf32>
    tpu.vector_store %arg8[%swap3A_61], %swap3A_64 {strides = array<i32>} : memref<640xf32, #tpu.memory_space<vmem>>, vector<16xf32>,
    %broadcast_in_dim3A_65 = arith.constant 0.000000e+00 : f32
    %broadcast_in_dim3A_66 = vector.broadcast %broadcast_in_dim3A_65 : f32 to vector<16xf32>
    %swap3A_67 = arith.constant 176 : index
    %swap3A_68 = tpu.vector_load %arg8[%swap3A_67] {strides = array<i32>} : memref<640xf32, #tpu.memory_space<vmem>>, vector<16xf32>,
    %swap3A_69 = vector.shape_cast %swap3A_68 : vector<16xf32> to vector<16xf32>
    %swap3A_70 = vector.shape_cast %broadcast_in_dim3A_66 : vector<16xf32> to vector<16xf32>
    tpu.vector_store %arg8[%swap3A_67], %swap3A_70 {strides = array<i32>} : memref<640xf32, #tpu.memory_space<vmem>>, vector<16xf32>,
    %broadcast_in_dim3A_71 = arith.constant 0.000000e+00 : f32
    %broadcast_in_dim3A_72 = vector.broadcast %broadcast_in_dim3A_71 : f32 to vector<16xf32>
    %swap3A_73 = arith.constant 192 : index
    %swap3A_74 = tpu.vector_load %arg8[%swap3A_73] {strides = array<i32>} : memref<640xf32, #tpu.memory_space<vmem>>, vector<16xf32>,
    %swap3A_75 = vector.shape_cast %swap3A_74 : vector<16xf32> to vector<16xf32>
    %swap3A_76 = vector.shape_cast %broadcast_in_dim3A_72 : vector<16xf32> to vector<16xf32>
    tpu.vector_store %arg8[%swap3A_73], %swap3A_76 {strides = array<i32>} : memref<640xf32, #tpu.memory_space<vmem>>, vector<16xf32>,
    %broadcast_in_dim3A_77 = arith.constant 0.000000e+00 : f32
    %broadcast_in_dim3A_78 = vector.broadcast %broadcast_in_dim3A_77 : f32 to vector<16xf32>
    %swap3A_79 = arith.constant 208 : index
    %swap3A_80 = tpu.vector_load %arg8[%swap3A_79] {strides = array<i32>} : memref<640xf32, #tpu.memory_space<vmem>>, vector<16xf32>,
    %swap3A_81 = vector.shape_cast %swap3A_80 : vector<16xf32> to vector<16xf32>
    %swap3A_82 = vector.shape_cast %broadcast_in_dim3A_78 : vector<16xf32> to vector<16xf32>
    tpu.vector_store %arg8[%swap3A_79], %swap3A_82 {strides = array<i32>} : memref<640xf32, #tpu.memory_space<vmem>>, vector<16xf32>,
    %broadcast_in_dim3A_83 = arith.constant 0.000000e+00 : f32
    %broadcast_in_dim3A_84 = vector.broadcast %broadcast_in_dim3A_83 : f32 to vector<16xf32>
    %swap3A_85 = arith.constant 224 : index
    %swap3A_86 = tpu.vector_load %arg8[%swap3A_85] {strides = array<i32>} : memref<640xf32, #tpu.memory_space<vmem>>, vector<16xf32>,
    %swap3A_87 = vector.shape_cast %swap3A_86 : vector<16xf32> to vector<16xf32>
    %swap3A_88 = vector.shape_cast %broadcast_in_dim3A_84 : vector<16xf32> to vector<16xf32>
    tpu.vector_store %arg8[%swap3A_85], %swap3A_88 {strides = array<i32>} : memref<640xf32, #tpu.memory_space<vmem>>, vector<16xf32>,
    %broadcast_in_dim3A_89 = arith.constant 0.000000e+00 : f32
    %broadcast_in_dim3A_90 = vector.broadcast %broadcast_in_dim3A_89 : f32 to vector<16xf32>
    %swap3A_91 = arith.constant 240 : index
    %swap3A_92 = tpu.vector_load %arg8[%swap3A_91] {strides = array<i32>} : memref<640xf32, #tpu.memory_space<vmem>>, vector<16xf32>,
    %swap3A_93 = vector.shape_cast %swap3A_92 : vector<16xf32> to vector<16xf32>
    %swap3A_94 = vector.shape_cast %broadcast_in_dim3A_90 : vector<16xf32> to vector<16xf32>
    tpu.vector_store %arg8[%swap3A_91], %swap3A_94 {strides = array<i32>} : memref<640xf32, #tpu.memory_space<vmem>>, vector<16xf32>,
    %broadcast_in_dim3A_95 = arith.constant 0.000000e+00 : f32
    %broadcast_in_dim3A_96 = vector.broadcast %broadcast_in_dim3A_95 : f32 to vector<16xf32>
    %swap3A_97 = arith.constant 256 : index
    %swap3A_98 = tpu.vector_load %arg8[%swap3A_97] {strides = array<i32>} : memref<640xf32, #tpu.memory_space<vmem>>, vector<16xf32>,
    %swap3A_99 = vector.shape_cast %swap3A_98 : vector<16xf32> to vector<16xf32>
    %swap3A_100 = vector.shape_cast %broadcast_in_dim3A_96 : vector<16xf32> to vector<16xf32>
    tpu.vector_store %arg8[%swap3A_97], %swap3A_100 {strides = array<i32>} : memref<640xf32, #tpu.memory_space<vmem>>, vector<16xf32>,
    %broadcast_in_dim3A_101 = arith.constant 0.000000e+00 : f32
    %broadcast_in_dim3A_102 = vector.broadcast %broadcast_in_dim3A_101 : f32 to vector<16xf32>
    %swap3A_103 = arith.constant 272 : index
    %swap3A_104 = tpu.vector_load %arg8[%swap3A_103] {strides = array<i32>} : memref<640xf32, #tpu.memory_space<vmem>>, vector<16xf32>,
    %swap3A_105 = vector.shape_cast %swap3A_104 : vector<16xf32> to vector<16xf32>
    %swap3A_106 = vector.shape_cast %broadcast_in_dim3A_102 : vector<16xf32> to vector<16xf32>
    tpu.vector_store %arg8[%swap3A_103], %swap3A_106 {strides = array<i32>} : memref<640xf32, #tpu.memory_space<vmem>>, vector<16xf32>,
    %broadcast_in_dim3A_107 = arith.constant 0.000000e+00 : f32
    %broadcast_in_dim3A_108 = vector.broadcast %broadcast_in_dim3A_107 : f32 to vector<16xf32>
    %swap3A_109 = arith.constant 288 : index
    %swap3A_110 = tpu.vector_load %arg8[%swap3A_109] {strides = array<i32>} : memref<640xf32, #tpu.memory_space<vmem>>, vector<16xf32>,
    %swap3A_111 = vector.shape_cast %swap3A_110 : vector<16xf32> to vector<16xf32>
    %swap3A_112 = vector.shape_cast %broadcast_in_dim3A_108 : vector<16xf32> to vector<16xf32>
    tpu.vector_store %arg8[%swap3A_109], %swap3A_112 {strides = array<i32>} : memref<640xf32, #tpu.memory_space<vmem>>, vector<16xf32>,
    %broadcast_in_dim3A_113 = arith.constant 0.000000e+00 : f32
    %broadcast_in_dim3A_114 = vector.broadcast %broadcast_in_dim3A_113 : f32 to vector<16xf32>
    %swap3A_115 = arith.constant 304 : index
    %swap3A_116 = tpu.vector_load %arg8[%swap3A_115] {strides = array<i32>} : memref<640xf32, #tpu.memory_space<vmem>>, vector<16xf32>,
    %swap3A_117 = vector.shape_cast %swap3A_116 : vector<16xf32> to vector<16xf32>
    %swap3A_118 = vector.shape_cast %broadcast_in_dim3A_114 : vector<16xf32> to vector<16xf32>
    tpu.vector_store %arg8[%swap3A_115], %swap3A_118 {strides = array<i32>} : memref<640xf32, #tpu.memory_space<vmem>>, vector<16xf32>,
    %broadcast_in_dim3A_119 = arith.constant 0.000000e+00 : f32
    %broadcast_in_dim3A_120 = vector.broadcast %broadcast_in_dim3A_119 : f32 to vector<16xf32>
    %swap3A_121 = arith.constant 320 : index
    %swap3A_122 = tpu.vector_load %arg8[%swap3A_121] {strides = array<i32>} : memref<640xf32, #tpu.memory_space<vmem>>, vector<16xf32>,
    %swap3A_123 = vector.shape_cast %swap3A_122 : vector<16xf32> to vector<16xf32>
    %swap3A_124 = vector.shape_cast %broadcast_in_dim3A_120 : vector<16xf32> to vector<16xf32>
    tpu.vector_store %arg8[%swap3A_121], %swap3A_124 {strides = array<i32>} : memref<640xf32, #tpu.memory_space<vmem>>, vector<16xf32>,
    %broadcast_in_dim3A_125 = arith.constant 0.000000e+00 : f32
    %broadcast_in_dim3A_126 = vector.broadcast %broadcast_in_dim3A_125 : f32 to vector<16xf32>
    %swap3A_127 = arith.constant 336 : index
    %swap3A_128 = tpu.vector_load %arg8[%swap3A_127] {strides = array<i32>} : memref<640xf32, #tpu.memory_space<vmem>>, vector<16xf32>,
    %swap3A_129 = vector.shape_cast %swap3A_128 : vector<16xf32> to vector<16xf32>
    %swap3A_130 = vector.shape_cast %broadcast_in_dim3A_126 : vector<16xf32> to vector<16xf32>
    tpu.vector_store %arg8[%swap3A_127], %swap3A_130 {strides = array<i32>} : memref<640xf32, #tpu.memory_space<vmem>>, vector<16xf32>,
    %broadcast_in_dim3A_131 = arith.constant 0.000000e+00 : f32
    %broadcast_in_dim3A_132 = vector.broadcast %broadcast_in_dim3A_131 : f32 to vector<16xf32>
    %swap3A_133 = arith.constant 352 : index
    %swap3A_134 = tpu.vector_load %arg8[%swap3A_133] {strides = array<i32>} : memref<640xf32, #tpu.memory_space<vmem>>, vector<16xf32>,
    %swap3A_135 = vector.shape_cast %swap3A_134 : vector<16xf32> to vector<16xf32>
    %swap3A_136 = vector.shape_cast %broadcast_in_dim3A_132 : vector<16xf32> to vector<16xf32>
    tpu.vector_store %arg8[%swap3A_133], %swap3A_136 {strides = array<i32>} : memref<640xf32, #tpu.memory_space<vmem>>, vector<16xf32>,
    %broadcast_in_dim3A_137 = arith.constant 0.000000e+00 : f32
    %broadcast_in_dim3A_138 = vector.broadcast %broadcast_in_dim3A_137 : f32 to vector<16xf32>
    %swap3A_139 = arith.constant 368 : index
    %swap3A_140 = tpu.vector_load %arg8[%swap3A_139] {strides = array<i32>} : memref<640xf32, #tpu.memory_space<vmem>>, vector<16xf32>,
    %swap3A_141 = vector.shape_cast %swap3A_140 : vector<16xf32> to vector<16xf32>
    %swap3A_142 = vector.shape_cast %broadcast_in_dim3A_138 : vector<16xf32> to vector<16xf32>
    tpu.vector_store %arg8[%swap3A_139], %swap3A_142 {strides = array<i32>} : memref<640xf32, #tpu.memory_space<vmem>>, vector<16xf32>,
    %broadcast_in_dim3A_143 = arith.constant 0.000000e+00 : f32
    %broadcast_in_dim3A_144 = vector.broadcast %broadcast_in_dim3A_143 : f32 to vector<16xf32>
    %swap3A_145 = arith.constant 384 : index
    %swap3A_146 = tpu.vector_load %arg8[%swap3A_145] {strides = array<i32>} : memref<640xf32, #tpu.memory_space<vmem>>, vector<16xf32>,
    %swap3A_147 = vector.shape_cast %swap3A_146 : vector<16xf32> to vector<16xf32>
    %swap3A_148 = vector.shape_cast %broadcast_in_dim3A_144 : vector<16xf32> to vector<16xf32>
    tpu.vector_store %arg8[%swap3A_145], %swap3A_148 {strides = array<i32>} : memref<640xf32, #tpu.memory_space<vmem>>, vector<16xf32>,
    %broadcast_in_dim3A_149 = arith.constant 0.000000e+00 : f32
    %broadcast_in_dim3A_150 = vector.broadcast %broadcast_in_dim3A_149 : f32 to vector<16xf32>
    %swap3A_151 = arith.constant 400 : index
    %swap3A_152 = tpu.vector_load %arg8[%swap3A_151] {strides = array<i32>} : memref<640xf32, #tpu.memory_space<vmem>>, vector<16xf32>,
    %swap3A_153 = vector.shape_cast %swap3A_152 : vector<16xf32> to vector<16xf32>
    %swap3A_154 = vector.shape_cast %broadcast_in_dim3A_150 : vector<16xf32> to vector<16xf32>
    tpu.vector_store %arg8[%swap3A_151], %swap3A_154 {strides = array<i32>} : memref<640xf32, #tpu.memory_space<vmem>>, vector<16xf32>,
    %broadcast_in_dim3A_155 = arith.constant 0.000000e+00 : f32
    %broadcast_in_dim3A_156 = vector.broadcast %broadcast_in_dim3A_155 : f32 to vector<16xf32>
    %swap3A_157 = arith.constant 416 : index
    %swap3A_158 = tpu.vector_load %arg8[%swap3A_157] {strides = array<i32>} : memref<640xf32, #tpu.memory_space<vmem>>, vector<16xf32>,
    %swap3A_159 = vector.shape_cast %swap3A_158 : vector<16xf32> to vector<16xf32>
    %swap3A_160 = vector.shape_cast %broadcast_in_dim3A_156 : vector<16xf32> to vector<16xf32>
    tpu.vector_store %arg8[%swap3A_157], %swap3A_160 {strides = array<i32>} : memref<640xf32, #tpu.memory_space<vmem>>, vector<16xf32>,
    %broadcast_in_dim3A_161 = arith.constant 0.000000e+00 : f32
    %broadcast_in_dim3A_162 = vector.broadcast %broadcast_in_dim3A_161 : f32 to vector<16xf32>
    %swap3A_163 = arith.constant 432 : index
    %swap3A_164 = tpu.vector_load %arg8[%swap3A_163] {strides = array<i32>} : memref<640xf32, #tpu.memory_space<vmem>>, vector<16xf32>,
    %swap3A_165 = vector.shape_cast %swap3A_164 : vector<16xf32> to vector<16xf32>
    %swap3A_166 = vector.shape_cast %broadcast_in_dim3A_162 : vector<16xf32> to vector<16xf32>
    tpu.vector_store %arg8[%swap3A_163], %swap3A_166 {strides = array<i32>} : memref<640xf32, #tpu.memory_space<vmem>>, vector<16xf32>,
    %broadcast_in_dim3A_167 = arith.constant 0.000000e+00 : f32
    %broadcast_in_dim3A_168 = vector.broadcast %broadcast_in_dim3A_167 : f32 to vector<16xf32>
    %swap3A_169 = arith.constant 448 : index
    %swap3A_170 = tpu.vector_load %arg8[%swap3A_169] {strides = array<i32>} : memref<640xf32, #tpu.memory_space<vmem>>, vector<16xf32>,
    %swap3A_171 = vector.shape_cast %swap3A_170 : vector<16xf32> to vector<16xf32>
    %swap3A_172 = vector.shape_cast %broadcast_in_dim3A_168 : vector<16xf32> to vector<16xf32>
    tpu.vector_store %arg8[%swap3A_169], %swap3A_172 {strides = array<i32>} : memref<640xf32, #tpu.memory_space<vmem>>, vector<16xf32>,
    %broadcast_in_dim3A_173 = arith.constant 0.000000e+00 : f32
    %broadcast_in_dim3A_174 = vector.broadcast %broadcast_in_dim3A_173 : f32 to vector<16xf32>
    %swap3A_175 = arith.constant 464 : index
    %swap3A_176 = tpu.vector_load %arg8[%swap3A_175] {strides = array<i32>} : memref<640xf32, #tpu.memory_space<vmem>>, vector<16xf32>,
    %swap3A_177 = vector.shape_cast %swap3A_176 : vector<16xf32> to vector<16xf32>
    %swap3A_178 = vector.shape_cast %broadcast_in_dim3A_174 : vector<16xf32> to vector<16xf32>
    tpu.vector_store %arg8[%swap3A_175], %swap3A_178 {strides = array<i32>} : memref<640xf32, #tpu.memory_space<vmem>>, vector<16xf32>,
    %broadcast_in_dim3A_179 = arith.constant 0.000000e+00 : f32
    %broadcast_in_dim3A_180 = vector.broadcast %broadcast_in_dim3A_179 : f32 to vector<16xf32>
    %swap3A_181 = arith.constant 480 : index
    %swap3A_182 = tpu.vector_load %arg8[%swap3A_181] {strides = array<i32>} : memref<640xf32, #tpu.memory_space<vmem>>, vector<16xf32>,
    %swap3A_183 = vector.shape_cast %swap3A_182 : vector<16xf32> to vector<16xf32>
    %swap3A_184 = vector.shape_cast %broadcast_in_dim3A_180 : vector<16xf32> to vector<16xf32>
    tpu.vector_store %arg8[%swap3A_181], %swap3A_184 {strides = array<i32>} : memref<640xf32, #tpu.memory_space<vmem>>, vector<16xf32>,
    %broadcast_in_dim3A_185 = arith.constant 0.000000e+00 : f32
    %broadcast_in_dim3A_186 = vector.broadcast %broadcast_in_dim3A_185 : f32 to vector<16xf32>
    %swap3A_187 = arith.constant 496 : index
    %swap3A_188 = tpu.vector_load %arg8[%swap3A_187] {strides = array<i32>} : memref<640xf32, #tpu.memory_space<vmem>>, vector<16xf32>,
    %swap3A_189 = vector.shape_cast %swap3A_188 : vector<16xf32> to vector<16xf32>
    %swap3A_190 = vector.shape_cast %broadcast_in_dim3A_186 : vector<16xf32> to vector<16xf32>
    tpu.vector_store %arg8[%swap3A_187], %swap3A_190 {strides = array<i32>} : memref<640xf32, #tpu.memory_space<vmem>>, vector<16xf32>,
    %broadcast_in_dim3A_191 = arith.constant 0.000000e+00 : f32
    %broadcast_in_dim3A_192 = vector.broadcast %broadcast_in_dim3A_191 : f32 to vector<16xf32>
    %swap3A_193 = arith.constant 512 : index
    %swap3A_194 = tpu.vector_load %arg8[%swap3A_193] {strides = array<i32>} : memref<640xf32, #tpu.memory_space<vmem>>, vector<16xf32>,
    %swap3A_195 = vector.shape_cast %swap3A_194 : vector<16xf32> to vector<16xf32>
    %swap3A_196 = vector.shape_cast %broadcast_in_dim3A_192 : vector<16xf32> to vector<16xf32>
    tpu.vector_store %arg8[%swap3A_193], %swap3A_196 {strides = array<i32>} : memref<640xf32, #tpu.memory_space<vmem>>, vector<16xf32>,
    %broadcast_in_dim3A_197 = arith.constant 0.000000e+00 : f32
    %broadcast_in_dim3A_198 = vector.broadcast %broadcast_in_dim3A_197 : f32 to vector<16xf32>
    %swap3A_199 = arith.constant 528 : index
    %swap3A_200 = tpu.vector_load %arg8[%swap3A_199] {strides = array<i32>} : memref<640xf32, #tpu.memory_space<vmem>>, vector<16xf32>,
    %swap3A_201 = vector.shape_cast %swap3A_200 : vector<16xf32> to vector<16xf32>
    %swap3A_202 = vector.shape_cast %broadcast_in_dim3A_198 : vector<16xf32> to vector<16xf32>
    tpu.vector_store %arg8[%swap3A_199], %swap3A_202 {strides = array<i32>} : memref<640xf32, #tpu.memory_space<vmem>>, vector<16xf32>,
    %broadcast_in_dim3A_203 = arith.constant 0.000000e+00 : f32
    %broadcast_in_dim3A_204 = vector.broadcast %broadcast_in_dim3A_203 : f32 to vector<16xf32>
    %swap3A_205 = arith.constant 544 : index
    %swap3A_206 = tpu.vector_load %arg8[%swap3A_205] {strides = array<i32>} : memref<640xf32, #tpu.memory_space<vmem>>, vector<16xf32>,
    %swap3A_207 = vector.shape_cast %swap3A_206 : vector<16xf32> to vector<16xf32>
    %swap3A_208 = vector.shape_cast %broadcast_in_dim3A_204 : vector<16xf32> to vector<16xf32>
    tpu.vector_store %arg8[%swap3A_205], %swap3A_208 {strides = array<i32>} : memref<640xf32, #tpu.memory_space<vmem>>, vector<16xf32>,
    %broadcast_in_dim3A_209 = arith.constant 0.000000e+00 : f32
    %broadcast_in_dim3A_210 = vector.broadcast %broadcast_in_dim3A_209 : f32 to vector<16xf32>
    %swap3A_211 = arith.constant 560 : index
    %swap3A_212 = tpu.vector_load %arg8[%swap3A_211] {strides = array<i32>} : memref<640xf32, #tpu.memory_space<vmem>>, vector<16xf32>,
    %swap3A_213 = vector.shape_cast %swap3A_212 : vector<16xf32> to vector<16xf32>
    %swap3A_214 = vector.shape_cast %broadcast_in_dim3A_210 : vector<16xf32> to vector<16xf32>
    tpu.vector_store %arg8[%swap3A_211], %swap3A_214 {strides = array<i32>} : memref<640xf32, #tpu.memory_space<vmem>>, vector<16xf32>,
    %broadcast_in_dim3A_215 = arith.constant 0.000000e+00 : f32
    %broadcast_in_dim3A_216 = vector.broadcast %broadcast_in_dim3A_215 : f32 to vector<16xf32>
    %swap3A_217 = arith.constant 576 : index
    %swap3A_218 = tpu.vector_load %arg8[%swap3A_217] {strides = array<i32>} : memref<640xf32, #tpu.memory_space<vmem>>, vector<16xf32>,
    %swap3A_219 = vector.shape_cast %swap3A_218 : vector<16xf32> to vector<16xf32>
    %swap3A_220 = vector.shape_cast %broadcast_in_dim3A_216 : vector<16xf32> to vector<16xf32>
    tpu.vector_store %arg8[%swap3A_217], %swap3A_220 {strides = array<i32>} : memref<640xf32, #tpu.memory_space<vmem>>, vector<16xf32>,
    %broadcast_in_dim3A_221 = arith.constant 0.000000e+00 : f32
    %broadcast_in_dim3A_222 = vector.broadcast %broadcast_in_dim3A_221 : f32 to vector<16xf32>
    %swap3A_223 = arith.constant 592 : index
    %swap3A_224 = tpu.vector_load %arg8[%swap3A_223] {strides = array<i32>} : memref<640xf32, #tpu.memory_space<vmem>>, vector<16xf32>,
    %swap3A_225 = vector.shape_cast %swap3A_224 : vector<16xf32> to vector<16xf32>
    %swap3A_226 = vector.shape_cast %broadcast_in_dim3A_222 : vector<16xf32> to vector<16xf32>
    tpu.vector_store %arg8[%swap3A_223], %swap3A_226 {strides = array<i32>} : memref<640xf32, #tpu.memory_space<vmem>>, vector<16xf32>,
    %broadcast_in_dim3A_227 = arith.constant 0.000000e+00 : f32
    %broadcast_in_dim3A_228 = vector.broadcast %broadcast_in_dim3A_227 : f32 to vector<16xf32>
    %swap3A_229 = arith.constant 608 : index
    %swap3A_230 = tpu.vector_load %arg8[%swap3A_229] {strides = array<i32>} : memref<640xf32, #tpu.memory_space<vmem>>, vector<16xf32>,
    %swap3A_231 = vector.shape_cast %swap3A_230 : vector<16xf32> to vector<16xf32>
    %swap3A_232 = vector.shape_cast %broadcast_in_dim3A_228 : vector<16xf32> to vector<16xf32>
    tpu.vector_store %arg8[%swap3A_229], %swap3A_232 {strides = array<i32>} : memref<640xf32, #tpu.memory_space<vmem>>, vector<16xf32>,
    %broadcast_in_dim3A_233 = arith.constant 0.000000e+00 : f32
    %broadcast_in_dim3A_234 = vector.broadcast %broadcast_in_dim3A_233 : f32 to vector<16xf32>
    %swap3A_235 = arith.constant 624 : index
    %swap3A_236 = tpu.vector_load %arg8[%swap3A_235] {strides = array<i32>} : memref<640xf32, #tpu.memory_space<vmem>>, vector<16xf32>,
    %swap3A_237 = vector.shape_cast %swap3A_236 : vector<16xf32> to vector<16xf32>
    %swap3A_238 = vector.shape_cast %broadcast_in_dim3A_234 : vector<16xf32> to vector<16xf32>
    tpu.vector_store %arg8[%swap3A_235], %swap3A_238 {strides = array<i32>} : memref<640xf32, #tpu.memory_space<vmem>>, vector<16xf32>,
    %mul3A_239 = arith.constant 640 : i32
    %mul3A_240 = arith.muli %arg1, %mul3A_239 : i32
    "tpu.region"() ({
      %run_scoped3A = tpu.sem_alloc : memref<!tpu.dma_semaphore, #tpu.memory_space<semaphore_mem>>
      %dma_start3A = tpu.memref_slice %arg10[%mul3A_240] : memref<10240xf32, #tpu.memory_space<vmem_shared>> -> memref<640xf32, #tpu.memory_space<vmem_shared>>
      %dma_start3A_260 = tpu.memref_slice %arg10[%mul3A_240] : memref<10240xf32, #tpu.memory_space<vmem_shared>> -> memref<640xf32, #tpu.memory_space<vmem_shared>>
      tpu.enqueue_dma source(%arg8 : memref<640xf32, #tpu.memory_space<vmem>>) target(%dma_start3A_260 : memref<640xf32, #tpu.memory_space<vmem_shared>>) target_semaphore(%run_scoped3A : memref<!tpu.dma_semaphore, #tpu.memory_space<semaphore_mem>>)
      %dma_wait3A = tpu.memref_slice %arg10[%mul3A_240] : memref<10240xf32, #tpu.memory_space<vmem_shared>> -> memref<640xf32, #tpu.memory_space<vmem_shared>>
      %dma_wait3A_261 = tpu.memref_slice %arg10[%mul3A_240] : memref<10240xf32, #tpu.memory_space<vmem_shared>> -> memref<640xf32, #tpu.memory_space<vmem_shared>>
      tpu.wait_dma2 semaphore(%run_scoped3A : memref<!tpu.dma_semaphore, #tpu.memory_space<semaphore_mem>>) src(%arg8 : memref<640xf32, #tpu.memory_space<vmem>>) dst(%dma_wait3A_261 : memref<640xf32, #tpu.memory_space<vmem_shared>>)
      tpu.yield
    }) : () -> ()
    "tpu.region"() ({
      %run_scoped3A = tpu.sem_alloc : memref<!tpu.dma_semaphore, #tpu.memory_space<semaphore_mem>>
      tpu.enqueue_dma source(%arg3 : memref<128xf32, #tpu.memory_space<hbm>>) target(%arg5 : memref<128xf32, #tpu.memory_space<vmem>>) target_semaphore(%run_scoped3A : memref<!tpu.dma_semaphore, #tpu.memory_space<semaphore_mem>>)
      tpu.wait_dma2 semaphore(%run_scoped3A : memref<!tpu.dma_semaphore, #tpu.memory_space<semaphore_mem>>) src(%arg3 : memref<128xf32, #tpu.memory_space<hbm>>) dst(%arg5 : memref<128xf32, #tpu.memory_space<vmem>>)
      tpu.yield
    }) : () -> ()
    %barrier3A = arith.constant 0 : index
    tpu.barrier barrier_id(%barrier3A)
    %mul3A_241 = arith.constant 10 : i32
    %mul3A_242 = arith.muli %add3A, %mul3A_241 : i32
    %mul3A_243 = arith.constant 8 : i32
    %mul3A_244 = arith.muli %mul3A_242, %mul3A_243 : i32
    %add3A_245 = arith.constant 0 : i32
    %add3A_246 = arith.addi %mul3A_244, %add3A_245 : i32
    "tpu.region"() ({
      %run_scoped3A = tpu.sem_alloc : memref<!tpu.dma_semaphore, #tpu.memory_space<semaphore_mem>>
      %dma_start3A = arith.constant 0 : i32
      %dma_start3A_260 = tpu.memref_slice %arg2[%add3A_246, %dma_start3A] : memref<2560x128xi32, #tpu.memory_space<hbm>> -> memref<8x128xi32, #tpu.memory_space<hbm>>
      %dma_start3A_261 = arith.constant 0 : i32
      %dma_start3A_262 = tpu.memref_slice %arg2[%add3A_246, %dma_start3A_261] : memref<2560x128xi32, #tpu.memory_space<hbm>> -> memref<8x128xi32, #tpu.memory_space<hbm>>
      tpu.enqueue_dma source(%dma_start3A_262 : memref<8x128xi32, #tpu.memory_space<hbm>>) target(%arg6 : memref<8x128xi32, #tpu.memory_space<vmem>>) target_semaphore(%run_scoped3A : memref<!tpu.dma_semaphore, #tpu.memory_space<semaphore_mem>>)
      %dma_wait3A = arith.constant 0 : i32
      %dma_wait3A_263 = tpu.memref_slice %arg2[%add3A_246, %dma_wait3A] : memref<2560x128xi32, #tpu.memory_space<hbm>> -> memref<8x128xi32, #tpu.memory_space<hbm>>
      %dma_wait3A_264 = arith.constant 0 : i32
      %dma_wait3A_265 = tpu.memref_slice %arg2[%add3A_246, %dma_wait3A_264] : memref<2560x128xi32, #tpu.memory_space<hbm>> -> memref<8x128xi32, #tpu.memory_space<hbm>>
      tpu.wait_dma2 semaphore(%run_scoped3A : memref<!tpu.dma_semaphore, #tpu.memory_space<semaphore_mem>>) src(%dma_wait3A_265 : memref<8x128xi32, #tpu.memory_space<hbm>>) dst(%arg6 : memref<8x128xi32, #tpu.memory_space<vmem>>)
      tpu.yield
    }) : () -> ()
    %scan3A = arith.constant 0 : i32
    %scan3A_247 = arith.constant 0 : i32
    %scan3A_248 = arith.constant 5 : i32
    %scan3A_249 = arith.addi %scan3A_247, %scan3A_248 : i32
    %scan3A_250 = arith.constant 1 : i32
    scf.for %scan3A_260 = %scan3A_247 to %scan3A_249 step %scan3A_250  : i32 {
      %mul3A_261 = arith.constant 2 : i32
      %mul3A_262 = arith.muli %mul3A_261, %scan3A_260 : i32
      %add3A_263 = arith.constant 1 : i32
      %add3A_264 = arith.addi %mul3A_262, %add3A_263 : i32
      %add3A_265 = arith.constant 2 : i32
      %add3A_266 = arith.addi %mul3A_262, %add3A_265 : i32
      %lt3A = arith.constant 10 : i32
      %lt3A_267 = arith.cmpi slt, %add3A_264, %lt3A : i32
      %convert_element_type3A = arith.extui %lt3A_267 : i1 to i32
      %cond3A = arith.constant 0 : i32
      %cond3A_268 = arith.cmpi ne, %convert_element_type3A, %cond3A : i32
      scf.if %cond3A_268 {
        %mul3A_373 = arith.constant 8 : i32
        %mul3A_374 = arith.muli %add3A_264, %mul3A_373 : i32
        %add3A_375 = arith.addi %mul3A_244, %mul3A_374 : i32
        "tpu.region"() ({
          %run_scoped3A = tpu.sem_alloc : memref<!tpu.dma_semaphore, #tpu.memory_space<semaphore_mem>>
          %dma_start3A_376 = arith.constant 0 : i32
          %dma_start3A_377 = tpu.memref_slice %arg2[%add3A_375, %dma_start3A_376] : memref<2560x128xi32, #tpu.memory_space<hbm>> -> memref<8x128xi32, #tpu.memory_space<hbm>>
          %dma_start3A_378 = arith.constant 0 : i32
          %dma_start3A_379 = tpu.memref_slice %arg2[%add3A_375, %dma_start3A_378] : memref<2560x128xi32, #tpu.memory_space<hbm>> -> memref<8x128xi32, #tpu.memory_space<hbm>>
          tpu.enqueue_dma source(%dma_start3A_379 : memref<8x128xi32, #tpu.memory_space<hbm>>) target(%arg7 : memref<8x128xi32, #tpu.memory_space<vmem>>) target_semaphore(%run_scoped3A : memref<!tpu.dma_semaphore, #tpu.memory_space<semaphore_mem>>)
          %dma_wait3A_380 = arith.constant 0 : i32
          %dma_wait3A_381 = tpu.memref_slice %arg2[%add3A_375, %dma_wait3A_380] : memref<2560x128xi32, #tpu.memory_space<hbm>> -> memref<8x128xi32, #tpu.memory_space<hbm>>
          %dma_wait3A_382 = arith.constant 0 : i32
          %dma_wait3A_383 = tpu.memref_slice %arg2[%add3A_375, %dma_wait3A_382] : memref<2560x128xi32, #tpu.memory_space<hbm>> -> memref<8x128xi32, #tpu.memory_space<hbm>>
          tpu.wait_dma2 semaphore(%run_scoped3A : memref<!tpu.dma_semaphore, #tpu.memory_space<semaphore_mem>>) src(%dma_wait3A_383 : memref<8x128xi32, #tpu.memory_space<hbm>>) dst(%arg7 : memref<8x128xi32, #tpu.memory_space<vmem>>)
          tpu.yield
        }) : () -> ()
      } else {
      }
      %dma_start3A = arith.constant 0 : i32
      %dma_start3A_269 = arith.constant 0 : i32
      %dma_start3A_270 = tpu.memref_slice %arg6[%dma_start3A, %dma_start3A_269] : memref<8x128xi32, #tpu.memory_space<vmem>> -> memref<1x128xi32, #tpu.memory_space<vmem>>
      %dma_start3A_271 = tpu.memref_squeeze %dma_start3A_270 : memref<1x128xi32, #tpu.memory_space<vmem>> -> memref<128xi32, #tpu.memory_space<vmem>>
      %dma_start3A_272 = arith.constant 0 : i32
      %dma_start3A_273 = tpu.memref_slice %arg10[%dma_start3A_272] : memref<10240xf32, #tpu.memory_space<vmem_shared>> -> memref<10240xf32, #tpu.memory_space<vmem_shared>>
      tpu.enqueue_indirect_dma source(%arg5 : memref<128xf32, #tpu.memory_space<vmem>>) target(%dma_start3A_273 : memref<10240xf32, #tpu.memory_space<vmem_shared>>) offsets(%dma_start3A_271 : memref<128xi32, #tpu.memory_space<vmem>>) semaphore(%arg9 : memref<!tpu.dma_semaphore, #tpu.memory_space<semaphore_mem>>) {add = true}
      %dma_start3A_274 = arith.constant 1 : i32
      %dma_start3A_275 = arith.constant 0 : i32
      %dma_start3A_276 = tpu.memref_slice %arg6[%dma_start3A_274, %dma_start3A_275] : memref<8x128xi32, #tpu.memory_space<vmem>> -> memref<1x128xi32, #tpu.memory_space<vmem>>
      %dma_start3A_277 = tpu.memref_squeeze %dma_start3A_276 : memref<1x128xi32, #tpu.memory_space<vmem>> -> memref<128xi32, #tpu.memory_space<vmem>>
      %dma_start3A_278 = arith.constant 0 : i32
      %dma_start3A_279 = tpu.memref_slice %arg10[%dma_start3A_278] : memref<10240xf32, #tpu.memory_space<vmem_shared>> -> memref<10240xf32, #tpu.memory_space<vmem_shared>>
      tpu.enqueue_indirect_dma source(%arg5 : memref<128xf32, #tpu.memory_space<vmem>>) target(%dma_start3A_279 : memref<10240xf32, #tpu.memory_space<vmem_shared>>) offsets(%dma_start3A_277 : memref<128xi32, #tpu.memory_space<vmem>>) semaphore(%arg9 : memref<!tpu.dma_semaphore, #tpu.memory_space<semaphore_mem>>) {add = true}
      %dma_start3A_280 = arith.constant 2 : i32
      %dma_start3A_281 = arith.constant 0 : i32
      %dma_start3A_282 = tpu.memref_slice %arg6[%dma_start3A_280, %dma_start3A_281] : memref<8x128xi32, #tpu.memory_space<vmem>> -> memref<1x128xi32, #tpu.memory_space<vmem>>
      %dma_start3A_283 = tpu.memref_squeeze %dma_start3A_282 : memref<1x128xi32, #tpu.memory_space<vmem>> -> memref<128xi32, #tpu.memory_space<vmem>>
      %dma_start3A_284 = arith.constant 0 : i32
      %dma_start3A_285 = tpu.memref_slice %arg10[%dma_start3A_284] : memref<10240xf32, #tpu.memory_space<vmem_shared>> -> memref<10240xf32, #tpu.memory_space<vmem_shared>>
      tpu.enqueue_indirect_dma source(%arg5 : memref<128xf32, #tpu.memory_space<vmem>>) target(%dma_start3A_285 : memref<10240xf32, #tpu.memory_space<vmem_shared>>) offsets(%dma_start3A_283 : memref<128xi32, #tpu.memory_space<vmem>>) semaphore(%arg9 : memref<!tpu.dma_semaphore, #tpu.memory_space<semaphore_mem>>) {add = true}
      %dma_start3A_286 = arith.constant 3 : i32
      %dma_start3A_287 = arith.constant 0 : i32
      %dma_start3A_288 = tpu.memref_slice %arg6[%dma_start3A_286, %dma_start3A_287] : memref<8x128xi32, #tpu.memory_space<vmem>> -> memref<1x128xi32, #tpu.memory_space<vmem>>
      %dma_start3A_289 = tpu.memref_squeeze %dma_start3A_288 : memref<1x128xi32, #tpu.memory_space<vmem>> -> memref<128xi32, #tpu.memory_space<vmem>>
      %dma_start3A_290 = arith.constant 0 : i32
      %dma_start3A_291 = tpu.memref_slice %arg10[%dma_start3A_290] : memref<10240xf32, #tpu.memory_space<vmem_shared>> -> memref<10240xf32, #tpu.memory_space<vmem_shared>>
      tpu.enqueue_indirect_dma source(%arg5 : memref<128xf32, #tpu.memory_space<vmem>>) target(%dma_start3A_291 : memref<10240xf32, #tpu.memory_space<vmem_shared>>) offsets(%dma_start3A_289 : memref<128xi32, #tpu.memory_space<vmem>>) semaphore(%arg9 : memref<!tpu.dma_semaphore, #tpu.memory_space<semaphore_mem>>) {add = true}
      %dma_start3A_292 = arith.constant 4 : i32
      %dma_start3A_293 = arith.constant 0 : i32
      %dma_start3A_294 = tpu.memref_slice %arg6[%dma_start3A_292, %dma_start3A_293] : memref<8x128xi32, #tpu.memory_space<vmem>> -> memref<1x128xi32, #tpu.memory_space<vmem>>
      %dma_start3A_295 = tpu.memref_squeeze %dma_start3A_294 : memref<1x128xi32, #tpu.memory_space<vmem>> -> memref<128xi32, #tpu.memory_space<vmem>>
      %dma_start3A_296 = arith.constant 0 : i32
      %dma_start3A_297 = tpu.memref_slice %arg10[%dma_start3A_296] : memref<10240xf32, #tpu.memory_space<vmem_shared>> -> memref<10240xf32, #tpu.memory_space<vmem_shared>>
      tpu.enqueue_indirect_dma source(%arg5 : memref<128xf32, #tpu.memory_space<vmem>>) target(%dma_start3A_297 : memref<10240xf32, #tpu.memory_space<vmem_shared>>) offsets(%dma_start3A_295 : memref<128xi32, #tpu.memory_space<vmem>>) semaphore(%arg9 : memref<!tpu.dma_semaphore, #tpu.memory_space<semaphore_mem>>) {add = true}
      %dma_start3A_298 = arith.constant 5 : i32
      %dma_start3A_299 = arith.constant 0 : i32
      %dma_start3A_300 = tpu.memref_slice %arg6[%dma_start3A_298, %dma_start3A_299] : memref<8x128xi32, #tpu.memory_space<vmem>> -> memref<1x128xi32, #tpu.memory_space<vmem>>
      %dma_start3A_301 = tpu.memref_squeeze %dma_start3A_300 : memref<1x128xi32, #tpu.memory_space<vmem>> -> memref<128xi32, #tpu.memory_space<vmem>>
      %dma_start3A_302 = arith.constant 0 : i32
      %dma_start3A_303 = tpu.memref_slice %arg10[%dma_start3A_302] : memref<10240xf32, #tpu.memory_space<vmem_shared>> -> memref<10240xf32, #tpu.memory_space<vmem_shared>>
      tpu.enqueue_indirect_dma source(%arg5 : memref<128xf32, #tpu.memory_space<vmem>>) target(%dma_start3A_303 : memref<10240xf32, #tpu.memory_space<vmem_shared>>) offsets(%dma_start3A_301 : memref<128xi32, #tpu.memory_space<vmem>>) semaphore(%arg9 : memref<!tpu.dma_semaphore, #tpu.memory_space<semaphore_mem>>) {add = true}
      %dma_start3A_304 = arith.constant 6 : i32
      %dma_start3A_305 = arith.constant 0 : i32
      %dma_start3A_306 = tpu.memref_slice %arg6[%dma_start3A_304, %dma_start3A_305] : memref<8x128xi32, #tpu.memory_space<vmem>> -> memref<1x128xi32, #tpu.memory_space<vmem>>
      %dma_start3A_307 = tpu.memref_squeeze %dma_start3A_306 : memref<1x128xi32, #tpu.memory_space<vmem>> -> memref<128xi32, #tpu.memory_space<vmem>>
      %dma_start3A_308 = arith.constant 0 : i32
      %dma_start3A_309 = tpu.memref_slice %arg10[%dma_start3A_308] : memref<10240xf32, #tpu.memory_space<vmem_shared>> -> memref<10240xf32, #tpu.memory_space<vmem_shared>>
      tpu.enqueue_indirect_dma source(%arg5 : memref<128xf32, #tpu.memory_space<vmem>>) target(%dma_start3A_309 : memref<10240xf32, #tpu.memory_space<vmem_shared>>) offsets(%dma_start3A_307 : memref<128xi32, #tpu.memory_space<vmem>>) semaphore(%arg9 : memref<!tpu.dma_semaphore, #tpu.memory_space<semaphore_mem>>) {add = true}
      %dma_start3A_310 = arith.constant 7 : i32
      %dma_start3A_311 = arith.constant 0 : i32
      %dma_start3A_312 = tpu.memref_slice %arg6[%dma_start3A_310, %dma_start3A_311] : memref<8x128xi32, #tpu.memory_space<vmem>> -> memref<1x128xi32, #tpu.memory_space<vmem>>
      %dma_start3A_313 = tpu.memref_squeeze %dma_start3A_312 : memref<1x128xi32, #tpu.memory_space<vmem>> -> memref<128xi32, #tpu.memory_space<vmem>>
      %dma_start3A_314 = arith.constant 0 : i32
      %dma_start3A_315 = tpu.memref_slice %arg10[%dma_start3A_314] : memref<10240xf32, #tpu.memory_space<vmem_shared>> -> memref<10240xf32, #tpu.memory_space<vmem_shared>>
      tpu.enqueue_indirect_dma source(%arg5 : memref<128xf32, #tpu.memory_space<vmem>>) target(%dma_start3A_315 : memref<10240xf32, #tpu.memory_space<vmem_shared>>) offsets(%dma_start3A_313 : memref<128xi32, #tpu.memory_space<vmem>>) semaphore(%arg9 : memref<!tpu.dma_semaphore, #tpu.memory_space<semaphore_mem>>) {add = true}
      %dma_wait3A = arith.constant 0 : i32
      %dma_wait3A_316 = arith.constant 0 : i32
      %dma_wait3A_317 = tpu.memref_slice %arg6[%dma_wait3A, %dma_wait3A_316] : memref<8x128xi32, #tpu.memory_space<vmem>> -> memref<1x128xi32, #tpu.memory_space<vmem>>
      %dma_wait3A_318 = tpu.memref_squeeze %dma_wait3A_317 : memref<1x128xi32, #tpu.memory_space<vmem>> -> memref<128xi32, #tpu.memory_space<vmem>>
      %dma_wait3A_319 = arith.constant 0 : i32
      %dma_wait3A_320 = tpu.memref_slice %arg10[%dma_wait3A_319] : memref<10240xf32, #tpu.memory_space<vmem_shared>> -> memref<10240xf32, #tpu.memory_space<vmem_shared>>
      tpu.wait_indirect_dma semaphore(%arg9 : memref<!tpu.dma_semaphore, #tpu.memory_space<semaphore_mem>>) src(%arg5 : memref<128xf32, #tpu.memory_space<vmem>>) dst(%dma_wait3A_320 : memref<10240xf32, #tpu.memory_space<vmem_shared>>)
      %dma_wait3A_321 = arith.constant 1 : i32
      %dma_wait3A_322 = arith.constant 0 : i32
      %dma_wait3A_323 = tpu.memref_slice %arg6[%dma_wait3A_321, %dma_wait3A_322] : memref<8x128xi32, #tpu.memory_space<vmem>> -> memref<1x128xi32, #tpu.memory_space<vmem>>
      %dma_wait3A_324 = tpu.memref_squeeze %dma_wait3A_323 : memref<1x128xi32, #tpu.memory_space<vmem>> -> memref<128xi32, #tpu.memory_space<vmem>>
      %dma_wait3A_325 = arith.constant 0 : i32
      %dma_wait3A_326 = tpu.memref_slice %arg10[%dma_wait3A_325] : memref<10240xf32, #tpu.memory_space<vmem_shared>> -> memref<10240xf32, #tpu.memory_space<vmem_shared>>
      tpu.wait_indirect_dma semaphore(%arg9 : memref<!tpu.dma_semaphore, #tpu.memory_space<semaphore_mem>>) src(%arg5 : memref<128xf32, #tpu.memory_space<vmem>>) dst(%dma_wait3A_326 : memref<10240xf32, #tpu.memory_space<vmem_shared>>)
      %dma_wait3A_327 = arith.constant 2 : i32
      %dma_wait3A_328 = arith.constant 0 : i32
      %dma_wait3A_329 = tpu.memref_slice %arg6[%dma_wait3A_327, %dma_wait3A_328] : memref<8x128xi32, #tpu.memory_space<vmem>> -> memref<1x128xi32, #tpu.memory_space<vmem>>
      %dma_wait3A_330 = tpu.memref_squeeze %dma_wait3A_329 : memref<1x128xi32, #tpu.memory_space<vmem>> -> memref<128xi32, #tpu.memory_space<vmem>>
      %dma_wait3A_331 = arith.constant 0 : i32
      %dma_wait3A_332 = tpu.memref_slice %arg10[%dma_wait3A_331] : memref<10240xf32, #tpu.memory_space<vmem_shared>> -> memref<10240xf32, #tpu.memory_space<vmem_shared>>
      tpu.wait_indirect_dma semaphore(%arg9 : memref<!tpu.dma_semaphore, #tpu.memory_space<semaphore_mem>>) src(%arg5 : memref<128xf32, #tpu.memory_space<vmem>>) dst(%dma_wait3A_332 : memref<10240xf32, #tpu.memory_space<vmem_shared>>)
      %dma_wait3A_333 = arith.constant 3 : i32
      %dma_wait3A_334 = arith.constant 0 : i32
      %dma_wait3A_335 = tpu.memref_slice %arg6[%dma_wait3A_333, %dma_wait3A_334] : memref<8x128xi32, #tpu.memory_space<vmem>> -> memref<1x128xi32, #tpu.memory_space<vmem>>
      %dma_wait3A_336 = tpu.memref_squeeze %dma_wait3A_335 : memref<1x128xi32, #tpu.memory_space<vmem>> -> memref<128xi32, #tpu.memory_space<vmem>>
      %dma_wait3A_337 = arith.constant 0 : i32
      %dma_wait3A_338 = tpu.memref_slice %arg10[%dma_wait3A_337] : memref<10240xf32, #tpu.memory_space<vmem_shared>> -> memref<10240xf32, #tpu.memory_space<vmem_shared>>
      tpu.wait_indirect_dma semaphore(%arg9 : memref<!tpu.dma_semaphore, #tpu.memory_space<semaphore_mem>>) src(%arg5 : memref<128xf32, #tpu.memory_space<vmem>>) dst(%dma_wait3A_338 : memref<10240xf32, #tpu.memory_space<vmem_shared>>)
      %dma_wait3A_339 = arith.constant 4 : i32
      %dma_wait3A_340 = arith.constant 0 : i32
      %dma_wait3A_341 = tpu.memref_slice %arg6[%dma_wait3A_339, %dma_wait3A_340] : memref<8x128xi32, #tpu.memory_space<vmem>> -> memref<1x128xi32, #tpu.memory_space<vmem>>
      %dma_wait3A_342 = tpu.memref_squeeze %dma_wait3A_341 : memref<1x128xi32, #tpu.memory_space<vmem>> -> memref<128xi32, #tpu.memory_space<vmem>>
      %dma_wait3A_343 = arith.constant 0 : i32
      %dma_wait3A_344 = tpu.memref_slice %arg10[%dma_wait3A_343] : memref<10240xf32, #tpu.memory_space<vmem_shared>> -> memref<10240xf32, #tpu.memory_space<vmem_shared>>
      tpu.wait_indirect_dma semaphore(%arg9 : memref<!tpu.dma_semaphore, #tpu.memory_space<semaphore_mem>>) src(%arg5 : memref<128xf32, #tpu.memory_space<vmem>>) dst(%dma_wait3A_344 : memref<10240xf32, #tpu.memory_space<vmem_shared>>)
      %dma_wait3A_345 = arith.constant 5 : i32
      %dma_wait3A_346 = arith.constant 0 : i32
      %dma_wait3A_347 = tpu.memref_slice %arg6[%dma_wait3A_345, %dma_wait3A_346] : memref<8x128xi32, #tpu.memory_space<vmem>> -> memref<1x128xi32, #tpu.memory_space<vmem>>
      %dma_wait3A_348 = tpu.memref_squeeze %dma_wait3A_347 : memref<1x128xi32, #tpu.memory_space<vmem>> -> memref<128xi32, #tpu.memory_space<vmem>>
      %dma_wait3A_349 = arith.constant 0 : i32
      %dma_wait3A_350 = tpu.memref_slice %arg10[%dma_wait3A_349] : memref<10240xf32, #tpu.memory_space<vmem_shared>> -> memref<10240xf32, #tpu.memory_space<vmem_shared>>
      tpu.wait_indirect_dma semaphore(%arg9 : memref<!tpu.dma_semaphore, #tpu.memory_space<semaphore_mem>>) src(%arg5 : memref<128xf32, #tpu.memory_space<vmem>>) dst(%dma_wait3A_350 : memref<10240xf32, #tpu.memory_space<vmem_shared>>)
      %dma_wait3A_351 = arith.constant 6 : i32
      %dma_wait3A_352 = arith.constant 0 : i32
      %dma_wait3A_353 = tpu.memref_slice %arg6[%dma_wait3A_351, %dma_wait3A_352] : memref<8x128xi32, #tpu.memory_space<vmem>> -> memref<1x128xi32, #tpu.memory_space<vmem>>
      %dma_wait3A_354 = tpu.memref_squeeze %dma_wait3A_353 : memref<1x128xi32, #tpu.memory_space<vmem>> -> memref<128xi32, #tpu.memory_space<vmem>>
      %dma_wait3A_355 = arith.constant 0 : i32
      %dma_wait3A_356 = tpu.memref_slice %arg10[%dma_wait3A_355] : memref<10240xf32, #tpu.memory_space<vmem_shared>> -> memref<10240xf32, #tpu.memory_space<vmem_shared>>
      tpu.wait_indirect_dma semaphore(%arg9 : memref<!tpu.dma_semaphore, #tpu.memory_space<semaphore_mem>>) src(%arg5 : memref<128xf32, #tpu.memory_space<vmem>>) dst(%dma_wait3A_356 : memref<10240xf32, #tpu.memory_space<vmem_shared>>)
      %dma_wait3A_357 = arith.constant 7 : i32
      %dma_wait3A_358 = arith.constant 0 : i32
      %dma_wait3A_359 = tpu.memref_slice %arg6[%dma_wait3A_357, %dma_wait3A_358] : memref<8x128xi32, #tpu.memory_space<vmem>> -> memref<1x128xi32, #tpu.memory_space<vmem>>
      %dma_wait3A_360 = tpu.memref_squeeze %dma_wait3A_359 : memref<1x128xi32, #tpu.memory_space<vmem>> -> memref<128xi32, #tpu.memory_space<vmem>>
      %dma_wait3A_361 = arith.constant 0 : i32
      %dma_wait3A_362 = tpu.memref_slice %arg10[%dma_wait3A_361] : memref<10240xf32, #tpu.memory_space<vmem_shared>> -> memref<10240xf32, #tpu.memory_space<vmem_shared>>
      tpu.wait_indirect_dma semaphore(%arg9 : memref<!tpu.dma_semaphore, #tpu.memory_space<semaphore_mem>>) src(%arg5 : memref<128xf32, #tpu.memory_space<vmem>>) dst(%dma_wait3A_362 : memref<10240xf32, #tpu.memory_space<vmem_shared>>)
      %lt3A_363 = arith.constant 10 : i32
      %lt3A_364 = arith.cmpi slt, %add3A_266, %lt3A_363 : i32
      %convert_element_type3A_365 = arith.extui %lt3A_364 : i1 to i32
      %cond3A_366 = arith.constant 0 : i32
      %cond3A_367 = arith.cmpi ne, %convert_element_type3A_365, %cond3A_366 : i32
      scf.if %cond3A_367 {
        %mul3A_373 = arith.constant 8 : i32
        %mul3A_374 = arith.muli %add3A_266, %mul3A_373 : i32
        %add3A_375 = arith.addi %mul3A_244, %mul3A_374 : i32
        "tpu.region"() ({
          %run_scoped3A = tpu.sem_alloc : memref<!tpu.dma_semaphore, #tpu.memory_space<semaphore_mem>>
          %dma_start3A_376 = arith.constant 0 : i32
          %dma_start3A_377 = tpu.memref_slice %arg2[%add3A_375, %dma_start3A_376] : memref<2560x128xi32, #tpu.memory_space<hbm>> -> memref<8x128xi32, #tpu.memory_space<hbm>>
          %dma_start3A_378 = arith.constant 0 : i32
          %dma_start3A_379 = tpu.memref_slice %arg2[%add3A_375, %dma_start3A_378] : memref<2560x128xi32, #tpu.memory_space<hbm>> -> memref<8x128xi32, #tpu.memory_space<hbm>>
          tpu.enqueue_dma source(%dma_start3A_379 : memref<8x128xi32, #tpu.memory_space<hbm>>) target(%arg6 : memref<8x128xi32, #tpu.memory_space<vmem>>) target_semaphore(%run_scoped3A : memref<!tpu.dma_semaphore, #tpu.memory_space<semaphore_mem>>)
          %dma_wait3A_380 = arith.constant 0 : i32
          %dma_wait3A_381 = tpu.memref_slice %arg2[%add3A_375, %dma_wait3A_380] : memref<2560x128xi32, #tpu.memory_space<hbm>> -> memref<8x128xi32, #tpu.memory_space<hbm>>
          %dma_wait3A_382 = arith.constant 0 : i32
          %dma_wait3A_383 = tpu.memref_slice %arg2[%add3A_375, %dma_wait3A_382] : memref<2560x128xi32, #tpu.memory_space<hbm>> -> memref<8x128xi32, #tpu.memory_space<hbm>>
          tpu.wait_dma2 semaphore(%run_scoped3A : memref<!tpu.dma_semaphore, #tpu.memory_space<semaphore_mem>>) src(%dma_wait3A_383 : memref<8x128xi32, #tpu.memory_space<hbm>>) dst(%arg6 : memref<8x128xi32, #tpu.memory_space<vmem>>)
          tpu.yield
        }) : () -> ()
      } else {
      }
      %lt3A_368 = arith.constant 10 : i32
      %lt3A_369 = arith.cmpi slt, %add3A_264, %lt3A_368 : i32
      %convert_element_type3A_370 = arith.extui %lt3A_369 : i1 to i32
      %cond3A_371 = arith.constant 0 : i32
      %cond3A_372 = arith.cmpi ne, %convert_element_type3A_370, %cond3A_371 : i32
      scf.if %cond3A_372 {
        %dma_start3A_373 = arith.constant 0 : i32
        %dma_start3A_374 = arith.constant 0 : i32
        %dma_start3A_375 = tpu.memref_slice %arg7[%dma_start3A_373, %dma_start3A_374] : memref<8x128xi32, #tpu.memory_space<vmem>> -> memref<1x128xi32, #tpu.memory_space<vmem>>
        %dma_start3A_376 = tpu.memref_squeeze %dma_start3A_375 : memref<1x128xi32, #tpu.memory_space<vmem>> -> memref<128xi32, #tpu.memory_space<vmem>>
        %dma_start3A_377 = arith.constant 0 : i32
        %dma_start3A_378 = tpu.memref_slice %arg10[%dma_start3A_377] : memref<10240xf32, #tpu.memory_space<vmem_shared>> -> memref<10240xf32, #tpu.memory_space<vmem_shared>>
        tpu.enqueue_indirect_dma source(%arg5 : memref<128xf32, #tpu.memory_space<vmem>>) target(%dma_start3A_378 : memref<10240xf32, #tpu.memory_space<vmem_shared>>) offsets(%dma_start3A_376 : memref<128xi32, #tpu.memory_space<vmem>>) semaphore(%arg9 : memref<!tpu.dma_semaphore, #tpu.memory_space<semaphore_mem>>) {add = true}
        %dma_start3A_379 = arith.constant 1 : i32
        %dma_start3A_380 = arith.constant 0 : i32
        %dma_start3A_381 = tpu.memref_slice %arg7[%dma_start3A_379, %dma_start3A_380] : memref<8x128xi32, #tpu.memory_space<vmem>> -> memref<1x128xi32, #tpu.memory_space<vmem>>
        %dma_start3A_382 = tpu.memref_squeeze %dma_start3A_381 : memref<1x128xi32, #tpu.memory_space<vmem>> -> memref<128xi32, #tpu.memory_space<vmem>>
        %dma_start3A_383 = arith.constant 0 : i32
        %dma_start3A_384 = tpu.memref_slice %arg10[%dma_start3A_383] : memref<10240xf32, #tpu.memory_space<vmem_shared>> -> memref<10240xf32, #tpu.memory_space<vmem_shared>>
        tpu.enqueue_indirect_dma source(%arg5 : memref<128xf32, #tpu.memory_space<vmem>>) target(%dma_start3A_384 : memref<10240xf32, #tpu.memory_space<vmem_shared>>) offsets(%dma_start3A_382 : memref<128xi32, #tpu.memory_space<vmem>>) semaphore(%arg9 : memref<!tpu.dma_semaphore, #tpu.memory_space<semaphore_mem>>) {add = true}
        %dma_start3A_385 = arith.constant 2 : i32
        %dma_start3A_386 = arith.constant 0 : i32
        %dma_start3A_387 = tpu.memref_slice %arg7[%dma_start3A_385, %dma_start3A_386] : memref<8x128xi32, #tpu.memory_space<vmem>> -> memref<1x128xi32, #tpu.memory_space<vmem>>
        %dma_start3A_388 = tpu.memref_squeeze %dma_start3A_387 : memref<1x128xi32, #tpu.memory_space<vmem>> -> memref<128xi32, #tpu.memory_space<vmem>>
        %dma_start3A_389 = arith.constant 0 : i32
        %dma_start3A_390 = tpu.memref_slice %arg10[%dma_start3A_389] : memref<10240xf32, #tpu.memory_space<vmem_shared>> -> memref<10240xf32, #tpu.memory_space<vmem_shared>>
        tpu.enqueue_indirect_dma source(%arg5 : memref<128xf32, #tpu.memory_space<vmem>>) target(%dma_start3A_390 : memref<10240xf32, #tpu.memory_space<vmem_shared>>) offsets(%dma_start3A_388 : memref<128xi32, #tpu.memory_space<vmem>>) semaphore(%arg9 : memref<!tpu.dma_semaphore, #tpu.memory_space<semaphore_mem>>) {add = true}
        %dma_start3A_391 = arith.constant 3 : i32
        %dma_start3A_392 = arith.constant 0 : i32
        %dma_start3A_393 = tpu.memref_slice %arg7[%dma_start3A_391, %dma_start3A_392] : memref<8x128xi32, #tpu.memory_space<vmem>> -> memref<1x128xi32, #tpu.memory_space<vmem>>
        %dma_start3A_394 = tpu.memref_squeeze %dma_start3A_393 : memref<1x128xi32, #tpu.memory_space<vmem>> -> memref<128xi32, #tpu.memory_space<vmem>>
        %dma_start3A_395 = arith.constant 0 : i32
        %dma_start3A_396 = tpu.memref_slice %arg10[%dma_start3A_395] : memref<10240xf32, #tpu.memory_space<vmem_shared>> -> memref<10240xf32, #tpu.memory_space<vmem_shared>>
        tpu.enqueue_indirect_dma source(%arg5 : memref<128xf32, #tpu.memory_space<vmem>>) target(%dma_start3A_396 : memref<10240xf32, #tpu.memory_space<vmem_shared>>) offsets(%dma_start3A_394 : memref<128xi32, #tpu.memory_space<vmem>>) semaphore(%arg9 : memref<!tpu.dma_semaphore, #tpu.memory_space<semaphore_mem>>) {add = true}
        %dma_start3A_397 = arith.constant 4 : i32
        %dma_start3A_398 = arith.constant 0 : i32
        %dma_start3A_399 = tpu.memref_slice %arg7[%dma_start3A_397, %dma_start3A_398] : memref<8x128xi32, #tpu.memory_space<vmem>> -> memref<1x128xi32, #tpu.memory_space<vmem>>
        %dma_start3A_400 = tpu.memref_squeeze %dma_start3A_399 : memref<1x128xi32, #tpu.memory_space<vmem>> -> memref<128xi32, #tpu.memory_space<vmem>>
        %dma_start3A_401 = arith.constant 0 : i32
        %dma_start3A_402 = tpu.memref_slice %arg10[%dma_start3A_401] : memref<10240xf32, #tpu.memory_space<vmem_shared>> -> memref<10240xf32, #tpu.memory_space<vmem_shared>>
        tpu.enqueue_indirect_dma source(%arg5 : memref<128xf32, #tpu.memory_space<vmem>>) target(%dma_start3A_402 : memref<10240xf32, #tpu.memory_space<vmem_shared>>) offsets(%dma_start3A_400 : memref<128xi32, #tpu.memory_space<vmem>>) semaphore(%arg9 : memref<!tpu.dma_semaphore, #tpu.memory_space<semaphore_mem>>) {add = true}
        %dma_start3A_403 = arith.constant 5 : i32
        %dma_start3A_404 = arith.constant 0 : i32
        %dma_start3A_405 = tpu.memref_slice %arg7[%dma_start3A_403, %dma_start3A_404] : memref<8x128xi32, #tpu.memory_space<vmem>> -> memref<1x128xi32, #tpu.memory_space<vmem>>
        %dma_start3A_406 = tpu.memref_squeeze %dma_start3A_405 : memref<1x128xi32, #tpu.memory_space<vmem>> -> memref<128xi32, #tpu.memory_space<vmem>>
        %dma_start3A_407 = arith.constant 0 : i32
        %dma_start3A_408 = tpu.memref_slice %arg10[%dma_start3A_407] : memref<10240xf32, #tpu.memory_space<vmem_shared>> -> memref<10240xf32, #tpu.memory_space<vmem_shared>>
        tpu.enqueue_indirect_dma source(%arg5 : memref<128xf32, #tpu.memory_space<vmem>>) target(%dma_start3A_408 : memref<10240xf32, #tpu.memory_space<vmem_shared>>) offsets(%dma_start3A_406 : memref<128xi32, #tpu.memory_space<vmem>>) semaphore(%arg9 : memref<!tpu.dma_semaphore, #tpu.memory_space<semaphore_mem>>) {add = true}
        %dma_start3A_409 = arith.constant 6 : i32
        %dma_start3A_410 = arith.constant 0 : i32
        %dma_start3A_411 = tpu.memref_slice %arg7[%dma_start3A_409, %dma_start3A_410] : memref<8x128xi32, #tpu.memory_space<vmem>> -> memref<1x128xi32, #tpu.memory_space<vmem>>
        %dma_start3A_412 = tpu.memref_squeeze %dma_start3A_411 : memref<1x128xi32, #tpu.memory_space<vmem>> -> memref<128xi32, #tpu.memory_space<vmem>>
        %dma_start3A_413 = arith.constant 0 : i32
        %dma_start3A_414 = tpu.memref_slice %arg10[%dma_start3A_413] : memref<10240xf32, #tpu.memory_space<vmem_shared>> -> memref<10240xf32, #tpu.memory_space<vmem_shared>>
        tpu.enqueue_indirect_dma source(%arg5 : memref<128xf32, #tpu.memory_space<vmem>>) target(%dma_start3A_414 : memref<10240xf32, #tpu.memory_space<vmem_shared>>) offsets(%dma_start3A_412 : memref<128xi32, #tpu.memory_space<vmem>>) semaphore(%arg9 : memref<!tpu.dma_semaphore, #tpu.memory_space<semaphore_mem>>) {add = true}
        %dma_start3A_415 = arith.constant 7 : i32
        %dma_start3A_416 = arith.constant 0 : i32
        %dma_start3A_417 = tpu.memref_slice %arg7[%dma_start3A_415, %dma_start3A_416] : memref<8x128xi32, #tpu.memory_space<vmem>> -> memref<1x128xi32, #tpu.memory_space<vmem>>
        %dma_start3A_418 = tpu.memref_squeeze %dma_start3A_417 : memref<1x128xi32, #tpu.memory_space<vmem>> -> memref<128xi32, #tpu.memory_space<vmem>>
        %dma_start3A_419 = arith.constant 0 : i32
        %dma_start3A_420 = tpu.memref_slice %arg10[%dma_start3A_419] : memref<10240xf32, #tpu.memory_space<vmem_shared>> -> memref<10240xf32, #tpu.memory_space<vmem_shared>>
        tpu.enqueue_indirect_dma source(%arg5 : memref<128xf32, #tpu.memory_space<vmem>>) target(%dma_start3A_420 : memref<10240xf32, #tpu.memory_space<vmem_shared>>) offsets(%dma_start3A_418 : memref<128xi32, #tpu.memory_space<vmem>>) semaphore(%arg9 : memref<!tpu.dma_semaphore, #tpu.memory_space<semaphore_mem>>) {add = true}
        %dma_wait3A_421 = arith.constant 0 : i32
        %dma_wait3A_422 = arith.constant 0 : i32
        %dma_wait3A_423 = tpu.memref_slice %arg7[%dma_wait3A_421, %dma_wait3A_422] : memref<8x128xi32, #tpu.memory_space<vmem>> -> memref<1x128xi32, #tpu.memory_space<vmem>>
        %dma_wait3A_424 = tpu.memref_squeeze %dma_wait3A_423 : memref<1x128xi32, #tpu.memory_space<vmem>> -> memref<128xi32, #tpu.memory_space<vmem>>
        %dma_wait3A_425 = arith.constant 0 : i32
        %dma_wait3A_426 = tpu.memref_slice %arg10[%dma_wait3A_425] : memref<10240xf32, #tpu.memory_space<vmem_shared>> -> memref<10240xf32, #tpu.memory_space<vmem_shared>>
        tpu.wait_indirect_dma semaphore(%arg9 : memref<!tpu.dma_semaphore, #tpu.memory_space<semaphore_mem>>) src(%arg5 : memref<128xf32, #tpu.memory_space<vmem>>) dst(%dma_wait3A_426 : memref<10240xf32, #tpu.memory_space<vmem_shared>>)
        %dma_wait3A_427 = arith.constant 1 : i32
        %dma_wait3A_428 = arith.constant 0 : i32
        %dma_wait3A_429 = tpu.memref_slice %arg7[%dma_wait3A_427, %dma_wait3A_428] : memref<8x128xi32, #tpu.memory_space<vmem>> -> memref<1x128xi32, #tpu.memory_space<vmem>>
        %dma_wait3A_430 = tpu.memref_squeeze %dma_wait3A_429 : memref<1x128xi32, #tpu.memory_space<vmem>> -> memref<128xi32, #tpu.memory_space<vmem>>
        %dma_wait3A_431 = arith.constant 0 : i32
        %dma_wait3A_432 = tpu.memref_slice %arg10[%dma_wait3A_431] : memref<10240xf32, #tpu.memory_space<vmem_shared>> -> memref<10240xf32, #tpu.memory_space<vmem_shared>>
        tpu.wait_indirect_dma semaphore(%arg9 : memref<!tpu.dma_semaphore, #tpu.memory_space<semaphore_mem>>) src(%arg5 : memref<128xf32, #tpu.memory_space<vmem>>) dst(%dma_wait3A_432 : memref<10240xf32, #tpu.memory_space<vmem_shared>>)
        %dma_wait3A_433 = arith.constant 2 : i32
        %dma_wait3A_434 = arith.constant 0 : i32
        %dma_wait3A_435 = tpu.memref_slice %arg7[%dma_wait3A_433, %dma_wait3A_434] : memref<8x128xi32, #tpu.memory_space<vmem>> -> memref<1x128xi32, #tpu.memory_space<vmem>>
        %dma_wait3A_436 = tpu.memref_squeeze %dma_wait3A_435 : memref<1x128xi32, #tpu.memory_space<vmem>> -> memref<128xi32, #tpu.memory_space<vmem>>
        %dma_wait3A_437 = arith.constant 0 : i32
        %dma_wait3A_438 = tpu.memref_slice %arg10[%dma_wait3A_437] : memref<10240xf32, #tpu.memory_space<vmem_shared>> -> memref<10240xf32, #tpu.memory_space<vmem_shared>>
        tpu.wait_indirect_dma semaphore(%arg9 : memref<!tpu.dma_semaphore, #tpu.memory_space<semaphore_mem>>) src(%arg5 : memref<128xf32, #tpu.memory_space<vmem>>) dst(%dma_wait3A_438 : memref<10240xf32, #tpu.memory_space<vmem_shared>>)
        %dma_wait3A_439 = arith.constant 3 : i32
        %dma_wait3A_440 = arith.constant 0 : i32
        %dma_wait3A_441 = tpu.memref_slice %arg7[%dma_wait3A_439, %dma_wait3A_440] : memref<8x128xi32, #tpu.memory_space<vmem>> -> memref<1x128xi32, #tpu.memory_space<vmem>>
        %dma_wait3A_442 = tpu.memref_squeeze %dma_wait3A_441 : memref<1x128xi32, #tpu.memory_space<vmem>> -> memref<128xi32, #tpu.memory_space<vmem>>
        %dma_wait3A_443 = arith.constant 0 : i32
        %dma_wait3A_444 = tpu.memref_slice %arg10[%dma_wait3A_443] : memref<10240xf32, #tpu.memory_space<vmem_shared>> -> memref<10240xf32, #tpu.memory_space<vmem_shared>>
        tpu.wait_indirect_dma semaphore(%arg9 : memref<!tpu.dma_semaphore, #tpu.memory_space<semaphore_mem>>) src(%arg5 : memref<128xf32, #tpu.memory_space<vmem>>) dst(%dma_wait3A_444 : memref<10240xf32, #tpu.memory_space<vmem_shared>>)
        %dma_wait3A_445 = arith.constant 4 : i32
        %dma_wait3A_446 = arith.constant 0 : i32
        %dma_wait3A_447 = tpu.memref_slice %arg7[%dma_wait3A_445, %dma_wait3A_446] : memref<8x128xi32, #tpu.memory_space<vmem>> -> memref<1x128xi32, #tpu.memory_space<vmem>>
        %dma_wait3A_448 = tpu.memref_squeeze %dma_wait3A_447 : memref<1x128xi32, #tpu.memory_space<vmem>> -> memref<128xi32, #tpu.memory_space<vmem>>
        %dma_wait3A_449 = arith.constant 0 : i32
        %dma_wait3A_450 = tpu.memref_slice %arg10[%dma_wait3A_449] : memref<10240xf32, #tpu.memory_space<vmem_shared>> -> memref<10240xf32, #tpu.memory_space<vmem_shared>>
        tpu.wait_indirect_dma semaphore(%arg9 : memref<!tpu.dma_semaphore, #tpu.memory_space<semaphore_mem>>) src(%arg5 : memref<128xf32, #tpu.memory_space<vmem>>) dst(%dma_wait3A_450 : memref<10240xf32, #tpu.memory_space<vmem_shared>>)
        %dma_wait3A_451 = arith.constant 5 : i32
        %dma_wait3A_452 = arith.constant 0 : i32
        %dma_wait3A_453 = tpu.memref_slice %arg7[%dma_wait3A_451, %dma_wait3A_452] : memref<8x128xi32, #tpu.memory_space<vmem>> -> memref<1x128xi32, #tpu.memory_space<vmem>>
        %dma_wait3A_454 = tpu.memref_squeeze %dma_wait3A_453 : memref<1x128xi32, #tpu.memory_space<vmem>> -> memref<128xi32, #tpu.memory_space<vmem>>
        %dma_wait3A_455 = arith.constant 0 : i32
        %dma_wait3A_456 = tpu.memref_slice %arg10[%dma_wait3A_455] : memref<10240xf32, #tpu.memory_space<vmem_shared>> -> memref<10240xf32, #tpu.memory_space<vmem_shared>>
        tpu.wait_indirect_dma semaphore(%arg9 : memref<!tpu.dma_semaphore, #tpu.memory_space<semaphore_mem>>) src(%arg5 : memref<128xf32, #tpu.memory_space<vmem>>) dst(%dma_wait3A_456 : memref<10240xf32, #tpu.memory_space<vmem_shared>>)
        %dma_wait3A_457 = arith.constant 6 : i32
        %dma_wait3A_458 = arith.constant 0 : i32
        %dma_wait3A_459 = tpu.memref_slice %arg7[%dma_wait3A_457, %dma_wait3A_458] : memref<8x128xi32, #tpu.memory_space<vmem>> -> memref<1x128xi32, #tpu.memory_space<vmem>>
        %dma_wait3A_460 = tpu.memref_squeeze %dma_wait3A_459 : memref<1x128xi32, #tpu.memory_space<vmem>> -> memref<128xi32, #tpu.memory_space<vmem>>
        %dma_wait3A_461 = arith.constant 0 : i32
        %dma_wait3A_462 = tpu.memref_slice %arg10[%dma_wait3A_461] : memref<10240xf32, #tpu.memory_space<vmem_shared>> -> memref<10240xf32, #tpu.memory_space<vmem_shared>>
        tpu.wait_indirect_dma semaphore(%arg9 : memref<!tpu.dma_semaphore, #tpu.memory_space<semaphore_mem>>) src(%arg5 : memref<128xf32, #tpu.memory_space<vmem>>) dst(%dma_wait3A_462 : memref<10240xf32, #tpu.memory_space<vmem_shared>>)
        %dma_wait3A_463 = arith.constant 7 : i32
        %dma_wait3A_464 = arith.constant 0 : i32
        %dma_wait3A_465 = tpu.memref_slice %arg7[%dma_wait3A_463, %dma_wait3A_464] : memref<8x128xi32, #tpu.memory_space<vmem>> -> memref<1x128xi32, #tpu.memory_space<vmem>>
        %dma_wait3A_466 = tpu.memref_squeeze %dma_wait3A_465 : memref<1x128xi32, #tpu.memory_space<vmem>> -> memref<128xi32, #tpu.memory_space<vmem>>
        %dma_wait3A_467 = arith.constant 0 : i32
        %dma_wait3A_468 = tpu.memref_slice %arg10[%dma_wait3A_467] : memref<10240xf32, #tpu.memory_space<vmem_shared>> -> memref<10240xf32, #tpu.memory_space<vmem_shared>>
        tpu.wait_indirect_dma semaphore(%arg9 : memref<!tpu.dma_semaphore, #tpu.memory_space<semaphore_mem>>) src(%arg5 : memref<128xf32, #tpu.memory_space<vmem>>) dst(%dma_wait3A_468 : memref<10240xf32, #tpu.memory_space<vmem_shared>>)
      } else {
      }
    }
    %scan3A_251 = arith.constant 5 : i32
    %barrier3A_252 = arith.constant 0 : index
    tpu.barrier barrier_id(%barrier3A_252)
    %mul3A_253 = arith.constant 640 : i32
    %mul3A_254 = arith.muli %arg1, %mul3A_253 : i32
    "tpu.region"() ({
      %run_scoped3A = tpu.sem_alloc : memref<!tpu.dma_semaphore, #tpu.memory_space<semaphore_mem>>
      %dma_start3A = tpu.memref_slice %arg10[%mul3A_254] : memref<10240xf32, #tpu.memory_space<vmem_shared>> -> memref<640xf32, #tpu.memory_space<vmem_shared>>
      %dma_start3A_260 = tpu.memref_slice %arg10[%mul3A_254] : memref<10240xf32, #tpu.memory_space<vmem_shared>> -> memref<640xf32, #tpu.memory_space<vmem_shared>>
      tpu.enqueue_dma source(%dma_start3A_260 : memref<640xf32, #tpu.memory_space<vmem_shared>>) target(%arg8 : memref<640xf32, #tpu.memory_space<vmem>>) target_semaphore(%run_scoped3A : memref<!tpu.dma_semaphore, #tpu.memory_space<semaphore_mem>>)
      %dma_wait3A = tpu.memref_slice %arg10[%mul3A_254] : memref<10240xf32, #tpu.memory_space<vmem_shared>> -> memref<640xf32, #tpu.memory_space<vmem_shared>>
      %dma_wait3A_261 = tpu.memref_slice %arg10[%mul3A_254] : memref<10240xf32, #tpu.memory_space<vmem_shared>> -> memref<640xf32, #tpu.memory_space<vmem_shared>>
      tpu.wait_dma2 semaphore(%run_scoped3A : memref<!tpu.dma_semaphore, #tpu.memory_space<semaphore_mem>>) src(%dma_wait3A_261 : memref<640xf32, #tpu.memory_space<vmem_shared>>) dst(%arg8 : memref<640xf32, #tpu.memory_space<vmem>>)
      tpu.yield
    }) : () -> ()
    %mul3A_255 = arith.constant 10240 : i32
    %mul3A_256 = arith.muli %arg0, %mul3A_255 : i32
    %mul3A_257 = arith.constant 640 : i32
    %mul3A_258 = arith.muli %arg1, %mul3A_257 : i32
    %add3A_259 = arith.addi %mul3A_256, %mul3A_258 : i32
    "tpu.region"() ({
      %run_scoped3A = tpu.sem_alloc : memref<!tpu.dma_semaphore, #tpu.memory_space<semaphore_mem>>
      %dma_start3A = tpu.memref_slice %arg4[%add3A_259] : memref<20480xf32, #tpu.memory_space<hbm>> -> memref<640xf32, #tpu.memory_space<hbm>>
      %dma_start3A_260 = tpu.memref_slice %arg4[%add3A_259] : memref<20480xf32, #tpu.memory_space<hbm>> -> memref<640xf32, #tpu.memory_space<hbm>>
      tpu.enqueue_dma source(%arg8 : memref<640xf32, #tpu.memory_space<vmem>>) target(%dma_start3A_260 : memref<640xf32, #tpu.memory_space<hbm>>) target_semaphore(%run_scoped3A : memref<!tpu.dma_semaphore, #tpu.memory_space<semaphore_mem>>)
      %dma_wait3A = tpu.memref_slice %arg4[%add3A_259] : memref<20480xf32, #tpu.memory_space<hbm>> -> memref<640xf32, #tpu.memory_space<hbm>>
      %dma_wait3A_261 = tpu.memref_slice %arg4[%add3A_259] : memref<20480xf32, #tpu.memory_space<hbm>> -> memref<640xf32, #tpu.memory_space<hbm>>
      tpu.wait_dma2 semaphore(%run_scoped3A : memref<!tpu.dma_semaphore, #tpu.memory_space<semaphore_mem>>) src(%arg8 : memref<640xf32, #tpu.memory_space<vmem>>) dst(%dma_wait3A_261 : memref<640xf32, #tpu.memory_space<hbm>>)
      tpu.yield
    }) : () -> ()
    return
  }
}

module attributes {stable_mosaic.version = 14 : i64} {
  func.func @_lin1_body(%arg0: i32, %arg1: memref<2000x128xf32, #tpu.memory_space<vmem>>, %arg2: memref<128x128xf32, #tpu.memory_space<vmem>>, %arg3: memref<2000x1xf32, #tpu.memory_space<vmem>>, %arg4: memref<2000x1xf32, #tpu.memory_space<vmem>>, %arg5: memref<2000x128xf32, #tpu.memory_space<vmem>>, %arg6: memref<2000x8xf32, #tpu.memory_space<vmem>>) attributes {dimension_semantics = [#tpu.dimension_semantics<arbitrary>], iteration_bounds = array<i64: 5>, scalar_prefetch = 0 : i64, scratch_operands = 0 : i64, tpu.core_type = #tpu.core_type<tc>, window_params = [{transform_indices = @transform_0, window_bounds = array<i64: 2000, 128>}, {pipeline_mode = #tpu.pipeline_mode<synchronous>, transform_indices = @transform_1, window_bounds = array<i64: 128, 128>}, {transform_indices = @transform_2, window_bounds = array<i64: 2000, 1>}, {transform_indices = @transform_3, window_bounds = array<i64: 2000, 1>}, {transform_indices = @transform_4, window_bounds = array<i64: 2000, 128>}, {transform_indices = @transform_5, window_bounds = array<i64: 2000, 8>}]} {
    %get3A = arith.constant 0 : index
    %get3A_0 = arith.constant 0 : index
    %get3A_1 = vector.load %arg3[%get3A, %get3A_0] : memref<2000x1xf32, #tpu.memory_space<vmem>>, vector<2000x1xf32>
    %get3A_2 = arith.constant 0 : index
    %get3A_3 = arith.constant 0 : index
    %get3A_4 = vector.load %arg4[%get3A_2, %get3A_3] : memref<2000x1xf32, #tpu.memory_space<vmem>>, vector<2000x1xf32>
    %add3A = arith.addf %get3A_1, %get3A_4 : vector<2000x1xf32>
    %add3A_5 = arith.constant 1.000000e+00 : f32
    %add3A_6 = vector.broadcast %add3A_5 : f32 to vector<2000x1xf32>
    %add3A_7 = arith.addf %add3A, %add3A_6 : vector<2000x1xf32>
    %rsqrt3A = math.rsqrt %add3A_7 : vector<2000x1xf32>
    %broadcast_in_dim3A = vector.shape_cast %rsqrt3A : vector<2000x1xf32> to vector<2000x1xf32>
    %broadcast_in_dim3A_8 = vector.broadcast %broadcast_in_dim3A : vector<2000x1xf32> to vector<2000x8xf32>
    %swap3A = arith.constant 0 : index
    %swap3A_9 = arith.constant 0 : index
    %swap3A_10 = vector.load %arg6[%swap3A, %swap3A_9] : memref<2000x8xf32, #tpu.memory_space<vmem>>, vector<2000x8xf32>
    tpu.vector_store %arg6[%swap3A, %swap3A_9], %broadcast_in_dim3A_8 {strides = array<i32>} : memref<2000x8xf32, #tpu.memory_space<vmem>>, vector<2000x8xf32>,
    %get3A_11 = arith.constant 0 : index
    %get3A_12 = arith.constant 0 : index
    %get3A_13 = vector.load %arg1[%get3A_11, %get3A_12] : memref<2000x128xf32, #tpu.memory_space<vmem>>, vector<2000x128xf32>
    %get3A_14 = arith.constant 0 : index
    %get3A_15 = arith.constant 0 : index
    %get3A_16 = vector.load %arg2[%get3A_14, %get3A_15] : memref<128x128xf32, #tpu.memory_space<vmem>>, vector<128x128xf32>
    %dot_general3A = arith.constant dense<0.000000e+00> : vector<2000x128xf32>
    %dot_general3A_17 = tpu.matmul %get3A_13, %get3A_16, %dot_general3A {dimension_numbers = #tpu.dot_dimension_numbers<[1], [0], [0], [1], [0, 0, 1, 1], [], []>, transpose_lhs_hint = false} : vector<2000x128xf32>, vector<128x128xf32>, vector<2000x128xf32> -> vector<2000x128xf32>
    %mul3A = vector.broadcast %rsqrt3A : vector<2000x1xf32> to vector<2000x128xf32>
    %mul3A_18 = arith.mulf %mul3A, %dot_general3A_17 : vector<2000x128xf32>
    %swap3A_19 = arith.constant 0 : index
    %swap3A_20 = arith.constant 0 : index
    %swap3A_21 = vector.load %arg5[%swap3A_19, %swap3A_20] : memref<2000x128xf32, #tpu.memory_space<vmem>>, vector<2000x128xf32>
    tpu.vector_store %arg5[%swap3A_19, %swap3A_20], %mul3A_18 {strides = array<i32>} : memref<2000x128xf32, #tpu.memory_space<vmem>>, vector<2000x128xf32>,
    return
  }
  func.func @transform_0(%arg0: i32) -> (i32, i32) {
    %c0_i32 = arith.constant 0 : i32
    %c0_i32_0 = arith.constant 0 : i32
    return %arg0, %c0_i32 : i32, i32
  }
  func.func @transform_1(%arg0: i32) -> (i32, i32) {
    %c0_i32 = arith.constant 0 : i32
    %c0_i32_0 = arith.constant 0 : i32
    %c0_i32_1 = arith.constant 0 : i32
    return %c0_i32, %c0_i32_0 : i32, i32
  }
  func.func @transform_2(%arg0: i32) -> (i32, i32) {
    %c0_i32 = arith.constant 0 : i32
    %c0_i32_0 = arith.constant 0 : i32
    return %arg0, %c0_i32 : i32, i32
  }
  func.func @transform_3(%arg0: i32) -> (i32, i32) {
    %c0_i32 = arith.constant 0 : i32
    %c0_i32_0 = arith.constant 0 : i32
    return %arg0, %c0_i32 : i32, i32
  }
  func.func @transform_4(%arg0: i32) -> (i32, i32) {
    %c0_i32 = arith.constant 0 : i32
    %c0_i32_0 = arith.constant 0 : i32
    return %arg0, %c0_i32 : i32, i32
  }
  func.func @transform_5(%arg0: i32) -> (i32, i32) {
    %c0_i32 = arith.constant 0 : i32
    %c0_i32_0 = arith.constant 0 : i32
    return %arg0, %c0_i32 : i32, i32
  }
}

module attributes {stable_mosaic.version = 14 : i64} {
  func.func @_mid_body(%arg0: i32, %arg1: memref<2000x128xf32, #tpu.memory_space<vmem>>, %arg2: memref<2000x128xf32, #tpu.memory_space<vmem>>, %arg3: memref<2000x128xf32, #tpu.memory_space<vmem>>, %arg4: memref<2000x8xf32, #tpu.memory_space<vmem>>, %arg5: memref<1x128xf32, #tpu.memory_space<vmem>>, %arg6: memref<128x128xf32, #tpu.memory_space<vmem>>, %arg7: memref<2000x128xf32, #tpu.memory_space<vmem>>) attributes {dimension_semantics = [#tpu.dimension_semantics<arbitrary>], iteration_bounds = array<i64: 5>, scalar_prefetch = 0 : i64, scratch_operands = 0 : i64, tpu.core_type = #tpu.core_type<tc>, window_params = [{transform_indices = @transform_0, window_bounds = array<i64: 2000, 128>}, {transform_indices = @transform_1, window_bounds = array<i64: 2000, 128>}, {transform_indices = @transform_2, window_bounds = array<i64: 2000, 128>}, {transform_indices = @transform_3, window_bounds = array<i64: 2000, 8>}, {pipeline_mode = #tpu.pipeline_mode<synchronous>, transform_indices = @transform_4, window_bounds = array<i64: 1, 128>}, {pipeline_mode = #tpu.pipeline_mode<synchronous>, transform_indices = @transform_5, window_bounds = array<i64: 128, 128>}, {transform_indices = @transform_6, window_bounds = array<i64: 2000, 128>}]} {
    %get3A = arith.constant 0 : index
    %get3A_0 = arith.constant 0 : index
    %get3A_1 = vector.load %arg4[%get3A, %get3A_0] : memref<2000x8xf32, #tpu.memory_space<vmem>>, vector<2000x1xf32>
    %get3A_2 = arith.constant 0 : index
    %get3A_3 = arith.constant 0 : index
    %get3A_4 = vector.load %arg1[%get3A_2, %get3A_3] : memref<2000x128xf32, #tpu.memory_space<vmem>>, vector<2000x128xf32>
    %get3A_5 = arith.constant 0 : index
    %get3A_6 = arith.constant 0 : index
    %get3A_7 = vector.load %arg2[%get3A_5, %get3A_6] : memref<2000x128xf32, #tpu.memory_space<vmem>>, vector<2000x128xf32>
    %add3A = arith.addf %get3A_4, %get3A_7 : vector<2000x128xf32>
    %get3A_8 = arith.constant 0 : index
    %get3A_9 = arith.constant 0 : index
    %get3A_10 = vector.load %arg3[%get3A_8, %get3A_9] : memref<2000x128xf32, #tpu.memory_space<vmem>>, vector<2000x128xf32>
    %add3A_11 = arith.addf %add3A, %get3A_10 : vector<2000x128xf32>
    %mul3A = vector.broadcast %get3A_1 : vector<2000x1xf32> to vector<2000x128xf32>
    %mul3A_12 = arith.mulf %mul3A, %add3A_11 : vector<2000x128xf32>
    %get3A_13 = arith.constant 0 : index
    %get3A_14 = arith.constant 0 : index
    %get3A_15 = vector.load %arg5[%get3A_13, %get3A_14] : memref<1x128xf32, #tpu.memory_space<vmem>>, vector<1x128xf32>
    %add3A_16 = vector.broadcast %get3A_15 : vector<1x128xf32> to vector<2000x128xf32>
    %add3A_17 = arith.addf %mul3A_12, %add3A_16 : vector<2000x128xf32>
    %max3A = arith.constant 0.000000e+00 : f32
    %max3A_18 = vector.broadcast %max3A : f32 to vector<2000x128xf32>
    %max3A_19 = arith.maximumf %add3A_17, %max3A_18 : vector<2000x128xf32>
    %get3A_20 = arith.constant 0 : index
    %get3A_21 = arith.constant 0 : index
    %get3A_22 = vector.load %arg6[%get3A_20, %get3A_21] : memref<128x128xf32, #tpu.memory_space<vmem>>, vector<128x128xf32>
    %dot_general3A = arith.constant dense<0.000000e+00> : vector<2000x128xf32>
    %dot_general3A_23 = tpu.matmul %max3A_19, %get3A_22, %dot_general3A {dimension_numbers = #tpu.dot_dimension_numbers<[1], [0], [0], [1], [0, 0, 1, 1], [], []>, transpose_lhs_hint = false} : vector<2000x128xf32>, vector<128x128xf32>, vector<2000x128xf32> -> vector<2000x128xf32>
    %mul3A_24 = vector.broadcast %get3A_1 : vector<2000x1xf32> to vector<2000x128xf32>
    %mul3A_25 = arith.mulf %mul3A_24, %dot_general3A_23 : vector<2000x128xf32>
    %swap3A = arith.constant 0 : index
    %swap3A_26 = arith.constant 0 : index
    %swap3A_27 = vector.load %arg7[%swap3A, %swap3A_26] : memref<2000x128xf32, #tpu.memory_space<vmem>>, vector<2000x128xf32>
    tpu.vector_store %arg7[%swap3A, %swap3A_26], %mul3A_25 {strides = array<i32>} : memref<2000x128xf32, #tpu.memory_space<vmem>>, vector<2000x128xf32>,
    return
  }
  func.func @transform_0(%arg0: i32) -> (i32, i32) {
    %c0_i32 = arith.constant 0 : i32
    %c0_i32_0 = arith.constant 0 : i32
    return %arg0, %c0_i32 : i32, i32
  }
  func.func @transform_1(%arg0: i32) -> (i32, i32) {
    %c0_i32 = arith.constant 0 : i32
    %c0_i32_0 = arith.constant 0 : i32
    return %arg0, %c0_i32 : i32, i32
  }
  func.func @transform_2(%arg0: i32) -> (i32, i32) {
    %c0_i32 = arith.constant 0 : i32
    %c0_i32_0 = arith.constant 0 : i32
    return %arg0, %c0_i32 : i32, i32
  }
  func.func @transform_3(%arg0: i32) -> (i32, i32) {
    %c0_i32 = arith.constant 0 : i32
    %c0_i32_0 = arith.constant 0 : i32
    return %arg0, %c0_i32 : i32, i32
  }
  func.func @transform_4(%arg0: i32) -> (i32, i32) {
    %c0_i32 = arith.constant 0 : i32
    %c0_i32_0 = arith.constant 0 : i32
    %c0_i32_1 = arith.constant 0 : i32
    return %c0_i32, %c0_i32_0 : i32, i32
  }
  func.func @transform_5(%arg0: i32) -> (i32, i32) {
    %c0_i32 = arith.constant 0 : i32
    %c0_i32_0 = arith.constant 0 : i32
    %c0_i32_1 = arith.constant 0 : i32
    return %c0_i32, %c0_i32_0 : i32, i32
  }
  func.func @transform_6(%arg0: i32) -> (i32, i32) {
    %c0_i32 = arith.constant 0 : i32
    %c0_i32_0 = arith.constant 0 : i32
    return %arg0, %c0_i32 : i32, i32
  }
}

module attributes {stable_mosaic.version = 14 : i64} {
  func.func @_out_body(%arg0: i32, %arg1: memref<2000x128xf32, #tpu.memory_space<vmem>>, %arg2: memref<2000x128xf32, #tpu.memory_space<vmem>>, %arg3: memref<2000x128xf32, #tpu.memory_space<vmem>>, %arg4: memref<2000x8xf32, #tpu.memory_space<vmem>>, %arg5: memref<1x128xf32, #tpu.memory_space<vmem>>, %arg6: memref<128x128xf32, #tpu.memory_space<vmem>>, %arg7: memref<1x128xf32, #tpu.memory_space<vmem>>, %arg8: memref<2000x128xf32, #tpu.memory_space<vmem>>) attributes {dimension_semantics = [#tpu.dimension_semantics<arbitrary>], iteration_bounds = array<i64: 5>, scalar_prefetch = 0 : i64, scratch_operands = 0 : i64, tpu.core_type = #tpu.core_type<tc>, window_params = [{transform_indices = @transform_0, window_bounds = array<i64: 2000, 128>}, {transform_indices = @transform_1, window_bounds = array<i64: 2000, 128>}, {transform_indices = @transform_2, window_bounds = array<i64: 2000, 128>}, {transform_indices = @transform_3, window_bounds = array<i64: 2000, 8>}, {pipeline_mode = #tpu.pipeline_mode<synchronous>, transform_indices = @transform_4, window_bounds = array<i64: 1, 128>}, {pipeline_mode = #tpu.pipeline_mode<synchronous>, transform_indices = @transform_5, window_bounds = array<i64: 128, 128>}, {pipeline_mode = #tpu.pipeline_mode<synchronous>, transform_indices = @transform_6, window_bounds = array<i64: 1, 128>}, {transform_indices = @transform_7, window_bounds = array<i64: 2000, 128>}]} {
    %get3A = arith.constant 0 : index
    %get3A_0 = arith.constant 0 : index
    %get3A_1 = vector.load %arg4[%get3A, %get3A_0] : memref<2000x8xf32, #tpu.memory_space<vmem>>, vector<2000x1xf32>
    %get3A_2 = arith.constant 0 : index
    %get3A_3 = arith.constant 0 : index
    %get3A_4 = vector.load %arg1[%get3A_2, %get3A_3] : memref<2000x128xf32, #tpu.memory_space<vmem>>, vector<2000x128xf32>
    %get3A_5 = arith.constant 0 : index
    %get3A_6 = arith.constant 0 : index
    %get3A_7 = vector.load %arg2[%get3A_5, %get3A_6] : memref<2000x128xf32, #tpu.memory_space<vmem>>, vector<2000x128xf32>
    %add3A = arith.addf %get3A_4, %get3A_7 : vector<2000x128xf32>
    %get3A_8 = arith.constant 0 : index
    %get3A_9 = arith.constant 0 : index
    %get3A_10 = vector.load %arg3[%get3A_8, %get3A_9] : memref<2000x128xf32, #tpu.memory_space<vmem>>, vector<2000x128xf32>
    %add3A_11 = arith.addf %add3A, %get3A_10 : vector<2000x128xf32>
    %mul3A = vector.broadcast %get3A_1 : vector<2000x1xf32> to vector<2000x128xf32>
    %mul3A_12 = arith.mulf %mul3A, %add3A_11 : vector<2000x128xf32>
    %get3A_13 = arith.constant 0 : index
    %get3A_14 = arith.constant 0 : index
    %get3A_15 = vector.load %arg5[%get3A_13, %get3A_14] : memref<1x128xf32, #tpu.memory_space<vmem>>, vector<1x128xf32>
    %add3A_16 = vector.broadcast %get3A_15 : vector<1x128xf32> to vector<2000x128xf32>
    %add3A_17 = arith.addf %mul3A_12, %add3A_16 : vector<2000x128xf32>
    %max3A = arith.constant 0.000000e+00 : f32
    %max3A_18 = vector.broadcast %max3A : f32 to vector<2000x128xf32>
    %max3A_19 = arith.maximumf %add3A_17, %max3A_18 : vector<2000x128xf32>
    %get3A_20 = arith.constant 0 : index
    %get3A_21 = arith.constant 0 : index
    %get3A_22 = vector.load %arg6[%get3A_20, %get3A_21] : memref<128x128xf32, #tpu.memory_space<vmem>>, vector<128x128xf32>
    %dot_general3A = arith.constant dense<0.000000e+00> : vector<2000x128xf32>
    %dot_general3A_23 = tpu.matmul %max3A_19, %get3A_22, %dot_general3A {dimension_numbers = #tpu.dot_dimension_numbers<[1], [0], [0], [1], [0, 0, 1, 1], [], []>, transpose_lhs_hint = false} : vector<2000x128xf32>, vector<128x128xf32>, vector<2000x128xf32> -> vector<2000x128xf32>
    %get3A_24 = arith.constant 0 : index
    %get3A_25 = arith.constant 0 : index
    %get3A_26 = vector.load %arg7[%get3A_24, %get3A_25] : memref<1x128xf32, #tpu.memory_space<vmem>>, vector<1x128xf32>
    %add3A_27 = vector.broadcast %get3A_26 : vector<1x128xf32> to vector<2000x128xf32>
    %add3A_28 = arith.addf %dot_general3A_23, %add3A_27 : vector<2000x128xf32>
    %swap3A = arith.constant 0 : index
    %swap3A_29 = arith.constant 0 : index
    %swap3A_30 = vector.load %arg8[%swap3A, %swap3A_29] : memref<2000x128xf32, #tpu.memory_space<vmem>>, vector<2000x128xf32>
    tpu.vector_store %arg8[%swap3A, %swap3A_29], %add3A_28 {strides = array<i32>} : memref<2000x128xf32, #tpu.memory_space<vmem>>, vector<2000x128xf32>,
    return
  }
  func.func @transform_0(%arg0: i32) -> (i32, i32) {
    %c0_i32 = arith.constant 0 : i32
    %c0_i32_0 = arith.constant 0 : i32
    return %arg0, %c0_i32 : i32, i32
  }
  func.func @transform_1(%arg0: i32) -> (i32, i32) {
    %c0_i32 = arith.constant 0 : i32
    %c0_i32_0 = arith.constant 0 : i32
    return %arg0, %c0_i32 : i32, i32
  }
  func.func @transform_2(%arg0: i32) -> (i32, i32) {
    %c0_i32 = arith.constant 0 : i32
    %c0_i32_0 = arith.constant 0 : i32
    return %arg0, %c0_i32 : i32, i32
  }
  func.func @transform_3(%arg0: i32) -> (i32, i32) {
    %c0_i32 = arith.constant 0 : i32
    %c0_i32_0 = arith.constant 0 : i32
    return %arg0, %c0_i32 : i32, i32
  }
  func.func @transform_4(%arg0: i32) -> (i32, i32) {
    %c0_i32 = arith.constant 0 : i32
    %c0_i32_0 = arith.constant 0 : i32
    %c0_i32_1 = arith.constant 0 : i32
    return %c0_i32, %c0_i32_0 : i32, i32
  }
  func.func @transform_5(%arg0: i32) -> (i32, i32) {
    %c0_i32 = arith.constant 0 : i32
    %c0_i32_0 = arith.constant 0 : i32
    %c0_i32_1 = arith.constant 0 : i32
    return %c0_i32, %c0_i32_0 : i32, i32
  }
  func.func @transform_6(%arg0: i32) -> (i32, i32) {
    %c0_i32 = arith.constant 0 : i32
    %c0_i32_0 = arith.constant 0 : i32
    %c0_i32_1 = arith.constant 0 : i32
    return %c0_i32, %c0_i32_0 : i32, i32
  }
  func.func @transform_7(%arg0: i32) -> (i32, i32) {
    %c0_i32 = arith.constant 0 : i32
    %c0_i32_0 = arith.constant 0 : i32
    return %arg0, %c0_i32 : i32, i32
  }
}

</mosaic_0001>

<sc_bundles>
// kernel: kernel.11.cloned.1.call-start
scs
__scs_entry_jumppad:
0x0: {  	(pc) =	sbr.rel $0x88, $3  }
0x1: {  	(tag) =	ssettag $0x0;
	lr =	simm.s32 $0x1  }
0x2: {  	[smem:$0x3F99] =	sst lr;
	_ =	strace $0xD0000000  }
0x3: {  	_ = 	snop  }
0x4: {  	_ = 	snop  }
0x5: {  	_ = 	snop  }
0x6: {  	_ = 	snop  }
0x7: {  	_ = 	snop  }
__scs_overlays_trampoline_lowered:
0x8: {  	[smem:$0x3FA8] =	sst s0  }
0x9: {  	[smem:$0x3FA9] =	sst s1  }
0xa: {  	[smem:$0x3FAA] =	sst s2  }
0xb: {  	[smem:$0x3FAB] =	sst s3  }
0xc: {  	[smem:$0x3FAC] =	sst s4  }
0xd: {  	[smem:$0x3FAD] =	sst s5  }
0xe: {  	[smem:$0x3FAE] =	sst s6  }
0xf: {  	[smem:$0x3FAF] =	sst s7  }
0x10: {  	[smem:$0x3FB0] =	sst s8  }
0x11: {  	[smem:$0x3FB1] =	sst s9;
	s0 =	simm.s32 @!p0 $0x0  }
0x12: {  	s1 =	sld [smem:$0x3F97];
	s0 =	simm.s32 @p0 $0x1  }
0x13: {  	[smem:$0x3FB2] =	sst s0;
	s0 =	simm.s32 @!p1 $0x0  }
0x14: {  	s2 =	sld [smem:$0x3F96];
	s0 =	simm.s32 @p1 $0x1  }
0x15: {  	[smem:$0x3FB3] =	sst s0;
	s0 =	simm.s32 @!p2 $0x0  }
0x16: {  	s3 =	sld [smem:$0x3FDB];
	s0 =	simm.s32 @p2 $0x1  }
0x17: {  	s4 =	simm.s32 $0x1BF5;
	[smem:$0x3FB5] =	sst s0  }
0x18: {  	s0 =	sld [smem:$0x3F98];
	_ =	swait.ge [sflag:s4], $0x0  }
0x19: {  	s7 =	sld [smem:$0x3F99]  }
0x1a: {  	s8 =	sadd.s32 $0xFFFFE003, lr  }
0x1b: {  	s9 =	sadd.s32 $0xFFFFFEF7, lr;
	s5 =	simm.s32 $0xFFFFFFFF;
	p2 =	slt.u32 s8, $0xFFFFF086  }
0x1c: {  	p1 =	slt.u32 s9, $0xF7A;
	s5 =	simm.s32 @!p2 $0x0  }
0x1d: {  	s5 =	simm.s32 @p1 $0x1;
	p0 =	seq.s32 s7, s2  }
0x1e: {  	s7 =	smul.u32 @!p0 $0xF7A, s2;
	p2 =	seq.s32 @!p0 s5, $0x0  }
0x1f: {  	s9 =	smul.u32 $0xF7A, s1;
	s8 =	simm.s32 @!p0 $0x1BF5;
	p2 =	por !p2, p0  }
0x20: {  	[sflag:s8] =	ssyncset.s32 @!p0 $0xFFFFF086;
	s6 =	sadd.s32 @!p0 s3, s7;
	s7 =	simm.s32 @!p0 $0x108  }
0x21: {  	s3 =	sadd.s32 s3, s9;
	s6 =	sadd.s32 @!p0 $0x88, s6;
	s7 =	simm.s32 @p2 $0x1082  }
0x22: {  	[simem:s7], [sflag:s8] =	dma.local @!p0 [hbm:s6], $0xF7A  }
0x23: {  	s9 =	sor.u32 $0xD0000000, s2;
	s6 =	simm.s32 $0x108;
	_ =	swait.ge @!p0 [sflag:s8], $0x0  }
0x24: {  	s3 =	sadd.s32 $0x88, s3;
	s6 =	simm.s32 @!p1 $0x1082;
	[sflag:s4] =	ssyncset.s32 $0xFFFFF086  }
0x25: {  	[simem:s6], [sflag:s4] =	dma.local [hbm:s3], $0xF7A  }
0x26: {  	[smem:$0x3F99] =	sst s1;
	(tag) =	ssettag s2;
	_ =	strace s9  }
0x27: {  	s1 =	sld [smem:$0x3FA9]  }
0x28: {  	s2 =	sld [smem:$0x3FAA]  }
0x29: {  	s4 =	sld [smem:$0x3FAC]  }
0x2a: {  	p0 =	seq.s32 s5, $0x0;
	s5 =	sld [smem:$0x3FAD]  }
0x2b: {  	s6 =	sld [smem:$0x3FAE]  }
0x2c: {  	s7 =	sld [smem:$0x3FAF]  }
0x2d: {  	s3 =	simm.s32 $0x108;
	s8 =	sld [smem:$0x3FB0]  }
0x2e: {  	s3 =	simm.s32 @!p0 $0x1082;
	s9 =	sld [smem:$0x3FB1]  }
0x2f: {  	lr =	sadd.s32 s0, s3;
	s0 =	sld [smem:$0x3FA8]  }
0x30: {  	s3 =	sld [smem:$0x3FAB]  }
0x31: {  	[smem:$0x3FB4] =	sst s10  }
0x32: {  	s10 =	sld [smem:$0x3FB2];
	_ =	sdelay $0x3  }
0x33: {  	p0 =	seq.s32 s10, $0x1;
	s10 =	sld [smem:$0x3FB4];
	_ =	sdelay $0x3  }
0x34: {  	[smem:$0x3FB4] =	sst s10  }
0x35: {  	s10 =	sld [smem:$0x3FB3];
	_ =	sdelay $0x3  }
0x36: {  	p1 =	seq.s32 s10, $0x1;
	s10 =	sld [smem:$0x3FB4];
	_ =	sdelay $0x3  }
0x37: {  	[smem:$0x3FB4] =	sst s10  }
0x38: {  	s10 =	sld [smem:$0x3FB5]  }
0x39: {  	_ = 	snop;
	(pc) =	sbr.ind lr, $3  }
0x3a: {  	_ = 	snop  }
0x3b: {  	_ = 	snop  }
0x3c: {  	p2 =	seq.s32 s10, $0x1;
	s10 =	sld [smem:$0x3FB4]  }
0x3d: {  	_ =	shalt  }
0x3e: {  	_ =	shalt  }
0x3f: {  	_ =	shalt  }
0x40: {  	_ =	shalt  }
0x41: {  	_ =	shalt  }
0x42: {  	_ =	shalt  }
0x43: {  	_ =	shalt  }
0x44: {  	_ =	shalt  }
0x45: {  	_ =	shalt  }
0x46: {  	_ =	shalt  }
0x47: {  	_ =	shalt  }
0x48: {  	_ =	shalt  }
0x49: {  	_ =	shalt  }
0x4a: {  	_ =	shalt  }
0x4b: {  	_ =	shalt  }
0x4c: {  	_ =	shalt  }
0x4d: {  	_ =	shalt  }
0x4e: {  	_ =	shalt  }
0x4f: {  	_ =	shalt  }
0x50: {  	_ =	shalt  }
0x51: {  	_ =	shalt  }
0x52: {  	_ =	shalt  }
0x53: {  	_ =	shalt  }
0x54: {  	_ =	shalt  }
0x55: {  	_ =	shalt  }
0x56: {  	_ =	shalt  }
0x57: {  	_ =	shalt  }
0x58: {  	_ =	shalt  }
0x59: {  	_ =	shalt  }
0x5a: {  	_ =	shalt  }
0x5b: {  	_ =	shalt  }
0x5c: {  	_ =	shalt  }
0x5d: {  	_ =	shalt  }
0x5e: {  	_ =	shalt  }
0x5f: {  	_ =	shalt  }
0x60: {  	_ =	shalt  }
0x61: {  	_ =	shalt  }
0x62: {  	_ =	shalt  }
0x63: {  	_ =	shalt  }
0x64: {  	_ =	shalt  }
0x65: {  	_ =	shalt  }
0x66: {  	_ =	shalt  }
0x67: {  	_ =	shalt  }
0x68: {  	_ =	shalt  }
0x69: {  	_ =	shalt  }
0x6a: {  	_ =	shalt  }
0x6b: {  	_ =	shalt  }
0x6c: {  	_ =	shalt  }
0x6d: {  	_ =	shalt  }
0x6e: {  	_ =	shalt  }
0x6f: {  	_ =	shalt  }
0x70: {  	_ =	shalt  }
0x71: {  	_ =	shalt  }
0x72: {  	_ =	shalt  }
0x73: {  	_ =	shalt  }
0x74: {  	_ =	shalt  }
0x75: {  	_ =	shalt  }
0x76: {  	_ =	shalt  }
0x77: {  	_ =	shalt  }
0x78: {  	_ =	shalt  }
0x79: {  	_ =	shalt  }
0x7a: {  	_ =	shalt  }
0x7b: {  	_ =	shalt  }
0x7c: {  	_ =	shalt  }
0x7d: {  	_ =	shalt  }
0x7e: {  	_ =	shalt  }
0x7f: {  	_ =	shalt  }
0x80: {  	_ =	shalt  }
0x81: {  	_ =	shalt  }
0x82: {  	_ =	shalt  }
0x83: {  	_ =	shalt  }
0x84: {  	_ =	shalt  }
0x85: {  	_ =	shalt  }
0x86: {  	_ =	shalt  }
0x87: {  	_ =	shalt  }
.Lfunc_end0:
.L_simem_size_0:
called_computation.1_lowered:
.L_overlay_start_0:
0x88: {  	s2 =	sld [smem:$0x3FD9]  }
0x89: {  	s3 =	sld [smem:$0x3FFE];
	_ =	sdelay $0x1  }
0x8a: {  	s1 =	srdreg.scid  }
0x8b: {  	s0 =	sand.u32 $0x1, s1  }
0x8c: {  	s16 =	sshll.u32 s0, $0xA;
	s2 =	sadd.s32 s3, s2  }
0x8d: {  	s2 =	sadd.s32 s2, s16  }
0x8e: {  	[smem:$0x3FC0] =	sst s2  }
0x8f: {  	_ = 	snop  }
0x90: {  	(tm) =	ssettm $0x1  }
0x91: {  	s17 =	sld [smem:$0x3FFB];
	_ =	sdelay $0x3  }
0x92: {  	_ =	strace s17  }
0x93: {  	s2 =	sld [smem:$0x3FFC];
	_ =	sdelay $0x3  }
0x94: {  	_ =	strace s2  }
0x95: {  	s2 =	sld [smem:$0x3FFD];
	_ =	sdelay $0x3  }
0x96: {  	_ =	strace s2  }
0x97: {  	_ =	strace $0x8FFFFFFF  }
0x98: {  	s18 =	sld [smem:$0x3FDB];
	_ =	sdelay $0x1  }
0x99: {  	s19 =	simm.s32 $_scs_section_size  }
0x9a: {  	s4 =	simm.s32 $_size__tile_overlayer_lowered;
	s5 =	simm.s32 $_tile_overlayer_lowered  }
0x9b: {  	s22 =	simm.s32 $0x1BFF;
	s21 =	sshll.u32 s5, $0x1;
	s2 =	sadd.s32 s19, s18  }
0x9c: {  	s6 =	simm.s32 $0x0;
	s20 =	sshll.u32 s4, $0x1;
	s4 =	sadd.s32 s21, s2  }
0x9d: {  	[timem:s6], [sflag:s22] =	dma.local [hbm:s4], s20  }
0x9e: {  	_ =	swait.ge [sflag:s22], s20  }
0x9f: {  	s3 =	ssub.s32 $0x0, s20;
	[sflag:s22] =	ssyncset.done $0x0  }
0xa0: {  	[sflag:s22] =	ssyncadd.s32 s3;
	_ =	sdelay $0x1  }
0xa1: {  	s23 =	simm.s32 $0x1B8B  }
0xa2: {  	_ =	swait.ge [sflag:s23], $0x1  }
0xa3: {  	[sflag:s23] =	ssyncset.done $0x0  }
0xa4: {  	s25 =	simm.s32 $0x1B8E;
	s24 =	sld [smem:$0x3FFE];
	[sflag:s23] =	ssyncadd.s32 $0xFFFFFFFF  }
0xa5: {  	s26 =	simm.s32 $execute0_lowered;
	[smem:$0x3FD2] =	sst s25  }
0xa6: {  	s4 =	sshll.u32 s26, $0x1;
	_ =	strace $0x80000049;
	[dreg:$0x1] =	wrdreg $0xFFFFFFFF  }
0xa7: {  	s28 =	simm.s32 $_size_execute0_lowered;
	s2 =	sadd.s32 s2, s4;
	[dreg:$0x0] =	wrdreg $0x0  }
0xa8: {  	s4 =	sshll.u32 s28, $0x1;
	[dreg:$0x2] =	wrdreg s2  }
0xa9: {  	[dreg:$0x3] =	wrdreg s4  }
0xaa: {  	[dreg:$0x4] =	wrdreg $0xC0  }
0xab: {  	_ =	task [dreg:s6], $0x5FFFF  }
0xac: {  	[dreg:$0x1] =	wrdreg $0xFFFFFFFF  }
0xad: {  	[dreg:$0x0] =	wrdreg $0x60  }
0xae: {  	[dreg:$0x2] =	wrdreg s24  }
0xaf: {  	[dreg:$0x3] =	wrdreg $0x82000  }
0xb0: {  	[dreg:$0x4] =	wrdreg $0x9  }
0xb1: {  	_ =	task.clear_ibuf [dreg:s6], $0x5FFFF;
	_ =	strace $0x90000049  }
0xb2: {  	s29 =	simm.s32 $0x9;
	_ =	strace $0x8000004B  }
0xb3: {  	_ =	swait.ge [sflag:s29], $0x1  }
0xb4: {  	[sflag:s29] =	ssyncadd.s32 $0xFFFFFFFF  }
0xb5: {  	_ =	strace $0x9000004B  }
0xb6: {  	_ =	sfence  }
0xb7: {  	s30 =	sld [smem:$0x0];
	_ =	sdelay $0x2  }
0xb8: {  	s31 =	sshll.u32 s1, $0xD;
	s1 =	sshrl.u32 s1, $0x2  }
0xb9: {  	s3 =	sand.u32 $0x4000, s31;
	s1 =	sadd.s32 s1, s30  }
0xba: {  	s0 =	sor.u32 s3, s0;
	s1 =	sshll.u32 s1, $0x11  }
0xbb: {  	s0 =	sor.u32 s1, s0  }
0xbc: {  	s0 =	sadd.s32 $0x8F2B, s0  }
0xbd: {  	[sflag:s0] =	ssyncadd.remote.s32 $0x1  }
0xbe: {  	_ =	sfence.sel $0xFFFF  }
0xbf: {  	[dreg:$0x0] =	wrdreg $0xFFFFFFFF;
	(pc) =	sbr.abs _section_cstart, $3  }
0xc0: {  	[dreg:$0x1] =	wrdreg $0xFFFFFFFF  }
0xc1: {  	_ =	task.clear_ibuf [dreg:s6], $0x2FFFF;
	_ =	strace $0x9FFFFFFF  }
0xc2: {  	(tm) =	ssettm $0x7FFFFFFF  }
0xc3: {  	_ =	shalt  }
tec
execute0_lowered:
.L_overlay_start_1:
0x0: {  	(tag) =	ssettag $0x1  }
0x1: {  	s0 =	rddreg [dreg:$0x0]  }
0x2: {  	s1 =	rddreg [dreg:$0x1]  }
0x3: {  	s2 =	simm.s32 $0x0;
	s16 =	stileid.u32;
	s4 =	srdreg.scid  }
0x4: {  	s20 =	simm.s32 $0x4100;
	s21 =	simm.s32 $0x4;
	s22 =	simm.s32 $0x4180  }
0x5: {  	s23 =	simm.s32 $0x4200;
	[smem:$0x7FF] =	sst s2;
	s14 =	sadd.s32 $0x3200, s0  }
0x6: {  	s9 =	smul.u32 $0x13800, s16;
	s15 =	sadd.s32 $0xD000, s0;
	s3 =	sadd.s32 $0x16E00, s0  }
0x7: {  	s17 =	sand.u32 $0x1, s4;
	s24 =	smul.u32 $0x4E000, s16;
	s11 =	sadd.s32 $0x8C400, s0  }
0x8: {  	s25 =	sshll.u32 s16, $0x6;
	s28 =	sadd.s32 $0x138000, s1;
	s31 =	sshll.u32 s16, $0x4  }
0x9: {  	p0 =	sne.s32 s16, $0x0;
	_ =	strace $0x8000004A;
	s6 =	ssub.s32 $0x2, s17  }
0xa: {  	s8 =	sshll.u32 s17, $0x4;
	s26 =	smul.u32 $0x138800, s17;
	[dreg:$0x4] =	wrdreg s28  }
0xb: {  	s17 =	sshll.u32 s17, $0x8;
	s5 =	sshrl.u32 s9, $0x3;
	s7 =	sshrl.u32 s6, $0x1  }
0xc: {  	s10 =	sshrl.u32 s24, $0x2;
	s4 =	sor.u32 s16, s8;
	s24 =	simm.s32 $0x1  }
0xd: {  	s5 =	sadd.s32 s5, s0;
	s13 =	ssub.s32 s6, s7;
	s18 =	sadd.s32 s10, s1  }
0xe: {  	s6 =	sor.u32 $0x1C03, s25;
	s0 =	sadd.s32 $0x8C200, s0;
	s29 =	sshll.u32 s4, $0x4  }
0xf: {  	s12 =	sadd.s32 s9, s26;
	s10 =	sshrl.u32 s26, $0x3;
	s30 =	sor.u32 $0x9C0, s4  }
0x10: {  	s25 =	simm.s32 $0x2;
	s26 =	simm.s32 $0x0;
	s5 =	sadd.s32 $0x65200, s5  }
0x11: {  	[dreg:$0x5] =	wrdreg s0;
	s9 =	sadd.s32 s14, s29;
	s12 =	sshrl.u32 s12, $0x3  }
0x12: {  	s19 =	sadd.s32 s11, s10;
	s10 =	sadd.s32 s15, s29;
	s13 =	smax.u32 s13, $0x1  }
0x13: {  	s15 =	sadd.s32 s17, s15;
	s17 =	sadd.s32 s17, s14;
	s16 =	sshrl.u32 s18, $0x3  }
0x14: {  	s18 =	simm.s32 $0x80;
	p1 =	sgt.u32 s30, $0x9C3;
	[dreg:$0x3] =	wrdreg s5  }
0x15: {  	s11 =	sadd.s32 s11, s12;
	s12 =	sadd.s32 $0x27000, s19;
	s14 =	sadd.s32 s31, s15  }
0x16: {  	s15 =	sadd.s32 s31, s17;
	s17 =	simm.s32 $0x3;
	s19 =	simm.s32 $0x100  }
.LBB2_1:
0x17: {  	s0 =	rddreg [dreg:$0x3]  }
0x18: {  	[spmem:s16], [sflag:s6] =	dma.local [hbm:s0], $0x2700  }
0x19: {  	_ =	swait.ge [sflag:s17], $0x2700  }
0x1a: {  	[sflag:s17] =	ssyncset.done $0x0;
	s0 =	rddreg [dreg:$0x4]  }
0x1b: {  	[sflag:s17] =	ssyncadd.s32 $0xFFFFD900;
	s28 =	sshrl.u32 @!p0 s0, $0x3;
	s0 =	rddreg [dreg:$0x5]  }
0x1c: {  	[spmem:s28], [sflag:s6] =	dma.local @!p0 [hbm:s0], $0x100  }
0x1d: {  	s0 =	simm.s32 @!p0 $0x3  }
0x1e: {  	_ =	swait.ge @!p0 [sflag:s0], $0x100  }
0x1f: {  	[sflag:s0] =	ssyncset.done @!p0 $0x0  }
0x20: {  	[sflag:s0] =	ssyncadd.s32 @!p0 $0xFFFFFF00  }
0x21: {  	[bflag:$0x0] =	sbarrier.arrive $0xFFFF  }
0x22: {  	[tilespmem:s2], [sflag:$0x3] =	stream.linear.gather [hbm4b:s9+s2], $0x80, $0x38;
	[tilespmem:$0x1BA80] =	vst v63  }
0x23: {  	_ =	swait.ge [sflag:s17], $0x80  }
0x24: {  	[sflag:s17] =	ssyncset.done $0x0  }
0x25: {  	[sflag:s17] =	ssyncadd.s32 $0xFFFFFF80  }
0x26: {  	[tilespmem:s18], [sflag:$0x3] =	stream.linear.gather [hbm4b:s10+s2], $0x80, $0x38;
	[tilespmem:$0x1BA80] =	vst v63  }
0x27: {  	_ =	swait.ge [sflag:s17], $0x80  }
0x28: {  	[sflag:s17] =	ssyncset.done $0x0  }
0x29: {  	s7 =	sadd.s32 $0x0, s15;
	[sflag:s17] =	ssyncadd.s32 $0xFFFFFF80  }
0x2a: {  	[tilespmem:s19], [sflag:$0x1] =	stream.indirect.gather [hbm4b:s3+s18], $0x80, s2, s18, $0xb8;
	[tilespmem:$0x1BA80] =	vst v63  }
0x2b: {  	s0 =	sadd.s32 $0x200, s7  }
0x2c: {  	[tilespmem:s20], [sflag:$0x4] =	stream.linear.gather [hbm4b:s0+s2], $0x80, $0x38;
	[tilespmem:$0x1BA80] =	vst v63  }
0x2d: {  	_ =	swait.ge [sflag:s21], $0x80  }
0x2e: {  	s8 =	sadd.s32 $0x0, s14;
	[sflag:s21] =	ssyncset.done $0x0  }
0x2f: {  	s0 =	sadd.s32 $0x200, s8;
	[sflag:s21] =	ssyncadd.s32 $0xFFFFFF80  }
0x30: {  	[tilespmem:s22], [sflag:$0x4] =	stream.linear.gather [hbm4b:s0+s2], $0x80, $0x38;
	[tilespmem:$0x1BA80] =	vst v63  }
0x31: {  	_ =	swait.ge [sflag:s21], $0x80  }
0x32: {  	[sflag:s21] =	ssyncset.done $0x0  }
0x33: {  	[sflag:s21] =	ssyncadd.s32 $0xFFFFFF80  }
0x34: {  	[tilespmem:s23], [sflag:$0x2] =	stream.indirect.gather [hbm4b:s3+s18], $0x80, s20, s18, $0xb8;
	[tilespmem:$0x1BA80] =	vst v63  }
0x35: {  	_ =	swait.ge [sflag:s24], $0x4000  }
0x36: {  	[sflag:s24] =	ssyncset.done $0x0  }
0x37: {  	[sflag:s24] =	ssyncadd.s32 $0xFFFFC000  }
0x38: {  	[spmem:s1] =	stream.indirect.scatter.add.f32 [tilespmem:s19], [sflag:$0x4], $0x80, s18, s18, $0xb8;
	[tilespmem:$0x1BA80] =	vst v63  }
0x39: {  	p2 =	sgt.u32 s4, $0x983;
	_ =	swait.ge [sflag:s21], $0x4000  }
0x3a: {  	s29 =	simm.s32 @!p2 $0x4;
	s0 =	sadd.s32 @!p2 $0x0, s15;
	[sflag:s21] =	ssyncset.done $0x0  }
0x3b: {  	s30 =	simm.s32 @!p2 $0x0;
	s0 =	sadd.s32 @!p2 $0x400, s0;
	[sflag:s21] =	ssyncadd.s32 $0xFFFFC000  }
0x3c: {  	[tilespmem:s30], [sflag:$0x4] =	stream.linear.gather @!p2 [hbm4b:s0+s30], $0x80, $0x38;
	[tilespmem:$0x1BA80] =	vst v63  }
0x3d: {  	_ =	swait.ge @!p2 [sflag:s29], $0x80  }
0x3e: {  	s0 =	sadd.s32 @!p2 $0x0, s14;
	[sflag:s29] =	ssyncset.done @!p2 $0x0  }
0x3f: {  	s31 =	simm.s32 @!p2 $0x80;
	s0 =	sadd.s32 @!p2 $0x400, s0;
	[sflag:s29] =	ssyncadd.s32 @!p2 $0xFFFFFF80  }
0x40: {  	[tilespmem:s31], [sflag:$0x4] =	stream.linear.gather @!p2 [hbm4b:s0+s30], $0x80, $0x38;
	[tilespmem:$0x1BA80] =	vst v63  }
0x41: {  	_ =	swait.ge @!p2 [sflag:s29], $0x80  }
0x42: {  	[sflag:s29] =	ssyncset.done @!p2 $0x0  }
0x43: {  	s0 =	simm.s32 @!p2 $0x100;
	[sflag:s29] =	ssyncadd.s32 @!p2 $0xFFFFFF80  }
0x44: {  	[tilespmem:s0], [sflag:$0x1] =	stream.indirect.gather @!p2 [hbm4b:s3+s31], $0x80, s30, s31, $0xb8;
	[tilespmem:$0x1BA80] =	vst v63  }
0x45: {  	_ =	swait.ge [sflag:s25], $0x4000  }
0x46: {  	[sflag:s25] =	ssyncset.done $0x0  }
0x47: {  	[sflag:s25] =	ssyncadd.s32 $0xFFFFC000  }
0x48: {  	[spmem:s1] =	stream.indirect.scatter.add.f32 [tilespmem:s23], [sflag:$0x3], $0x80, s22, s18, $0xb8;
	[tilespmem:$0x1BA80] =	vst v63  }
0x49: {  	s29 =	simm.s32 $0x400;
	s31 =	simm.s32 $0x800;
	_ =	swait.ge [sflag:s17], $0x4000  }
0x4a: {  	s0 =	sadd.s32 $0x400, s15;
	s30 =	sadd.s32 $0x40, s4;
	[sflag:s17] =	ssyncset.done $0x0  }
.LBB2_2:
0x4b: {  	s0 =	sadd.s32 $0x200, s0  }
0x4c: {  	[sflag:s17] =	ssyncadd.s32 $0xFFFFC000;
	s5 =	smov.u32 s31;
	s31 =	sadd.s32 $0x400, s31  }
0x4d: {  	[tilespmem:s20], [sflag:$0x4] =	stream.linear.gather [hbm4b:s0+s2], $0x80, $0x38;
	[tilespmem:$0x1BA80] =	vst v63  }
0x4e: {  	p2 =	sne.s32 s31, $0x9C00;
	_ =	swait.ge [sflag:s21], $0x80  }
0x4f: {  	s0 =	sadd.s32 s29, s14;
	[sflag:s21] =	ssyncset.done $0x0  }
0x50: {  	s0 =	sadd.s32 $0x200, s0;
	[sflag:s21] =	ssyncadd.s32 $0xFFFFFF80  }
0x51: {  	[tilespmem:s22], [sflag:$0x4] =	stream.linear.gather [hbm4b:s0+s2], $0x80, $0x38;
	[tilespmem:$0x1BA80] =	vst v63  }
0x52: {  	_ =	swait.ge [sflag:s21], $0x80  }
0x53: {  	[sflag:s21] =	ssyncset.done $0x0  }
0x54: {  	[sflag:s21] =	ssyncadd.s32 $0xFFFFFF80  }
0x55: {  	[tilespmem:s23], [sflag:$0x2] =	stream.indirect.gather [hbm4b:s3+s18], $0x80, s20, s18, $0xb8;
	[tilespmem:$0x1BA80] =	vst v63  }
0x56: {  	_ =	swait.ge [sflag:s24], $0x4000  }
0x57: {  	[sflag:s24] =	ssyncset.done $0x0  }
0x58: {  	[sflag:s24] =	ssyncadd.s32 $0xFFFFC000  }
0x59: {  	[spmem:s1] =	stream.indirect.scatter.add.f32 [tilespmem:s19], [sflag:$0x4], $0x80, s18, s18, $0xb8;
	[tilespmem:$0x1BA80] =	vst v63  }
0x5a: {  	p3 =	sgt.u32 s30, $0x983;
	_ =	swait.ge [sflag:s21], $0x4000  }
0x5b: {  	s7 =	simm.s32 @!p3 $0x4;
	s0 =	sadd.s32 @!p3 s29, s15;
	[sflag:s21] =	ssyncset.done $0x0  }
0x5c: {  	s8 =	simm.s32 @!p3 $0x0;
	s0 =	sadd.s32 @!p3 $0x400, s0;
	[sflag:s21] =	ssyncadd.s32 $0xFFFFC000  }
0x5d: {  	[tilespmem:s8], [sflag:$0x4] =	stream.linear.gather @!p3 [hbm4b:s0+s8], $0x80, $0x38;
	[tilespmem:$0x1BA80] =	vst v63  }
0x5e: {  	s0 =	sadd.s32 @!p3 s29, s14;
	s29 =	smov.u32 s5;
	_ =	swait.ge @!p3 [sflag:s7], $0x80  }
0x5f: {  	s0 =	sadd.s32 @!p3 $0x400, s0;
	[sflag:s7] =	ssyncset.done @!p3 $0x0  }
0x60: {  	s5 =	simm.s32 @!p3 $0x80;
	[sflag:s7] =	ssyncadd.s32 @!p3 $0xFFFFFF80  }
0x61: {  	[tilespmem:s5], [sflag:$0x4] =	stream.linear.gather @!p3 [hbm4b:s0+s8], $0x80, $0x38;
	[tilespmem:$0x1BA80] =	vst v63  }
0x62: {  	_ =	swait.ge @!p3 [sflag:s7], $0x80  }
0x63: {  	[sflag:s7] =	ssyncset.done @!p3 $0x0  }
0x64: {  	s0 =	simm.s32 @!p3 $0x100;
	[sflag:s7] =	ssyncadd.s32 @!p3 $0xFFFFFF80  }
0x65: {  	[tilespmem:s0], [sflag:$0x1] =	stream.indirect.gather @!p3 [hbm4b:s3+s5], $0x80, s8, s5, $0xb8;
	[tilespmem:$0x1BA80] =	vst v63  }
0x66: {  	_ =	swait.ge [sflag:s25], $0x4000  }
.Ltmp0:
0x67: {  	[sflag:s25] =	ssyncset.done $0x0;
	(pc) =	sbr.rel @p2 .LBB2_2-.Ltmp0, $4  }
0x68: {  	[sflag:s25] =	ssyncadd.s32 $0xFFFFC000  }
0x69: {  	[spmem:s1] =	stream.indirect.scatter.add.f32 [tilespmem:s23], [sflag:$0x3], $0x80, s22, s18, $0xb8;
	[tilespmem:$0x1BA80] =	vst v63  }
0x6a: {  	_ =	swait.ge [sflag:s17], $0x4000  }
0x6b: {  	s30 =	sadd.s32 $0x40, s30;
	s0 =	sadd.s32 s29, s15;
	[sflag:s17] =	ssyncset.done $0x0  }
0x6c: {  	s0 =	sadd.s32 $0x200, s0;
	[sflag:s17] =	ssyncadd.s32 $0xFFFFC000  }
0x6d: {  	[tilespmem:s20], [sflag:$0x4] =	stream.linear.gather [hbm4b:s0+s2], $0x80, $0x38;
	[tilespmem:$0x1BA80] =	vst v63  }
0x6e: {  	_ =	swait.ge [sflag:s21], $0x80  }
0x6f: {  	s31 =	sadd.s32 s29, s14;
	[sflag:s21] =	ssyncset.done $0x0  }
0x70: {  	s0 =	sadd.s32 $0x200, s31;
	[sflag:s21] =	ssyncadd.s32 $0xFFFFFF80  }
0x71: {  	[tilespmem:s22], [sflag:$0x4] =	stream.linear.gather [hbm4b:s0+s2], $0x80, $0x38;
	[tilespmem:$0x1BA80] =	vst v63  }
0x72: {  	_ =	swait.ge [sflag:s21], $0x80  }
0x73: {  	[sflag:s21] =	ssyncset.done $0x0  }
0x74: {  	[sflag:s21] =	ssyncadd.s32 $0xFFFFFF80  }
0x75: {  	[tilespmem:s23], [sflag:$0x2] =	stream.indirect.gather [hbm4b:s3+s18], $0x80, s20, s18, $0xb8;
	[tilespmem:$0x1BA80] =	vst v63  }
0x76: {  	_ =	swait.ge [sflag:s24], $0x4000  }
0x77: {  	[sflag:s24] =	ssyncset.done $0x0  }
0x78: {  	[sflag:s24] =	ssyncadd.s32 $0xFFFFC000  }
0x79: {  	[spmem:s1] =	stream.indirect.scatter.add.f32 [tilespmem:s19], [sflag:$0x4], $0x80, s18, s18, $0xb8;
	[tilespmem:$0x1BA80] =	vst v63  }
0x7a: {  	p2 =	sgt.u32 s30, $0x983;
	_ =	swait.ge [sflag:s21], $0x4000  }
0x7b: {  	s5 =	simm.s32 @!p2 $0x4;
	s0 =	sadd.s32 @!p2 s29, s15;
	[sflag:s21] =	ssyncset.done $0x0  }
0x7c: {  	s7 =	simm.s32 @!p2 $0x0;
	s0 =	sadd.s32 @!p2 $0x400, s0;
	[sflag:s21] =	ssyncadd.s32 $0xFFFFC000  }
0x7d: {  	[tilespmem:s7], [sflag:$0x4] =	stream.linear.gather @!p2 [hbm4b:s0+s7], $0x80, $0x38;
	[tilespmem:$0x1BA80] =	vst v63  }
0x7e: {  	_ =	swait.ge @!p2 [sflag:s5], $0x80  }
0x7f: {  	s0 =	sadd.s32 @!p2 s29, s14;
	[sflag:s5] =	ssyncset.done @!p2 $0x0  }
0x80: {  	s8 =	simm.s32 @!p2 $0x80;
	s0 =	sadd.s32 @!p2 $0x400, s0;
	[sflag:s5] =	ssyncadd.s32 @!p2 $0xFFFFFF80  }
0x81: {  	[tilespmem:s8], [sflag:$0x4] =	stream.linear.gather @!p2 [hbm4b:s0+s7], $0x80, $0x38;
	[tilespmem:$0x1BA80] =	vst v63  }
0x82: {  	_ =	swait.ge @!p2 [sflag:s5], $0x80  }
0x83: {  	[sflag:s5] =	ssyncset.done @!p2 $0x0  }
0x84: {  	s0 =	simm.s32 @!p2 $0x100;
	[sflag:s5] =	ssyncadd.s32 @!p2 $0xFFFFFF80  }
0x85: {  	[tilespmem:s0], [sflag:$0x1] =	stream.indirect.gather @!p2 [hbm4b:s3+s8], $0x80, s7, s8, $0xb8;
	[tilespmem:$0x1BA80] =	vst v63  }
0x86: {  	_ =	swait.ge [sflag:s25], $0x4000  }
0x87: {  	[sflag:s25] =	ssyncset.done $0x0  }
0x88: {  	[sflag:s25] =	ssyncadd.s32 $0xFFFFC000  }
0x89: {  	[spmem:s1] =	stream.indirect.scatter.add.f32 [tilespmem:s23], [sflag:$0x3], $0x80, s22, s18, $0xb8;
	[tilespmem:$0x1BA80] =	vst v63  }
0x8a: {  	_ =	swait.ge [sflag:s17], $0x4000  }
0x8b: {  	[sflag:s17] =	ssyncset.done $0x0  }
0x8c: {  	s0 =	simm.s32 @!p1 $0x1;
	[sflag:s17] =	ssyncadd.s32 $0xFFFFC000  }
0x8d: {  	_ =	swait.ge @!p1 [sflag:s0], $0x4000  }
0x8e: {  	[sflag:s0] =	ssyncset.done @!p1 $0x0  }
0x8f: {  	s5 =	simm.s32 @!p1 $0x100;
	[sflag:s0] =	ssyncadd.s32 @!p1 $0xFFFFC000;
	s0 =	simm.s32 @!p1 $0x80  }
0x90: {  	[spmem:s1] =	stream.indirect.scatter.add.f32 @!p1 [tilespmem:s5], [sflag:$0x4], $0x80, s0, s0, $0xb8;
	[tilespmem:$0x1BA80] =	vst v63  }
0x91: {  	s0 =	simm.s32 @!p1 $0x4  }
0x92: {  	_ =	swait.ge @!p1 [sflag:s0], $0x4000  }
0x93: {  	[sflag:s0] =	ssyncset.done @!p1 $0x0  }
0x94: {  	[sflag:s0] =	ssyncadd.s32 @!p1 $0xFFFFC000  }
0x95: {  	[bflag:$0x0] =	sbarrier.arrive $0xFFFF  }
0x96: {  	[hbm:s11], [sflag:s6] =	dma.local [spmem:s16], $0x2700  }
0x97: {  	s26 =	sadd.s32 $0x1, s26;
	_ =	swait.ge [sflag:s17], $0x2700  }
0x98: {  	p2 =	sne.s32 s26, s13;
	[sflag:s17] =	ssyncset.done $0x0  }
.Ltmp1:
0x99: {  	s0 =	simm.s32 @!p0 $0x3;
	[sflag:s17] =	ssyncadd.s32 $0xFFFFD900;
	(pc) =	sbr.rel @p2 .LBB2_1-.Ltmp1, $4  }
0x9a: {  	[hbm:s12], [sflag:s6] =	dma.local @!p0 [spmem:s28], $0x100  }
0x9b: {  	_ =	swait.ge @!p0 [sflag:s0], $0x100  }
0x9c: {  	[sflag:s0] =	ssyncset.done @!p0 $0x0  }
0x9d: {  	[sflag:s0] =	ssyncadd.s32 @!p0 $0xFFFFFF00  }
0x9e: {  	_ =	sfence.sel $0x180000  }
0x9f: {  	[bflag:$0x0] =	sbarrier.arrive $0xFFFF  }
0xa0: {  	_ =	strace $0x9000004A  }
0xa1: {  	[bflag:$0x2] =	sbarrier.arrive $0xFFFF  }
0xa2: {  	s0 =	rddreg [dreg:$0x2]  }
0xa3: {  	s0 =	sadd.s32 @!p0 $0x100000, s0  }
0xa4: {  	[sflag:s0] =	ssyncadd.tile.s32 @!p0 $0x1;
	_ =	shalt  }
.Lfunc_end2:
_tile_overlayer_lowered:
.L_overlay_start_2:
0xa5: {  	(tag) =	ssettag $0x2  }
0xa6: {  	s0 =	rddreg [dreg:$0x0];
	s2 =	stileid.u32  }
0xa7: {  	s1 =	rddreg [dreg:$0x1];
	p0 =	sne.s32 s2, $0x0  }
0xa8: {  	s3 =	rddreg [dreg:$0x2];
	[bflag:$0x3] =	sbarrier.arrive $0xFFFF;
	s2 =	simm.s32 @!p0 $0x1C03  }
0xa9: {  	[timem:s3], [sflag:s2] =	dma.local @!p0 [hbm:s0], s1  }
0xaa: {  	s0 =	simm.s32 @!p0 $0x3  }
0xab: {  	_ =	swait.ge @!p0 [sflag:s0], s1  }
0xac: {  	s1 =	ssub.s32 @!p0 $0x0, s1;
	[sflag:s0] =	ssyncset.done @!p0 $0x0  }
0xad: {  	[sflag:s0] =	ssyncadd.s32 @!p0 s1  }
0xae: {  	[bflag:$0x3] =	sbarrier.arrive $0xFFFF  }
0xaf: {  	_ =	shalt  }

// kernel: kernel.14.cloned.1.call-start
scs
__scs_entry_jumppad:
0x0: {  	(pc) =	sbr.rel $0x88, $3  }
0x1: {  	(tag) =	ssettag $0x0;
	lr =	simm.s32 $0x1  }
0x2: {  	[smem:$0x3F99] =	sst lr;
	_ =	strace $0xD0000000  }
0x3: {  	_ = 	snop  }
0x4: {  	_ = 	snop  }
0x5: {  	_ = 	snop  }
0x6: {  	_ = 	snop  }
0x7: {  	_ = 	snop  }
__scs_overlays_trampoline_lowered:
0x8: {  	[smem:$0x3FA8] =	sst s0  }
0x9: {  	[smem:$0x3FA9] =	sst s1  }
0xa: {  	[smem:$0x3FAA] =	sst s2  }
0xb: {  	[smem:$0x3FAB] =	sst s3  }
0xc: {  	[smem:$0x3FAC] =	sst s4  }
0xd: {  	[smem:$0x3FAD] =	sst s5  }
0xe: {  	[smem:$0x3FAE] =	sst s6  }
0xf: {  	[smem:$0x3FAF] =	sst s7  }
0x10: {  	[smem:$0x3FB0] =	sst s8  }
0x11: {  	[smem:$0x3FB1] =	sst s9;
	s0 =	simm.s32 @!p0 $0x0  }
0x12: {  	s1 =	sld [smem:$0x3F97];
	s0 =	simm.s32 @p0 $0x1  }
0x13: {  	[smem:$0x3FB2] =	sst s0;
	s0 =	simm.s32 @!p1 $0x0  }
0x14: {  	s2 =	sld [smem:$0x3F96];
	s0 =	simm.s32 @p1 $0x1  }
0x15: {  	[smem:$0x3FB3] =	sst s0;
	s0 =	simm.s32 @!p2 $0x0  }
0x16: {  	s3 =	sld [smem:$0x3FDB];
	s0 =	simm.s32 @p2 $0x1  }
0x17: {  	s4 =	simm.s32 $0x1BF5;
	[smem:$0x3FB5] =	sst s0  }
0x18: {  	s0 =	sld [smem:$0x3F98];
	_ =	swait.ge [sflag:s4], $0x0  }
0x19: {  	s7 =	sld [smem:$0x3F99]  }
0x1a: {  	s8 =	sadd.s32 $0xFFFFE003, lr  }
0x1b: {  	s9 =	sadd.s32 $0xFFFFFEF7, lr;
	s5 =	simm.s32 $0xFFFFFFFF;
	p2 =	slt.u32 s8, $0xFFFFF086  }
0x1c: {  	p1 =	slt.u32 s9, $0xF7A;
	s5 =	simm.s32 @!p2 $0x0  }
0x1d: {  	s5 =	simm.s32 @p1 $0x1;
	p0 =	seq.s32 s7, s2  }
0x1e: {  	s7 =	smul.u32 @!p0 $0xF7A, s2;
	p2 =	seq.s32 @!p0 s5, $0x0  }
0x1f: {  	s9 =	smul.u32 $0xF7A, s1;
	s8 =	simm.s32 @!p0 $0x1BF5;
	p2 =	por !p2, p0  }
0x20: {  	[sflag:s8] =	ssyncset.s32 @!p0 $0xFFFFF086;
	s6 =	sadd.s32 @!p0 s3, s7;
	s7 =	simm.s32 @!p0 $0x108  }
0x21: {  	s3 =	sadd.s32 s3, s9;
	s6 =	sadd.s32 @!p0 $0x88, s6;
	s7 =	simm.s32 @p2 $0x1082  }
0x22: {  	[simem:s7], [sflag:s8] =	dma.local @!p0 [hbm:s6], $0xF7A  }
0x23: {  	s9 =	sor.u32 $0xD0000000, s2;
	s6 =	simm.s32 $0x108;
	_ =	swait.ge @!p0 [sflag:s8], $0x0  }
0x24: {  	s3 =	sadd.s32 $0x88, s3;
	s6 =	simm.s32 @!p1 $0x1082;
	[sflag:s4] =	ssyncset.s32 $0xFFFFF086  }
0x25: {  	[simem:s6], [sflag:s4] =	dma.local [hbm:s3], $0xF7A  }
0x26: {  	[smem:$0x3F99] =	sst s1;
	(tag) =	ssettag s2;
	_ =	strace s9  }
0x27: {  	s1 =	sld [smem:$0x3FA9]  }
0x28: {  	s2 =	sld [smem:$0x3FAA]  }
0x29: {  	s4 =	sld [smem:$0x3FAC]  }
0x2a: {  	p0 =	seq.s32 s5, $0x0;
	s5 =	sld [smem:$0x3FAD]  }
0x2b: {  	s6 =	sld [smem:$0x3FAE]  }
0x2c: {  	s7 =	sld [smem:$0x3FAF]  }
0x2d: {  	s3 =	simm.s32 $0x108;
	s8 =	sld [smem:$0x3FB0]  }
0x2e: {  	s3 =	simm.s32 @!p0 $0x1082;
	s9 =	sld [smem:$0x3FB1]  }
0x2f: {  	lr =	sadd.s32 s0, s3;
	s0 =	sld [smem:$0x3FA8]  }
0x30: {  	s3 =	sld [smem:$0x3FAB]  }
0x31: {  	[smem:$0x3FB4] =	sst s10  }
0x32: {  	s10 =	sld [smem:$0x3FB2];
	_ =	sdelay $0x3  }
0x33: {  	p0 =	seq.s32 s10, $0x1;
	s10 =	sld [smem:$0x3FB4];
	_ =	sdelay $0x3  }
0x34: {  	[smem:$0x3FB4] =	sst s10  }
0x35: {  	s10 =	sld [smem:$0x3FB3];
	_ =	sdelay $0x3  }
0x36: {  	p1 =	seq.s32 s10, $0x1;
	s10 =	sld [smem:$0x3FB4];
	_ =	sdelay $0x3  }
0x37: {  	[smem:$0x3FB4] =	sst s10  }
0x38: {  	s10 =	sld [smem:$0x3FB5]  }
0x39: {  	_ = 	snop;
	(pc) =	sbr.ind lr, $3  }
0x3a: {  	_ = 	snop  }
0x3b: {  	_ = 	snop  }
0x3c: {  	p2 =	seq.s32 s10, $0x1;
	s10 =	sld [smem:$0x3FB4]  }
0x3d: {  	_ =	shalt  }
0x3e: {  	_ =	shalt  }
0x3f: {  	_ =	shalt  }
0x40: {  	_ =	shalt  }
0x41: {  	_ =	shalt  }
0x42: {  	_ =	shalt  }
0x43: {  	_ =	shalt  }
0x44: {  	_ =	shalt  }
0x45: {  	_ =	shalt  }
0x46: {  	_ =	shalt  }
0x47: {  	_ =	shalt  }
0x48: {  	_ =	shalt  }
0x49: {  	_ =	shalt  }
0x4a: {  	_ =	shalt  }
0x4b: {  	_ =	shalt  }
0x4c: {  	_ =	shalt  }
0x4d: {  	_ =	shalt  }
0x4e: {  	_ =	shalt  }
0x4f: {  	_ =	shalt  }
0x50: {  	_ =	shalt  }
0x51: {  	_ =	shalt  }
0x52: {  	_ =	shalt  }
0x53: {  	_ =	shalt  }
0x54: {  	_ =	shalt  }
0x55: {  	_ =	shalt  }
0x56: {  	_ =	shalt  }
0x57: {  	_ =	shalt  }
0x58: {  	_ =	shalt  }
0x59: {  	_ =	shalt  }
0x5a: {  	_ =	shalt  }
0x5b: {  	_ =	shalt  }
0x5c: {  	_ =	shalt  }
0x5d: {  	_ =	shalt  }
0x5e: {  	_ =	shalt  }
0x5f: {  	_ =	shalt  }
0x60: {  	_ =	shalt  }
0x61: {  	_ =	shalt  }
0x62: {  	_ =	shalt  }
0x63: {  	_ =	shalt  }
0x64: {  	_ =	shalt  }
0x65: {  	_ =	shalt  }
0x66: {  	_ =	shalt  }
0x67: {  	_ =	shalt  }
0x68: {  	_ =	shalt  }
0x69: {  	_ =	shalt  }
0x6a: {  	_ =	shalt  }
0x6b: {  	_ =	shalt  }
0x6c: {  	_ =	shalt  }
0x6d: {  	_ =	shalt  }
0x6e: {  	_ =	shalt  }
0x6f: {  	_ =	shalt  }
0x70: {  	_ =	shalt  }
0x71: {  	_ =	shalt  }
0x72: {  	_ =	shalt  }
0x73: {  	_ =	shalt  }
0x74: {  	_ =	shalt  }
0x75: {  	_ =	shalt  }
0x76: {  	_ =	shalt  }
0x77: {  	_ =	shalt  }
0x78: {  	_ =	shalt  }
0x79: {  	_ =	shalt  }
0x7a: {  	_ =	shalt  }
0x7b: {  	_ =	shalt  }
0x7c: {  	_ =	shalt  }
0x7d: {  	_ =	shalt  }
0x7e: {  	_ =	shalt  }
0x7f: {  	_ =	shalt  }
0x80: {  	_ =	shalt  }
0x81: {  	_ =	shalt  }
0x82: {  	_ =	shalt  }
0x83: {  	_ =	shalt  }
0x84: {  	_ =	shalt  }
0x85: {  	_ =	shalt  }
0x86: {  	_ =	shalt  }
0x87: {  	_ =	shalt  }
.Lfunc_end0:
.L_simem_size_0:
called_computation.2_lowered:
.L_overlay_start_0:
0x88: {  	s2 =	sld [smem:$0x3FD9]  }
0x89: {  	s3 =	sld [smem:$0x3FFE];
	_ =	sdelay $0x1  }
0x8a: {  	s1 =	srdreg.scid  }
0x8b: {  	s0 =	sand.u32 $0x1, s1  }
0x8c: {  	s16 =	sshll.u32 s0, $0xA;
	s2 =	sadd.s32 s3, s2  }
0x8d: {  	s2 =	sadd.s32 s2, s16  }
0x8e: {  	[smem:$0x3FC0] =	sst s2  }
0x8f: {  	_ = 	snop  }
0x90: {  	(tm) =	ssettm $0x1  }
0x91: {  	s17 =	sld [smem:$0x3FFB];
	_ =	sdelay $0x3  }
0x92: {  	_ =	strace s17  }
0x93: {  	s2 =	sld [smem:$0x3FFC];
	_ =	sdelay $0x3  }
0x94: {  	_ =	strace s2  }
0x95: {  	s2 =	sld [smem:$0x3FFD];
	_ =	sdelay $0x3  }
0x96: {  	_ =	strace s2  }
0x97: {  	_ =	strace $0x8FFFFFFF  }
0x98: {  	s18 =	sld [smem:$0x3FDB];
	_ =	sdelay $0x1  }
0x99: {  	s19 =	simm.s32 $_scs_section_size  }
0x9a: {  	s4 =	simm.s32 $_size__tile_overlayer_lowered;
	s5 =	simm.s32 $_tile_overlayer_lowered  }
0x9b: {  	s22 =	simm.s32 $0x1BFF;
	s21 =	sshll.u32 s5, $0x1;
	s2 =	sadd.s32 s19, s18  }
0x9c: {  	s6 =	simm.s32 $0x0;
	s20 =	sshll.u32 s4, $0x1;
	s4 =	sadd.s32 s21, s2  }
0x9d: {  	[timem:s6], [sflag:s22] =	dma.local [hbm:s4], s20  }
0x9e: {  	_ =	swait.ge [sflag:s22], s20  }
0x9f: {  	s3 =	ssub.s32 $0x0, s20;
	[sflag:s22] =	ssyncset.done $0x0  }
0xa0: {  	[sflag:s22] =	ssyncadd.s32 s3;
	_ =	sdelay $0x1  }
0xa1: {  	s23 =	simm.s32 $0x1B8B  }
0xa2: {  	_ =	swait.ge [sflag:s23], $0x1  }
0xa3: {  	[sflag:s23] =	ssyncset.done $0x0  }
0xa4: {  	s25 =	simm.s32 $0x1B8E;
	s24 =	sld [smem:$0x3FFE];
	[sflag:s23] =	ssyncadd.s32 $0xFFFFFFFF  }
0xa5: {  	s26 =	simm.s32 $execute0_lowered;
	[smem:$0x3FD2] =	sst s25  }
0xa6: {  	s4 =	sshll.u32 s26, $0x1;
	_ =	strace $0x8000004C;
	[dreg:$0x1] =	wrdreg $0xFFFFFFFF  }
0xa7: {  	s28 =	simm.s32 $_size_execute0_lowered;
	s2 =	sadd.s32 s2, s4;
	[dreg:$0x0] =	wrdreg $0x0  }
0xa8: {  	s4 =	sshll.u32 s28, $0x1;
	[dreg:$0x2] =	wrdreg s2  }
0xa9: {  	[dreg:$0x3] =	wrdreg s4  }
0xaa: {  	[dreg:$0x4] =	wrdreg $0xC0  }
0xab: {  	_ =	task [dreg:s6], $0x5FFFF  }
0xac: {  	[dreg:$0x1] =	wrdreg $0xFFFFFFFF  }
0xad: {  	[dreg:$0x0] =	wrdreg $0x60  }
0xae: {  	[dreg:$0x2] =	wrdreg s24  }
0xaf: {  	[dreg:$0x3] =	wrdreg $0x82000  }
0xb0: {  	[dreg:$0x4] =	wrdreg $0x9  }
0xb1: {  	_ =	task.clear_ibuf [dreg:s6], $0x5FFFF;
	_ =	strace $0x9000004C  }
0xb2: {  	s29 =	simm.s32 $0x9;
	_ =	strace $0x8000004E  }
0xb3: {  	_ =	swait.ge [sflag:s29], $0x1  }
0xb4: {  	[sflag:s29] =	ssyncadd.s32 $0xFFFFFFFF  }
0xb5: {  	_ =	strace $0x9000004E  }
0xb6: {  	_ =	sfence  }
0xb7: {  	s30 =	sld [smem:$0x0];
	_ =	sdelay $0x2  }
0xb8: {  	s31 =	sshll.u32 s1, $0xD;
	s1 =	sshrl.u32 s1, $0x2  }
0xb9: {  	s3 =	sand.u32 $0x4000, s31;
	s1 =	sadd.s32 s1, s30  }
0xba: {  	s0 =	sor.u32 s3, s0;
	s1 =	sshll.u32 s1, $0x11  }
0xbb: {  	s0 =	sor.u32 s1, s0  }
0xbc: {  	s0 =	sadd.s32 $0x8F2B, s0  }
0xbd: {  	[sflag:s0] =	ssyncadd.remote.s32 $0x1  }
0xbe: {  	_ =	sfence.sel $0xFFFF  }
0xbf: {  	[dreg:$0x0] =	wrdreg $0xFFFFFFFF;
	(pc) =	sbr.abs _section_cstart, $3  }
0xc0: {  	[dreg:$0x1] =	wrdreg $0xFFFFFFFF  }
0xc1: {  	_ =	task.clear_ibuf [dreg:s6], $0x2FFFF;
	_ =	strace $0x9FFFFFFF  }
0xc2: {  	(tm) =	ssettm $0x7FFFFFFF  }
0xc3: {  	_ =	shalt  }
tec
execute0_lowered:
.L_overlay_start_1:
0x0: {  	(tag) =	ssettag $0x1  }
0x1: {  	s0 =	rddreg [dreg:$0x0]  }
0x2: {  	s1 =	rddreg [dreg:$0x1]  }
0x3: {  	s2 =	simm.s32 $0x0;
	s16 =	stileid.u32;
	s4 =	srdreg.scid  }
0x4: {  	s20 =	simm.s32 $0x4100;
	s21 =	simm.s32 $0x4;
	s22 =	simm.s32 $0x4180  }
0x5: {  	s23 =	simm.s32 $0x4200;
	[smem:$0x7FF] =	sst s2;
	s14 =	sadd.s32 $0x3200, s0  }
0x6: {  	s9 =	smul.u32 $0x13800, s16;
	s15 =	sadd.s32 $0xD000, s0;
	s3 =	sadd.s32 $0x16E00, s0  }
0x7: {  	s17 =	sand.u32 $0x1, s4;
	s24 =	smul.u32 $0x4E000, s16;
	s11 =	sadd.s32 $0x8C400, s0  }
0x8: {  	s25 =	sshll.u32 s16, $0x6;
	s28 =	sadd.s32 $0x138000, s1;
	s31 =	sshll.u32 s16, $0x4  }
0x9: {  	p0 =	sne.s32 s16, $0x0;
	_ =	strace $0x8000004D;
	s6 =	ssub.s32 $0x2, s17  }
0xa: {  	s8 =	sshll.u32 s17, $0x4;
	s26 =	smul.u32 $0x138800, s17;
	[dreg:$0x4] =	wrdreg s28  }
0xb: {  	s17 =	sshll.u32 s17, $0x8;
	s5 =	sshrl.u32 s9, $0x3;
	s7 =	sshrl.u32 s6, $0x1  }
0xc: {  	s10 =	sshrl.u32 s24, $0x2;
	s4 =	sor.u32 s16, s8;
	s24 =	simm.s32 $0x1  }
0xd: {  	s5 =	sadd.s32 s5, s0;
	s13 =	ssub.s32 s6, s7;
	s18 =	sadd.s32 s10, s1  }
0xe: {  	s6 =	sor.u32 $0x1C03, s25;
	s0 =	sadd.s32 $0x8C200, s0;
	s29 =	sshll.u32 s4, $0x4  }
0xf: {  	s12 =	sadd.s32 s9, s26;
	s10 =	sshrl.u32 s26, $0x3;
	s30 =	sor.u32 $0x9C0, s4  }
0x10: {  	s25 =	simm.s32 $0x2;
	s26 =	simm.s32 $0x0;
	s5 =	sadd.s32 $0x65200, s5  }
0x11: {  	[dreg:$0x5] =	wrdreg s0;
	s9 =	sadd.s32 s14, s29;
	s12 =	sshrl.u32 s12, $0x3  }
0x12: {  	s19 =	sadd.s32 s11, s10;
	s10 =	sadd.s32 s15, s29;
	s13 =	smax.u32 s13, $0x1  }
0x13: {  	s15 =	sadd.s32 s17, s15;
	s17 =	sadd.s32 s17, s14;
	s16 =	sshrl.u32 s18, $0x3  }
0x14: {  	s18 =	simm.s32 $0x80;
	p1 =	sgt.u32 s30, $0x9C3;
	[dreg:$0x3] =	wrdreg s5  }
0x15: {  	s11 =	sadd.s32 s11, s12;
	s12 =	sadd.s32 $0x27000, s19;
	s14 =	sadd.s32 s31, s15  }
0x16: {  	s15 =	sadd.s32 s31, s17;
	s17 =	simm.s32 $0x3;
	s19 =	simm.s32 $0x100  }
.LBB2_1:
0x17: {  	s0 =	rddreg [dreg:$0x3]  }
0x18: {  	[spmem:s16], [sflag:s6] =	dma.local [hbm:s0], $0x2700  }
0x19: {  	_ =	swait.ge [sflag:s17], $0x2700  }
0x1a: {  	[sflag:s17] =	ssyncset.done $0x0;
	s0 =	rddreg [dreg:$0x4]  }
0x1b: {  	[sflag:s17] =	ssyncadd.s32 $0xFFFFD900;
	s28 =	sshrl.u32 @!p0 s0, $0x3;
	s0 =	rddreg [dreg:$0x5]  }
0x1c: {  	[spmem:s28], [sflag:s6] =	dma.local @!p0 [hbm:s0], $0x100  }
0x1d: {  	s0 =	simm.s32 @!p0 $0x3  }
0x1e: {  	_ =	swait.ge @!p0 [sflag:s0], $0x100  }
0x1f: {  	[sflag:s0] =	ssyncset.done @!p0 $0x0  }
0x20: {  	[sflag:s0] =	ssyncadd.s32 @!p0 $0xFFFFFF00  }
0x21: {  	[bflag:$0x0] =	sbarrier.arrive $0xFFFF  }
0x22: {  	[tilespmem:s2], [sflag:$0x3] =	stream.linear.gather [hbm4b:s9+s2], $0x80, $0x38;
	[tilespmem:$0x1BA80] =	vst v63  }
0x23: {  	_ =	swait.ge [sflag:s17], $0x80  }
0x24: {  	[sflag:s17] =	ssyncset.done $0x0  }
0x25: {  	[sflag:s17] =	ssyncadd.s32 $0xFFFFFF80  }
0x26: {  	[tilespmem:s18], [sflag:$0x3] =	stream.linear.gather [hbm4b:s10+s2], $0x80, $0x38;
	[tilespmem:$0x1BA80] =	vst v63  }
0x27: {  	_ =	swait.ge [sflag:s17], $0x80  }
0x28: {  	[sflag:s17] =	ssyncset.done $0x0  }
0x29: {  	s7 =	sadd.s32 $0x0, s15;
	[sflag:s17] =	ssyncadd.s32 $0xFFFFFF80  }
0x2a: {  	[tilespmem:s19], [sflag:$0x1] =	stream.indirect.gather [hbm4b:s3+s18], $0x80, s2, s18, $0xb8;
	[tilespmem:$0x1BA80] =	vst v63  }
0x2b: {  	s0 =	sadd.s32 $0x200, s7  }
0x2c: {  	[tilespmem:s20], [sflag:$0x4] =	stream.linear.gather [hbm4b:s0+s2], $0x80, $0x38;
	[tilespmem:$0x1BA80] =	vst v63  }
0x2d: {  	_ =	swait.ge [sflag:s21], $0x80  }
0x2e: {  	s8 =	sadd.s32 $0x0, s14;
	[sflag:s21] =	ssyncset.done $0x0  }
0x2f: {  	s0 =	sadd.s32 $0x200, s8;
	[sflag:s21] =	ssyncadd.s32 $0xFFFFFF80  }
0x30: {  	[tilespmem:s22], [sflag:$0x4] =	stream.linear.gather [hbm4b:s0+s2], $0x80, $0x38;
	[tilespmem:$0x1BA80] =	vst v63  }
0x31: {  	_ =	swait.ge [sflag:s21], $0x80  }
0x32: {  	[sflag:s21] =	ssyncset.done $0x0  }
0x33: {  	[sflag:s21] =	ssyncadd.s32 $0xFFFFFF80  }
0x34: {  	[tilespmem:s23], [sflag:$0x2] =	stream.indirect.gather [hbm4b:s3+s18], $0x80, s20, s18, $0xb8;
	[tilespmem:$0x1BA80] =	vst v63  }
0x35: {  	_ =	swait.ge [sflag:s24], $0x4000  }
0x36: {  	[sflag:s24] =	ssyncset.done $0x0  }
0x37: {  	[sflag:s24] =	ssyncadd.s32 $0xFFFFC000  }
0x38: {  	[spmem:s1] =	stream.indirect.scatter.add.f32 [tilespmem:s19], [sflag:$0x4], $0x80, s18, s18, $0xb8;
	[tilespmem:$0x1BA80] =	vst v63  }
0x39: {  	p2 =	sgt.u32 s4, $0x983;
	_ =	swait.ge [sflag:s21], $0x4000  }
0x3a: {  	s29 =	simm.s32 @!p2 $0x4;
	s0 =	sadd.s32 @!p2 $0x0, s15;
	[sflag:s21] =	ssyncset.done $0x0  }
0x3b: {  	s30 =	simm.s32 @!p2 $0x0;
	s0 =	sadd.s32 @!p2 $0x400, s0;
	[sflag:s21] =	ssyncadd.s32 $0xFFFFC000  }
0x3c: {  	[tilespmem:s30], [sflag:$0x4] =	stream.linear.gather @!p2 [hbm4b:s0+s30], $0x80, $0x38;
	[tilespmem:$0x1BA80] =	vst v63  }
0x3d: {  	_ =	swait.ge @!p2 [sflag:s29], $0x80  }
0x3e: {  	s0 =	sadd.s32 @!p2 $0x0, s14;
	[sflag:s29] =	ssyncset.done @!p2 $0x0  }
0x3f: {  	s31 =	simm.s32 @!p2 $0x80;
	s0 =	sadd.s32 @!p2 $0x400, s0;
	[sflag:s29] =	ssyncadd.s32 @!p2 $0xFFFFFF80  }
0x40: {  	[tilespmem:s31], [sflag:$0x4] =	stream.linear.gather @!p2 [hbm4b:s0+s30], $0x80, $0x38;
	[tilespmem:$0x1BA80] =	vst v63  }
0x41: {  	_ =	swait.ge @!p2 [sflag:s29], $0x80  }
0x42: {  	[sflag:s29] =	ssyncset.done @!p2 $0x0  }
0x43: {  	s0 =	simm.s32 @!p2 $0x100;
	[sflag:s29] =	ssyncadd.s32 @!p2 $0xFFFFFF80  }
0x44: {  	[tilespmem:s0], [sflag:$0x1] =	stream.indirect.gather @!p2 [hbm4b:s3+s31], $0x80, s30, s31, $0xb8;
	[tilespmem:$0x1BA80] =	vst v63  }
0x45: {  	_ =	swait.ge [sflag:s25], $0x4000  }
0x46: {  	[sflag:s25] =	ssyncset.done $0x0  }
0x47: {  	[sflag:s25] =	ssyncadd.s32 $0xFFFFC000  }
0x48: {  	[spmem:s1] =	stream.indirect.scatter.add.f32 [tilespmem:s23], [sflag:$0x3], $0x80, s22, s18, $0xb8;
	[tilespmem:$0x1BA80] =	vst v63  }
0x49: {  	s29 =	simm.s32 $0x400;
	s31 =	simm.s32 $0x800;
	_ =	swait.ge [sflag:s17], $0x4000  }
0x4a: {  	s0 =	sadd.s32 $0x400, s15;
	s30 =	sadd.s32 $0x40, s4;
	[sflag:s17] =	ssyncset.done $0x0  }
.LBB2_2:
0x4b: {  	s0 =	sadd.s32 $0x200, s0  }
0x4c: {  	[sflag:s17] =	ssyncadd.s32 $0xFFFFC000;
	s5 =	smov.u32 s31;
	s31 =	sadd.s32 $0x400, s31  }
0x4d: {  	[tilespmem:s20], [sflag:$0x4] =	stream.linear.gather [hbm4b:s0+s2], $0x80, $0x38;
	[tilespmem:$0x1BA80] =	vst v63  }
0x4e: {  	p2 =	sne.s32 s31, $0x9C00;
	_ =	swait.ge [sflag:s21], $0x80  }
0x4f: {  	s0 =	sadd.s32 s29, s14;
	[sflag:s21] =	ssyncset.done $0x0  }
0x50: {  	s0 =	sadd.s32 $0x200, s0;
	[sflag:s21] =	ssyncadd.s32 $0xFFFFFF80  }
0x51: {  	[tilespmem:s22], [sflag:$0x4] =	stream.linear.gather [hbm4b:s0+s2], $0x80, $0x38;
	[tilespmem:$0x1BA80] =	vst v63  }
0x52: {  	_ =	swait.ge [sflag:s21], $0x80  }
0x53: {  	[sflag:s21] =	ssyncset.done $0x0  }
0x54: {  	[sflag:s21] =	ssyncadd.s32 $0xFFFFFF80  }
0x55: {  	[tilespmem:s23], [sflag:$0x2] =	stream.indirect.gather [hbm4b:s3+s18], $0x80, s20, s18, $0xb8;
	[tilespmem:$0x1BA80] =	vst v63  }
0x56: {  	_ =	swait.ge [sflag:s24], $0x4000  }
0x57: {  	[sflag:s24] =	ssyncset.done $0x0  }
0x58: {  	[sflag:s24] =	ssyncadd.s32 $0xFFFFC000  }
0x59: {  	[spmem:s1] =	stream.indirect.scatter.add.f32 [tilespmem:s19], [sflag:$0x4], $0x80, s18, s18, $0xb8;
	[tilespmem:$0x1BA80] =	vst v63  }
0x5a: {  	p3 =	sgt.u32 s30, $0x983;
	_ =	swait.ge [sflag:s21], $0x4000  }
0x5b: {  	s7 =	simm.s32 @!p3 $0x4;
	s0 =	sadd.s32 @!p3 s29, s15;
	[sflag:s21] =	ssyncset.done $0x0  }
0x5c: {  	s8 =	simm.s32 @!p3 $0x0;
	s0 =	sadd.s32 @!p3 $0x400, s0;
	[sflag:s21] =	ssyncadd.s32 $0xFFFFC000  }
0x5d: {  	[tilespmem:s8], [sflag:$0x4] =	stream.linear.gather @!p3 [hbm4b:s0+s8], $0x80, $0x38;
	[tilespmem:$0x1BA80] =	vst v63  }
0x5e: {  	s0 =	sadd.s32 @!p3 s29, s14;
	s29 =	smov.u32 s5;
	_ =	swait.ge @!p3 [sflag:s7], $0x80  }
0x5f: {  	s0 =	sadd.s32 @!p3 $0x400, s0;
	[sflag:s7] =	ssyncset.done @!p3 $0x0  }
0x60: {  	s5 =	simm.s32 @!p3 $0x80;
	[sflag:s7] =	ssyncadd.s32 @!p3 $0xFFFFFF80  }
0x61: {  	[tilespmem:s5], [sflag:$0x4] =	stream.linear.gather @!p3 [hbm4b:s0+s8], $0x80, $0x38;
	[tilespmem:$0x1BA80] =	vst v63  }
0x62: {  	_ =	swait.ge @!p3 [sflag:s7], $0x80  }
0x63: {  	[sflag:s7] =	ssyncset.done @!p3 $0x0  }
0x64: {  	s0 =	simm.s32 @!p3 $0x100;
	[sflag:s7] =	ssyncadd.s32 @!p3 $0xFFFFFF80  }
0x65: {  	[tilespmem:s0], [sflag:$0x1] =	stream.indirect.gather @!p3 [hbm4b:s3+s5], $0x80, s8, s5, $0xb8;
	[tilespmem:$0x1BA80] =	vst v63  }
0x66: {  	_ =	swait.ge [sflag:s25], $0x4000  }
.Ltmp0:
0x67: {  	[sflag:s25] =	ssyncset.done $0x0;
	(pc) =	sbr.rel @p2 .LBB2_2-.Ltmp0, $4  }
0x68: {  	[sflag:s25] =	ssyncadd.s32 $0xFFFFC000  }
0x69: {  	[spmem:s1] =	stream.indirect.scatter.add.f32 [tilespmem:s23], [sflag:$0x3], $0x80, s22, s18, $0xb8;
	[tilespmem:$0x1BA80] =	vst v63  }
0x6a: {  	_ =	swait.ge [sflag:s17], $0x4000  }
0x6b: {  	s30 =	sadd.s32 $0x40, s30;
	s0 =	sadd.s32 s29, s15;
	[sflag:s17] =	ssyncset.done $0x0  }
0x6c: {  	s0 =	sadd.s32 $0x200, s0;
	[sflag:s17] =	ssyncadd.s32 $0xFFFFC000  }
0x6d: {  	[tilespmem:s20], [sflag:$0x4] =	stream.linear.gather [hbm4b:s0+s2], $0x80, $0x38;
	[tilespmem:$0x1BA80] =	vst v63  }
0x6e: {  	_ =	swait.ge [sflag:s21], $0x80  }
0x6f: {  	s31 =	sadd.s32 s29, s14;
	[sflag:s21] =	ssyncset.done $0x0  }
0x70: {  	s0 =	sadd.s32 $0x200, s31;
	[sflag:s21] =	ssyncadd.s32 $0xFFFFFF80  }
0x71: {  	[tilespmem:s22], [sflag:$0x4] =	stream.linear.gather [hbm4b:s0+s2], $0x80, $0x38;
	[tilespmem:$0x1BA80] =	vst v63  }
0x72: {  	_ =	swait.ge [sflag:s21], $0x80  }
0x73: {  	[sflag:s21] =	ssyncset.done $0x0  }
0x74: {  	[sflag:s21] =	ssyncadd.s32 $0xFFFFFF80  }
0x75: {  	[tilespmem:s23], [sflag:$0x2] =	stream.indirect.gather [hbm4b:s3+s18], $0x80, s20, s18, $0xb8;
	[tilespmem:$0x1BA80] =	vst v63  }
0x76: {  	_ =	swait.ge [sflag:s24], $0x4000  }
0x77: {  	[sflag:s24] =	ssyncset.done $0x0  }
0x78: {  	[sflag:s24] =	ssyncadd.s32 $0xFFFFC000  }
0x79: {  	[spmem:s1] =	stream.indirect.scatter.add.f32 [tilespmem:s19], [sflag:$0x4], $0x80, s18, s18, $0xb8;
	[tilespmem:$0x1BA80] =	vst v63  }
0x7a: {  	p2 =	sgt.u32 s30, $0x983;
	_ =	swait.ge [sflag:s21], $0x4000  }
0x7b: {  	s5 =	simm.s32 @!p2 $0x4;
	s0 =	sadd.s32 @!p2 s29, s15;
	[sflag:s21] =	ssyncset.done $0x0  }
0x7c: {  	s7 =	simm.s32 @!p2 $0x0;
	s0 =	sadd.s32 @!p2 $0x400, s0;
	[sflag:s21] =	ssyncadd.s32 $0xFFFFC000  }
0x7d: {  	[tilespmem:s7], [sflag:$0x4] =	stream.linear.gather @!p2 [hbm4b:s0+s7], $0x80, $0x38;
	[tilespmem:$0x1BA80] =	vst v63  }
0x7e: {  	_ =	swait.ge @!p2 [sflag:s5], $0x80  }
0x7f: {  	s0 =	sadd.s32 @!p2 s29, s14;
	[sflag:s5] =	ssyncset.done @!p2 $0x0  }
0x80: {  	s8 =	simm.s32 @!p2 $0x80;
	s0 =	sadd.s32 @!p2 $0x400, s0;
	[sflag:s5] =	ssyncadd.s32 @!p2 $0xFFFFFF80  }
0x81: {  	[tilespmem:s8], [sflag:$0x4] =	stream.linear.gather @!p2 [hbm4b:s0+s7], $0x80, $0x38;
	[tilespmem:$0x1BA80] =	vst v63  }
0x82: {  	_ =	swait.ge @!p2 [sflag:s5], $0x80  }
0x83: {  	[sflag:s5] =	ssyncset.done @!p2 $0x0  }
0x84: {  	s0 =	simm.s32 @!p2 $0x100;
	[sflag:s5] =	ssyncadd.s32 @!p2 $0xFFFFFF80  }
0x85: {  	[tilespmem:s0], [sflag:$0x1] =	stream.indirect.gather @!p2 [hbm4b:s3+s8], $0x80, s7, s8, $0xb8;
	[tilespmem:$0x1BA80] =	vst v63  }
0x86: {  	_ =	swait.ge [sflag:s25], $0x4000  }
0x87: {  	[sflag:s25] =	ssyncset.done $0x0  }
0x88: {  	[sflag:s25] =	ssyncadd.s32 $0xFFFFC000  }
0x89: {  	[spmem:s1] =	stream.indirect.scatter.add.f32 [tilespmem:s23], [sflag:$0x3], $0x80, s22, s18, $0xb8;
	[tilespmem:$0x1BA80] =	vst v63  }
0x8a: {  	_ =	swait.ge [sflag:s17], $0x4000  }
0x8b: {  	[sflag:s17] =	ssyncset.done $0x0  }
0x8c: {  	s0 =	simm.s32 @!p1 $0x1;
	[sflag:s17] =	ssyncadd.s32 $0xFFFFC000  }
0x8d: {  	_ =	swait.ge @!p1 [sflag:s0], $0x4000  }
0x8e: {  	[sflag:s0] =	ssyncset.done @!p1 $0x0  }
0x8f: {  	s5 =	simm.s32 @!p1 $0x100;
	[sflag:s0] =	ssyncadd.s32 @!p1 $0xFFFFC000;
	s0 =	simm.s32 @!p1 $0x80  }
0x90: {  	[spmem:s1] =	stream.indirect.scatter.add.f32 @!p1 [tilespmem:s5], [sflag:$0x4], $0x80, s0, s0, $0xb8;
	[tilespmem:$0x1BA80] =	vst v63  }
0x91: {  	s0 =	simm.s32 @!p1 $0x4  }
0x92: {  	_ =	swait.ge @!p1 [sflag:s0], $0x4000  }
0x93: {  	[sflag:s0] =	ssyncset.done @!p1 $0x0  }
0x94: {  	[sflag:s0] =	ssyncadd.s32 @!p1 $0xFFFFC000  }
0x95: {  	[bflag:$0x0] =	sbarrier.arrive $0xFFFF  }
0x96: {  	[hbm:s11], [sflag:s6] =	dma.local [spmem:s16], $0x2700  }
0x97: {  	s26 =	sadd.s32 $0x1, s26;
	_ =	swait.ge [sflag:s17], $0x2700  }
0x98: {  	p2 =	sne.s32 s26, s13;
	[sflag:s17] =	ssyncset.done $0x0  }
.Ltmp1:
0x99: {  	s0 =	simm.s32 @!p0 $0x3;
	[sflag:s17] =	ssyncadd.s32 $0xFFFFD900;
	(pc) =	sbr.rel @p2 .LBB2_1-.Ltmp1, $4  }
0x9a: {  	[hbm:s12], [sflag:s6] =	dma.local @!p0 [spmem:s28], $0x100  }
0x9b: {  	_ =	swait.ge @!p0 [sflag:s0], $0x100  }
0x9c: {  	[sflag:s0] =	ssyncset.done @!p0 $0x0  }
0x9d: {  	[sflag:s0] =	ssyncadd.s32 @!p0 $0xFFFFFF00  }
0x9e: {  	_ =	sfence.sel $0x180000  }
0x9f: {  	[bflag:$0x0] =	sbarrier.arrive $0xFFFF  }
0xa0: {  	_ =	strace $0x9000004D  }
0xa1: {  	[bflag:$0x2] =	sbarrier.arrive $0xFFFF  }
0xa2: {  	s0 =	rddreg [dreg:$0x2]  }
0xa3: {  	s0 =	sadd.s32 @!p0 $0x100000, s0  }
0xa4: {  	[sflag:s0] =	ssyncadd.tile.s32 @!p0 $0x1;
	_ =	shalt  }
.Lfunc_end2:
_tile_overlayer_lowered:
.L_overlay_start_2:
0xa5: {  	(tag) =	ssettag $0x2  }
0xa6: {  	s0 =	rddreg [dreg:$0x0];
	s2 =	stileid.u32  }
0xa7: {  	s1 =	rddreg [dreg:$0x1];
	p0 =	sne.s32 s2, $0x0  }
0xa8: {  	s3 =	rddreg [dreg:$0x2];
	[bflag:$0x3] =	sbarrier.arrive $0xFFFF;
	s2 =	simm.s32 @!p0 $0x1C03  }
0xa9: {  	[timem:s3], [sflag:s2] =	dma.local @!p0 [hbm:s0], s1  }
0xaa: {  	s0 =	simm.s32 @!p0 $0x3  }
0xab: {  	_ =	swait.ge @!p0 [sflag:s0], s1  }
0xac: {  	s1 =	ssub.s32 @!p0 $0x0, s1;
	[sflag:s0] =	ssyncset.done @!p0 $0x0  }
0xad: {  	[sflag:s0] =	ssyncadd.s32 @!p0 s1  }
0xae: {  	[bflag:$0x3] =	sbarrier.arrive $0xFFFF  }
0xaf: {  	_ =	shalt  }

// kernel: kernel.8.cloned.1.call-start
scs
__scs_entry_jumppad:
0x0: {  	(pc) =	sbr.rel $0x88, $3  }
0x1: {  	(tag) =	ssettag $0x0;
	lr =	simm.s32 $0x1  }
0x2: {  	[smem:$0x3F99] =	sst lr;
	_ =	strace $0xD0000000  }
0x3: {  	_ = 	snop  }
0x4: {  	_ = 	snop  }
0x5: {  	_ = 	snop  }
0x6: {  	_ = 	snop  }
0x7: {  	_ = 	snop  }
__scs_overlays_trampoline_lowered:
0x8: {  	[smem:$0x3FA8] =	sst s0  }
0x9: {  	[smem:$0x3FA9] =	sst s1  }
0xa: {  	[smem:$0x3FAA] =	sst s2  }
0xb: {  	[smem:$0x3FAB] =	sst s3  }
0xc: {  	[smem:$0x3FAC] =	sst s4  }
0xd: {  	[smem:$0x3FAD] =	sst s5  }
0xe: {  	[smem:$0x3FAE] =	sst s6  }
0xf: {  	[smem:$0x3FAF] =	sst s7  }
0x10: {  	[smem:$0x3FB0] =	sst s8  }
0x11: {  	[smem:$0x3FB1] =	sst s9;
	s0 =	simm.s32 @!p0 $0x0  }
0x12: {  	s1 =	sld [smem:$0x3F97];
	s0 =	simm.s32 @p0 $0x1  }
0x13: {  	[smem:$0x3FB2] =	sst s0;
	s0 =	simm.s32 @!p1 $0x0  }
0x14: {  	s2 =	sld [smem:$0x3F96];
	s0 =	simm.s32 @p1 $0x1  }
0x15: {  	[smem:$0x3FB3] =	sst s0;
	s0 =	simm.s32 @!p2 $0x0  }
0x16: {  	s3 =	sld [smem:$0x3FDB];
	s0 =	simm.s32 @p2 $0x1  }
0x17: {  	s4 =	simm.s32 $0x1BF5;
	[smem:$0x3FB5] =	sst s0  }
0x18: {  	s0 =	sld [smem:$0x3F98];
	_ =	swait.ge [sflag:s4], $0x0  }
0x19: {  	s7 =	sld [smem:$0x3F99]  }
0x1a: {  	s8 =	sadd.s32 $0xFFFFE003, lr  }
0x1b: {  	s9 =	sadd.s32 $0xFFFFFEF7, lr;
	s5 =	simm.s32 $0xFFFFFFFF;
	p2 =	slt.u32 s8, $0xFFFFF086  }
0x1c: {  	p1 =	slt.u32 s9, $0xF7A;
	s5 =	simm.s32 @!p2 $0x0  }
0x1d: {  	s5 =	simm.s32 @p1 $0x1;
	p0 =	seq.s32 s7, s2  }
0x1e: {  	s7 =	smul.u32 @!p0 $0xF7A, s2;
	p2 =	seq.s32 @!p0 s5, $0x0  }
0x1f: {  	s9 =	smul.u32 $0xF7A, s1;
	s8 =	simm.s32 @!p0 $0x1BF5;
	p2 =	por !p2, p0  }
0x20: {  	[sflag:s8] =	ssyncset.s32 @!p0 $0xFFFFF086;
	s6 =	sadd.s32 @!p0 s3, s7;
	s7 =	simm.s32 @!p0 $0x108  }
0x21: {  	s3 =	sadd.s32 s3, s9;
	s6 =	sadd.s32 @!p0 $0x88, s6;
	s7 =	simm.s32 @p2 $0x1082  }
0x22: {  	[simem:s7], [sflag:s8] =	dma.local @!p0 [hbm:s6], $0xF7A  }
0x23: {  	s9 =	sor.u32 $0xD0000000, s2;
	s6 =	simm.s32 $0x108;
	_ =	swait.ge @!p0 [sflag:s8], $0x0  }
0x24: {  	s3 =	sadd.s32 $0x88, s3;
	s6 =	simm.s32 @!p1 $0x1082;
	[sflag:s4] =	ssyncset.s32 $0xFFFFF086  }
0x25: {  	[simem:s6], [sflag:s4] =	dma.local [hbm:s3], $0xF7A  }
0x26: {  	[smem:$0x3F99] =	sst s1;
	(tag) =	ssettag s2;
	_ =	strace s9  }
0x27: {  	s1 =	sld [smem:$0x3FA9]  }
0x28: {  	s2 =	sld [smem:$0x3FAA]  }
0x29: {  	s4 =	sld [smem:$0x3FAC]  }
0x2a: {  	p0 =	seq.s32 s5, $0x0;
	s5 =	sld [smem:$0x3FAD]  }
0x2b: {  	s6 =	sld [smem:$0x3FAE]  }
0x2c: {  	s7 =	sld [smem:$0x3FAF]  }
0x2d: {  	s3 =	simm.s32 $0x108;
	s8 =	sld [smem:$0x3FB0]  }
0x2e: {  	s3 =	simm.s32 @!p0 $0x1082;
	s9 =	sld [smem:$0x3FB1]  }
0x2f: {  	lr =	sadd.s32 s0, s3;
	s0 =	sld [smem:$0x3FA8]  }
0x30: {  	s3 =	sld [smem:$0x3FAB]  }
0x31: {  	[smem:$0x3FB4] =	sst s10  }
0x32: {  	s10 =	sld [smem:$0x3FB2];
	_ =	sdelay $0x3  }
0x33: {  	p0 =	seq.s32 s10, $0x1;
	s10 =	sld [smem:$0x3FB4];
	_ =	sdelay $0x3  }
0x34: {  	[smem:$0x3FB4] =	sst s10  }
0x35: {  	s10 =	sld [smem:$0x3FB3];
	_ =	sdelay $0x3  }
0x36: {  	p1 =	seq.s32 s10, $0x1;
	s10 =	sld [smem:$0x3FB4];
	_ =	sdelay $0x3  }
0x37: {  	[smem:$0x3FB4] =	sst s10  }
0x38: {  	s10 =	sld [smem:$0x3FB5]  }
0x39: {  	_ = 	snop;
	(pc) =	sbr.ind lr, $3  }
0x3a: {  	_ = 	snop  }
0x3b: {  	_ = 	snop  }
0x3c: {  	p2 =	seq.s32 s10, $0x1;
	s10 =	sld [smem:$0x3FB4]  }
0x3d: {  	_ =	shalt  }
0x3e: {  	_ =	shalt  }
0x3f: {  	_ =	shalt  }
0x40: {  	_ =	shalt  }
0x41: {  	_ =	shalt  }
0x42: {  	_ =	shalt  }
0x43: {  	_ =	shalt  }
0x44: {  	_ =	shalt  }
0x45: {  	_ =	shalt  }
0x46: {  	_ =	shalt  }
0x47: {  	_ =	shalt  }
0x48: {  	_ =	shalt  }
0x49: {  	_ =	shalt  }
0x4a: {  	_ =	shalt  }
0x4b: {  	_ =	shalt  }
0x4c: {  	_ =	shalt  }
0x4d: {  	_ =	shalt  }
0x4e: {  	_ =	shalt  }
0x4f: {  	_ =	shalt  }
0x50: {  	_ =	shalt  }
0x51: {  	_ =	shalt  }
0x52: {  	_ =	shalt  }
0x53: {  	_ =	shalt  }
0x54: {  	_ =	shalt  }
0x55: {  	_ =	shalt  }
0x56: {  	_ =	shalt  }
0x57: {  	_ =	shalt  }
0x58: {  	_ =	shalt  }
0x59: {  	_ =	shalt  }
0x5a: {  	_ =	shalt  }
0x5b: {  	_ =	shalt  }
0x5c: {  	_ =	shalt  }
0x5d: {  	_ =	shalt  }
0x5e: {  	_ =	shalt  }
0x5f: {  	_ =	shalt  }
0x60: {  	_ =	shalt  }
0x61: {  	_ =	shalt  }
0x62: {  	_ =	shalt  }
0x63: {  	_ =	shalt  }
0x64: {  	_ =	shalt  }
0x65: {  	_ =	shalt  }
0x66: {  	_ =	shalt  }
0x67: {  	_ =	shalt  }
0x68: {  	_ =	shalt  }
0x69: {  	_ =	shalt  }
0x6a: {  	_ =	shalt  }
0x6b: {  	_ =	shalt  }
0x6c: {  	_ =	shalt  }
0x6d: {  	_ =	shalt  }
0x6e: {  	_ =	shalt  }
0x6f: {  	_ =	shalt  }
0x70: {  	_ =	shalt  }
0x71: {  	_ =	shalt  }
0x72: {  	_ =	shalt  }
0x73: {  	_ =	shalt  }
0x74: {  	_ =	shalt  }
0x75: {  	_ =	shalt  }
0x76: {  	_ =	shalt  }
0x77: {  	_ =	shalt  }
0x78: {  	_ =	shalt  }
0x79: {  	_ =	shalt  }
0x7a: {  	_ =	shalt  }
0x7b: {  	_ =	shalt  }
0x7c: {  	_ =	shalt  }
0x7d: {  	_ =	shalt  }
0x7e: {  	_ =	shalt  }
0x7f: {  	_ =	shalt  }
0x80: {  	_ =	shalt  }
0x81: {  	_ =	shalt  }
0x82: {  	_ =	shalt  }
0x83: {  	_ =	shalt  }
0x84: {  	_ =	shalt  }
0x85: {  	_ =	shalt  }
0x86: {  	_ =	shalt  }
0x87: {  	_ =	shalt  }
.Lfunc_end0:
.L_simem_size_0:
called_computation_lowered:
.L_overlay_start_0:
0x88: {  	s2 =	sld [smem:$0x3FD9]  }
0x89: {  	s3 =	sld [smem:$0x3FFE];
	_ =	sdelay $0x1  }
0x8a: {  	s1 =	srdreg.scid  }
0x8b: {  	s0 =	sand.u32 $0x1, s1  }
0x8c: {  	s17 =	sshll.u32 s0, $0xA;
	s2 =	sadd.s32 s3, s2  }
0x8d: {  	s2 =	sadd.s32 s2, s17  }
0x8e: {  	[smem:$0x3FC0] =	sst s2  }
0x8f: {  	_ = 	snop  }
0x90: {  	s2 =	sld [smem:$0x3FD0];
	(tm) =	ssettm $0x1  }
0x91: {  	s18 =	sld [smem:$0x3FFB];
	_ =	sdelay $0x3  }
0x92: {  	_ =	strace s18  }
0x93: {  	s3 =	sld [smem:$0x3FFC];
	_ =	sdelay $0x3  }
0x94: {  	_ =	strace s3  }
0x95: {  	s3 =	sld [smem:$0x3FFD];
	_ =	sdelay $0x3  }
0x96: {  	_ =	strace s3  }
0x97: {  	_ =	strace $0x8FFFFFFF  }
0x98: {  	s19 =	sld [smem:$0x3FDB];
	_ =	sdelay $0x1  }
0x99: {  	s4 =	simm.s32 $_scs_section_size  }
0x9a: {  	s5 =	simm.s32 $_size__tile_overlayer_lowered;
	s6 =	simm.s32 $_tile_overlayer_lowered  }
0x9b: {  	s22 =	simm.s32 $0x1BFF;
	s21 =	sshll.u32 s6, $0x1;
	s3 =	sadd.s32 s4, s19  }
0x9c: {  	s7 =	simm.s32 $0x0;
	s20 =	sshll.u32 s5, $0x1;
	s5 =	sadd.s32 s21, s3  }
0x9d: {  	[timem:s7], [sflag:s22] =	dma.local [hbm:s5], s20  }
0x9e: {  	_ =	swait.ge [sflag:s22], s20  }
0x9f: {  	s4 =	ssub.s32 $0x0, s20;
	[sflag:s22] =	ssyncset.done $0x0  }
0xa0: {  	[sflag:s22] =	ssyncadd.s32 s4;
	_ =	sdelay $0x1  }
0xa1: {  	s23 =	simm.s32 $0x1B8B  }
0xa2: {  	_ =	swait.ge [sflag:s23], $0x1  }
0xa3: {  	[sflag:s23] =	ssyncset.done $0x0  }
0xa4: {  	s25 =	simm.s32 $0x1B8E;
	s24 =	sld [smem:$0x3FFE];
	[sflag:s23] =	ssyncadd.s32 $0xFFFFFFFF  }
0xa5: {  	s26 =	simm.s32 $execute0_lowered;
	[smem:$0x3FD2] =	sst s25  }
0xa6: {  	s5 =	sshll.u32 s26, $0x1;
	_ =	strace $0x80000046;
	[dreg:$0x1] =	wrdreg $0xFFFFFFFF  }
0xa7: {  	s28 =	simm.s32 $_size_execute0_lowered;
	s3 =	sadd.s32 s3, s5;
	[dreg:$0x0] =	wrdreg $0x0  }
0xa8: {  	s5 =	sshll.u32 s28, $0x1;
	[dreg:$0x2] =	wrdreg s3  }
0xa9: {  	[dreg:$0x3] =	wrdreg s5  }
0xaa: {  	[dreg:$0x4] =	wrdreg $0xC0  }
0xab: {  	_ =	task [dreg:s7], $0x5FFFF  }
0xac: {  	[dreg:$0x1] =	wrdreg $0xFFFFFFFF  }
0xad: {  	[dreg:$0x0] =	wrdreg $0x60  }
0xae: {  	[dreg:$0x2] =	wrdreg s24  }
0xaf: {  	[dreg:$0x3] =	wrdreg s2  }
0xb0: {  	[dreg:$0x4] =	wrdreg $0xB000  }
0xb1: {  	[dreg:$0x5] =	wrdreg $0x9  }
0xb2: {  	_ =	task.clear_ibuf [dreg:s7], $0x6FFFF;
	_ =	strace $0x90000046  }
0xb3: {  	s29 =	simm.s32 $0x9;
	_ =	strace $0x80000048  }
0xb4: {  	_ =	swait.ge [sflag:s29], $0x1  }
0xb5: {  	[sflag:s29] =	ssyncadd.s32 $0xFFFFFFFF  }
0xb6: {  	_ =	strace $0x90000048  }
0xb7: {  	_ =	sfence  }
0xb8: {  	s30 =	sld [smem:$0x0];
	_ =	sdelay $0x2  }
0xb9: {  	s31 =	sshll.u32 s1, $0xD;
	s1 =	sshrl.u32 s1, $0x2  }
0xba: {  	s3 =	sand.u32 $0x4000, s31;
	s1 =	sadd.s32 s1, s30  }
0xbb: {  	s0 =	sor.u32 s3, s0;
	s1 =	sshll.u32 s1, $0x11  }
0xbc: {  	s0 =	sor.u32 s1, s0  }
0xbd: {  	s0 =	sadd.s32 $0x8F2B, s0  }
0xbe: {  	[sflag:s0] =	ssyncadd.remote.s32 $0x1  }
0xbf: {  	_ =	sfence.sel $0xFFFF  }
0xc0: {  	[dreg:$0x0] =	wrdreg $0xFFFFFFFF;
	(pc) =	sbr.abs _section_cstart, $3  }
0xc1: {  	[dreg:$0x1] =	wrdreg $0xFFFFFFFF  }
0xc2: {  	_ =	task.clear_ibuf [dreg:s7], $0x2FFFF;
	_ =	strace $0x9FFFFFFF  }
0xc3: {  	(tm) =	ssettm $0x7FFFFFFF  }
tec
execute0_lowered:
.L_overlay_start_1:
0x0: {  	(tag) =	ssettag $0x1  }
0x1: {  	s0 =	rddreg [dreg:$0x0]  }
0x2: {  	s2 =	rddreg [dreg:$0x1]  }
0x3: {  	s1 =	rddreg [dreg:$0x2];
	s3 =	simm.s32 $0x0;
	s4 =	srdreg.scid  }
0x4: {  	s11 =	stileid.u32;
	s12 =	simm.s32 $0x2;
	s13 =	simm.s32 $0x80  }
0x5: {  	s14 =	simm.s32 $0x480;
	s15 =	simm.s32 $0x100;
	s16 =	simm.s32 $0x180  }
0x6: {  	s17 =	simm.s32 $0x200;
	s18 =	simm.s32 $0x280;
	s19 =	simm.s32 $0x300  }
0x7: {  	s20 =	simm.s32 $0x380;
	s21 =	simm.s32 $0x400;
	s22 =	simm.s32 $0x1  }
0x8: {  	s23 =	simm.s32 $0x500;
	s28 =	simm.s32 $0x700;
	s29 =	simm.s32 $0x780  }
0x9: {  	s30 =	simm.s32 $0x800;
	s31 =	simm.s32 $0x0;
	[smem:$0x7FF] =	sst s3  }
0xa: {  	s4 =	sand.u32 $0x1, s4;
	s6 =	smul.u32 $0x280, s11;
	s7 =	sadd.s32 $0x16E00, s0  }
0xb: {  	s0 =	sadd.s32 $0x20E00, s0;
	s9 =	smul.u32 $0xA, s11;
	_ =	strace $0x80000047  }
0xc: {  	[dreg:$0x4] =	wrdreg s0;
	s24 =	smul.u32 $0xA0, s4;
	s5 =	ssub.s32 $0x2, s4  }
0xd: {  	s8 =	sshll.u32 s4, $0x4;
	s4 =	smul.u32 $0x2800, s4;
	s10 =	sshrl.u32 s5, $0x1  }
0xe: {  	s8 =	sor.u32 s11, s8;
	s11 =	simm.s32 $0x880;
	s10 =	ssub.s32 s5, s10  }
0xf: {  	s8 =	smul.u32 $0x500, s8;
	s0 =	sadd.s32 s9, s24;
	s5 =	sadd.s32 s6, s1  }
0x10: {  	s4 =	sadd.s32 s6, s4;
	s24 =	simm.s32 $0x580;
	s26 =	smax.u32 s10, $0x1  }
0x11: {  	s4 =	sshrl.u32 s4, $0x3;
	s25 =	sadd.s32 s7, s8;
	[dreg:$0x7] =	wrdreg s26  }
0x12: {  	s0 =	sshll.u32 s0, $0x7;
	s2 =	sadd.s32 s2, s4;
	[dreg:$0x5] =	wrdreg s25  }
0x13: {  	s0 =	sadd.s32 s0, s7;
	s26 =	simm.s32 $0x680;
	[dreg:$0x6] =	wrdreg s2  }
0x14: {  	v0 =	vimm.f32 $0.0e+00;
	s9 =	sadd.s32 $0x100, s0;
	s10 =	sadd.s32 $0x80, s0;
	s25 =	simm.s32 $0x600  }
.LBB2_1:
0x15: {  	[tilespmem:$0x880] =	vst v0  }
0x16: {  	[tilespmem:$0x890] =	vst v0  }
0x17: {  	[tilespmem:$0x8A0] =	vst v0  }
0x18: {  	[tilespmem:$0x8B0] =	vst v0  }
0x19: {  	[tilespmem:$0x8C0] =	vst v0  }
0x1a: {  	[tilespmem:$0x8D0] =	vst v0  }
0x1b: {  	[tilespmem:$0x8E0] =	vst v0  }
0x1c: {  	[tilespmem:$0x8F0] =	vst v0  }
0x1d: {  	[tilespmem:$0x900] =	vst v0  }
0x1e: {  	[tilespmem:$0x910] =	vst v0  }
0x1f: {  	[tilespmem:$0x920] =	vst v0  }
0x20: {  	[tilespmem:$0x930] =	vst v0  }
0x21: {  	[tilespmem:$0x940] =	vst v0  }
0x22: {  	[tilespmem:$0x950] =	vst v0  }
0x23: {  	[tilespmem:$0x960] =	vst v0  }
0x24: {  	[tilespmem:$0x970] =	vst v0  }
0x25: {  	[tilespmem:$0x980] =	vst v0  }
0x26: {  	[tilespmem:$0x990] =	vst v0  }
0x27: {  	[tilespmem:$0x9A0] =	vst v0  }
0x28: {  	[tilespmem:$0x9B0] =	vst v0  }
0x29: {  	[tilespmem:$0x9C0] =	vst v0  }
0x2a: {  	[tilespmem:$0x9D0] =	vst v0  }
0x2b: {  	[tilespmem:$0x9E0] =	vst v0  }
0x2c: {  	[tilespmem:$0x9F0] =	vst v0  }
0x2d: {  	[tilespmem:$0xA00] =	vst v0  }
0x2e: {  	[tilespmem:$0xA10] =	vst v0  }
0x2f: {  	[tilespmem:$0xA20] =	vst v0  }
0x30: {  	[tilespmem:$0xA30] =	vst v0  }
0x31: {  	[tilespmem:$0xA40] =	vst v0  }
0x32: {  	[tilespmem:$0xA50] =	vst v0  }
0x33: {  	[tilespmem:$0xA60] =	vst v0  }
0x34: {  	[tilespmem:$0xA70] =	vst v0  }
0x35: {  	[tilespmem:$0xA80] =	vst v0  }
0x36: {  	[tilespmem:$0xA90] =	vst v0  }
0x37: {  	[tilespmem:$0xAA0] =	vst v0  }
0x38: {  	[tilespmem:$0xAB0] =	vst v0  }
0x39: {  	[tilespmem:$0xAC0] =	vst v0  }
0x3a: {  	[tilespmem:$0xAD0] =	vst v0  }
0x3b: {  	[tilespmem:$0xAE0] =	vst v0  }
0x3c: {  	[tilespmem:$0xAF0] =	vst v0  }
0x3d: {  	[spmem:s5] =	stream.linear.scatter [tilespmem:s11], [sflag:$0x2], $0x280, $0x38;
	[tilespmem:$0xD80] =	vst v63  }
0x3e: {  	_ =	swait.ge [sflag:s12], $0x280  }
0x3f: {  	[sflag:s12] =	ssyncset.done $0x0  }
0x40: {  	s0 =	rddreg [dreg:$0x4];
	[sflag:s12] =	ssyncadd.s32 $0xFFFFFD80  }
0x41: {  	[tilespmem:s3], [sflag:$0x2] =	stream.linear.gather [hbm4b:s0+s3], $0x80, $0x38;
	[tilespmem:$0xD80] =	vst v63  }
0x42: {  	_ =	swait.ge [sflag:s12], $0x80  }
0x43: {  	[sflag:s12] =	ssyncset.done $0x0  }
0x44: {  	[sflag:s12] =	ssyncadd.s32 $0xFFFFFF80  }
0x45: {  	[bflag:$0x0] =	sbarrier.arrive $0xFFFF  }
0x46: {  	s7 =	rddreg [dreg:$0x5]  }
0x47: {  	[tilespmem:s13], [sflag:$0x2] =	stream.linear.gather [hbm4b:s7+s3], $0x400, $0x38;
	[tilespmem:$0xD80] =	vst v63  }
0x48: {  	_ =	swait.ge [sflag:s12], $0x400  }
0x49: {  	[sflag:s12] =	ssyncset.done $0x0  }
0x4a: {  	s8 =	sadd.s32 $0x0, s10;
	[sflag:s12] =	ssyncadd.s32 $0xFFFFFC00  }
0x4b: {  	[tilespmem:s14], [sflag:$0x2] =	stream.linear.gather [hbm4b:s8+s3], $0x400, $0x38;
	[tilespmem:$0xD80] =	vst v63  }
0x4c: {  	_ =	swait.ge [sflag:s12], $0x400  }
0x4d: {  	[sflag:s12] =	ssyncset.done $0x0  }
0x4e: {  	[sflag:s12] =	ssyncadd.s32 $0xFFFFFC00  }
0x4f: {  	[spmem:s1] =	stream.indirect.scatter.add.f32 [tilespmem:s3], [sflag:$0x1], $0x1, s13, s13, $0xb8;
	[tilespmem:$0xD80] =	vst v63  }
0x50: {  	_ = 	snop  }
0x51: {  	[spmem:s1] =	stream.indirect.scatter.add.f32 [tilespmem:s3], [sflag:$0x1], $0x1, s15, s13, $0xb8;
	[tilespmem:$0xD80] =	vst v63  }
0x52: {  	_ = 	snop  }
0x53: {  	[spmem:s1] =	stream.indirect.scatter.add.f32 [tilespmem:s3], [sflag:$0x1], $0x1, s16, s13, $0xb8;
	[tilespmem:$0xD80] =	vst v63  }
0x54: {  	_ = 	snop  }
0x55: {  	[spmem:s1] =	stream.indirect.scatter.add.f32 [tilespmem:s3], [sflag:$0x1], $0x1, s17, s13, $0xb8;
	[tilespmem:$0xD80] =	vst v63  }
0x56: {  	_ = 	snop  }
0x57: {  	[spmem:s1] =	stream.indirect.scatter.add.f32 [tilespmem:s3], [sflag:$0x1], $0x1, s18, s13, $0xb8;
	[tilespmem:$0xD80] =	vst v63  }
0x58: {  	_ = 	snop  }
0x59: {  	[spmem:s1] =	stream.indirect.scatter.add.f32 [tilespmem:s3], [sflag:$0x1], $0x1, s19, s13, $0xb8;
	[tilespmem:$0xD80] =	vst v63  }
0x5a: {  	_ = 	snop  }
0x5b: {  	[spmem:s1] =	stream.indirect.scatter.add.f32 [tilespmem:s3], [sflag:$0x1], $0x1, s20, s13, $0xb8;
	[tilespmem:$0xD80] =	vst v63  }
0x5c: {  	_ = 	snop  }
0x5d: {  	[spmem:s1] =	stream.indirect.scatter.add.f32 [tilespmem:s3], [sflag:$0x1], $0x1, s21, s13, $0xb8;
	[tilespmem:$0xD80] =	vst v63  }
0x5e: {  	_ =	swait.ge [sflag:s22], $0x80  }
0x5f: {  	[sflag:s22] =	ssyncset.done $0x0  }
0x60: {  	[sflag:s22] =	ssyncadd.s32 $0xFFFFFF80  }
0x61: {  	_ =	swait.ge [sflag:s22], $0x80  }
0x62: {  	[sflag:s22] =	ssyncset.done $0x0  }
0x63: {  	[sflag:s22] =	ssyncadd.s32 $0xFFFFFF80  }
0x64: {  	_ =	swait.ge [sflag:s22], $0x80  }
0x65: {  	[sflag:s22] =	ssyncset.done $0x0  }
0x66: {  	[sflag:s22] =	ssyncadd.s32 $0xFFFFFF80  }
0x67: {  	_ =	swait.ge [sflag:s22], $0x80  }
0x68: {  	[sflag:s22] =	ssyncset.done $0x0  }
0x69: {  	[sflag:s22] =	ssyncadd.s32 $0xFFFFFF80  }
0x6a: {  	_ =	swait.ge [sflag:s22], $0x80  }
0x6b: {  	[sflag:s22] =	ssyncset.done $0x0  }
0x6c: {  	[sflag:s22] =	ssyncadd.s32 $0xFFFFFF80  }
0x6d: {  	_ =	swait.ge [sflag:s22], $0x80  }
0x6e: {  	[sflag:s22] =	ssyncset.done $0x0  }
0x6f: {  	[sflag:s22] =	ssyncadd.s32 $0xFFFFFF80  }
0x70: {  	_ =	swait.ge [sflag:s22], $0x80  }
0x71: {  	[sflag:s22] =	ssyncset.done $0x0  }
0x72: {  	[sflag:s22] =	ssyncadd.s32 $0xFFFFFF80  }
0x73: {  	p0 =	por $0x0, $0x0;
	_ =	swait.ge [sflag:s22], $0x80  }
0x74: {  	s2 =	simm.s32 @!p0 $0x0;
	[sflag:s22] =	ssyncset.done $0x0  }
0x75: {  	s4 =	simm.s32 @!p0 $0x80;
	s0 =	sadd.s32 @!p0 $0x0, s9;
	[sflag:s22] =	ssyncadd.s32 $0xFFFFFF80  }
0x76: {  	[tilespmem:s4], [sflag:$0x2] =	stream.linear.gather @!p0 [hbm4b:s0+s2], $0x400, $0x38;
	[tilespmem:$0xD80] =	vst v63  }
0x77: {  	s0 =	simm.s32 @!p0 $0x2  }
0x78: {  	_ =	swait.ge @!p0 [sflag:s0], $0x400  }
0x79: {  	[sflag:s0] =	ssyncset.done @!p0 $0x0  }
0x7a: {  	[sflag:s0] =	ssyncadd.s32 @!p0 $0xFFFFFC00  }
0x7b: {  	[spmem:s1] =	stream.indirect.scatter.add.f32 [tilespmem:s3], [sflag:$0x1], $0x1, s14, s13, $0xb8;
	[tilespmem:$0xD80] =	vst v63  }
0x7c: {  	_ = 	snop  }
0x7d: {  	[spmem:s1] =	stream.indirect.scatter.add.f32 [tilespmem:s3], [sflag:$0x1], $0x1, s23, s13, $0xb8;
	[tilespmem:$0xD80] =	vst v63  }
0x7e: {  	_ = 	snop  }
0x7f: {  	[spmem:s1] =	stream.indirect.scatter.add.f32 [tilespmem:s3], [sflag:$0x1], $0x1, s24, s13, $0xb8;
	[tilespmem:$0xD80] =	vst v63  }
0x80: {  	_ = 	snop  }
0x81: {  	[spmem:s1] =	stream.indirect.scatter.add.f32 [tilespmem:s3], [sflag:$0x1], $0x1, s25, s13, $0xb8;
	[tilespmem:$0xD80] =	vst v63  }
0x82: {  	_ = 	snop  }
0x83: {  	[spmem:s1] =	stream.indirect.scatter.add.f32 [tilespmem:s3], [sflag:$0x1], $0x1, s26, s13, $0xb8;
	[tilespmem:$0xD80] =	vst v63  }
0x84: {  	_ = 	snop  }
0x85: {  	[spmem:s1] =	stream.indirect.scatter.add.f32 [tilespmem:s3], [sflag:$0x1], $0x1, s28, s13, $0xb8;
	[tilespmem:$0xD80] =	vst v63  }
0x86: {  	_ = 	snop  }
0x87: {  	[spmem:s1] =	stream.indirect.scatter.add.f32 [tilespmem:s3], [sflag:$0x1], $0x1, s29, s13, $0xb8;
	[tilespmem:$0xD80] =	vst v63  }
0x88: {  	_ = 	snop  }
0x89: {  	[spmem:s1] =	stream.indirect.scatter.add.f32 [tilespmem:s3], [sflag:$0x1], $0x1, s30, s13, $0xb8;
	[tilespmem:$0xD80] =	vst v63  }
0x8a: {  	_ =	swait.ge [sflag:s22], $0x80  }
0x8b: {  	[sflag:s22] =	ssyncset.done $0x0  }
0x8c: {  	[sflag:s22] =	ssyncadd.s32 $0xFFFFFF80  }
0x8d: {  	_ =	swait.ge [sflag:s22], $0x80  }
0x8e: {  	[sflag:s22] =	ssyncset.done $0x0  }
0x8f: {  	[sflag:s22] =	ssyncadd.s32 $0xFFFFFF80  }
0x90: {  	_ =	swait.ge [sflag:s22], $0x80  }
0x91: {  	[sflag:s22] =	ssyncset.done $0x0  }
0x92: {  	[sflag:s22] =	ssyncadd.s32 $0xFFFFFF80  }
0x93: {  	_ =	swait.ge [sflag:s22], $0x80  }
0x94: {  	[sflag:s22] =	ssyncset.done $0x0  }
0x95: {  	[sflag:s22] =	ssyncadd.s32 $0xFFFFFF80  }
0x96: {  	_ =	swait.ge [sflag:s22], $0x80  }
0x97: {  	[sflag:s22] =	ssyncset.done $0x0  }
0x98: {  	[sflag:s22] =	ssyncadd.s32 $0xFFFFFF80  }
0x99: {  	_ =	swait.ge [sflag:s22], $0x80  }
0x9a: {  	[sflag:s22] =	ssyncset.done $0x0  }
0x9b: {  	[sflag:s22] =	ssyncadd.s32 $0xFFFFFF80  }
0x9c: {  	_ =	swait.ge [sflag:s22], $0x80  }
0x9d: {  	[sflag:s22] =	ssyncset.done $0x0  }
0x9e: {  	[sflag:s22] =	ssyncadd.s32 $0xFFFFFF80  }
0x9f: {  	s2 =	simm.s32 $0x200;
	s0 =	simm.s32 $0x100;
	_ =	swait.ge [sflag:s22], $0x80  }
.LBB2_2:
0xa0: {  	s6 =	sadd.s32 s0, s10  }
0xa1: {  	[sflag:s22] =	ssyncset.done $0x0;
	s4 =	smov.u32 s2;
	s2 =	sadd.s32 $0x100, s2  }
0xa2: {  	p0 =	sne.s32 s2, $0x500;
	[sflag:s22] =	ssyncadd.s32 $0xFFFFFF80  }
0xa3: {  	[tilespmem:s14], [sflag:$0x2] =	stream.linear.gather [hbm4b:s6+s3], $0x400, $0x38;
	[tilespmem:$0xD80] =	vst v63  }
0xa4: {  	_ =	swait.ge [sflag:s12], $0x400  }
0xa5: {  	[sflag:s12] =	ssyncset.done $0x0  }
0xa6: {  	[sflag:s12] =	ssyncadd.s32 $0xFFFFFC00  }
0xa7: {  	[spmem:s1] =	stream.indirect.scatter.add.f32 [tilespmem:s3], [sflag:$0x1], $0x1, s13, s13, $0xb8;
	[tilespmem:$0xD80] =	vst v63  }
0xa8: {  	_ = 	snop  }
0xa9: {  	[spmem:s1] =	stream.indirect.scatter.add.f32 [tilespmem:s3], [sflag:$0x1], $0x1, s15, s13, $0xb8;
	[tilespmem:$0xD80] =	vst v63  }
0xaa: {  	_ = 	snop  }
0xab: {  	[spmem:s1] =	stream.indirect.scatter.add.f32 [tilespmem:s3], [sflag:$0x1], $0x1, s16, s13, $0xb8;
	[tilespmem:$0xD80] =	vst v63  }
0xac: {  	_ = 	snop  }
0xad: {  	[spmem:s1] =	stream.indirect.scatter.add.f32 [tilespmem:s3], [sflag:$0x1], $0x1, s17, s13, $0xb8;
	[tilespmem:$0xD80] =	vst v63  }
0xae: {  	_ = 	snop  }
0xaf: {  	[spmem:s1] =	stream.indirect.scatter.add.f32 [tilespmem:s3], [sflag:$0x1], $0x1, s18, s13, $0xb8;
	[tilespmem:$0xD80] =	vst v63  }
0xb0: {  	_ = 	snop  }
0xb1: {  	[spmem:s1] =	stream.indirect.scatter.add.f32 [tilespmem:s3], [sflag:$0x1], $0x1, s19, s13, $0xb8;
	[tilespmem:$0xD80] =	vst v63  }
0xb2: {  	_ = 	snop  }
0xb3: {  	[spmem:s1] =	stream.indirect.scatter.add.f32 [tilespmem:s3], [sflag:$0x1], $0x1, s20, s13, $0xb8;
	[tilespmem:$0xD80] =	vst v63  }
0xb4: {  	_ = 	snop  }
0xb5: {  	[spmem:s1] =	stream.indirect.scatter.add.f32 [tilespmem:s3], [sflag:$0x1], $0x1, s21, s13, $0xb8;
	[tilespmem:$0xD80] =	vst v63  }
0xb6: {  	_ =	swait.ge [sflag:s22], $0x80  }
0xb7: {  	[sflag:s22] =	ssyncset.done $0x0  }
0xb8: {  	[sflag:s22] =	ssyncadd.s32 $0xFFFFFF80  }
0xb9: {  	_ =	swait.ge [sflag:s22], $0x80  }
0xba: {  	[sflag:s22] =	ssyncset.done $0x0  }
0xbb: {  	[sflag:s22] =	ssyncadd.s32 $0xFFFFFF80  }
0xbc: {  	_ =	swait.ge [sflag:s22], $0x80  }
0xbd: {  	[sflag:s22] =	ssyncset.done $0x0  }
0xbe: {  	[sflag:s22] =	ssyncadd.s32 $0xFFFFFF80  }
0xbf: {  	_ =	swait.ge [sflag:s22], $0x80  }
0xc0: {  	[sflag:s22] =	ssyncset.done $0x0  }
0xc1: {  	[sflag:s22] =	ssyncadd.s32 $0xFFFFFF80  }
0xc2: {  	_ =	swait.ge [sflag:s22], $0x80  }
0xc3: {  	[sflag:s22] =	ssyncset.done $0x0  }
0xc4: {  	[sflag:s22] =	ssyncadd.s32 $0xFFFFFF80  }
0xc5: {  	_ =	swait.ge [sflag:s22], $0x80  }
0xc6: {  	[sflag:s22] =	ssyncset.done $0x0  }
0xc7: {  	[sflag:s22] =	ssyncadd.s32 $0xFFFFFF80  }
0xc8: {  	_ =	swait.ge [sflag:s22], $0x80  }
0xc9: {  	[sflag:s22] =	ssyncset.done $0x0  }
0xca: {  	[sflag:s22] =	ssyncadd.s32 $0xFFFFFF80  }
0xcb: {  	p1 =	seq.s32 s0, $0x400;
	_ =	swait.ge [sflag:s22], $0x80  }
0xcc: {  	s0 =	sadd.s32 @!p1 s0, s9;
	s6 =	simm.s32 @!p1 $0x0;
	[sflag:s22] =	ssyncset.done $0x0  }
0xcd: {  	s7 =	simm.s32 @!p1 $0x80;
	s8 =	simm.s32 @!p1 $0x2;
	[sflag:s22] =	ssyncadd.s32 $0xFFFFFF80  }
0xce: {  	[tilespmem:s7], [sflag:$0x2] =	stream.linear.gather @!p1 [hbm4b:s0+s6], $0x400, $0x38;
	[tilespmem:$0xD80] =	vst v63  }
0xcf: {  	s0 =	smov.u32 s4;
	_ =	swait.ge @!p1 [sflag:s8], $0x400  }
0xd0: {  	[sflag:s8] =	ssyncset.done @!p1 $0x0  }
0xd1: {  	[sflag:s8] =	ssyncadd.s32 @!p1 $0xFFFFFC00  }
0xd2: {  	[spmem:s1] =	stream.indirect.scatter.add.f32 [tilespmem:s3], [sflag:$0x1], $0x1, s14, s13, $0xb8;
	[tilespmem:$0xD80] =	vst v63  }
0xd3: {  	_ = 	snop  }
0xd4: {  	[spmem:s1] =	stream.indirect.scatter.add.f32 [tilespmem:s3], [sflag:$0x1], $0x1, s23, s13, $0xb8;
	[tilespmem:$0xD80] =	vst v63  }
0xd5: {  	_ = 	snop  }
0xd6: {  	[spmem:s1] =	stream.indirect.scatter.add.f32 [tilespmem:s3], [sflag:$0x1], $0x1, s24, s13, $0xb8;
	[tilespmem:$0xD80] =	vst v63  }
0xd7: {  	_ = 	snop  }
0xd8: {  	[spmem:s1] =	stream.indirect.scatter.add.f32 [tilespmem:s3], [sflag:$0x1], $0x1, s25, s13, $0xb8;
	[tilespmem:$0xD80] =	vst v63  }
0xd9: {  	_ = 	snop  }
0xda: {  	[spmem:s1] =	stream.indirect.scatter.add.f32 [tilespmem:s3], [sflag:$0x1], $0x1, s26, s13, $0xb8;
	[tilespmem:$0xD80] =	vst v63  }
0xdb: {  	_ = 	snop  }
0xdc: {  	[spmem:s1] =	stream.indirect.scatter.add.f32 [tilespmem:s3], [sflag:$0x1], $0x1, s28, s13, $0xb8;
	[tilespmem:$0xD80] =	vst v63  }
0xdd: {  	_ = 	snop  }
0xde: {  	[spmem:s1] =	stream.indirect.scatter.add.f32 [tilespmem:s3], [sflag:$0x1], $0x1, s29, s13, $0xb8;
	[tilespmem:$0xD80] =	vst v63  }
0xdf: {  	_ = 	snop  }
0xe0: {  	[spmem:s1] =	stream.indirect.scatter.add.f32 [tilespmem:s3], [sflag:$0x1], $0x1, s30, s13, $0xb8;
	[tilespmem:$0xD80] =	vst v63  }
0xe1: {  	_ =	swait.ge [sflag:s22], $0x80  }
0xe2: {  	[sflag:s22] =	ssyncset.done $0x0  }
0xe3: {  	[sflag:s22] =	ssyncadd.s32 $0xFFFFFF80  }
0xe4: {  	_ =	swait.ge [sflag:s22], $0x80  }
0xe5: {  	[sflag:s22] =	ssyncset.done $0x0  }
0xe6: {  	[sflag:s22] =	ssyncadd.s32 $0xFFFFFF80  }
0xe7: {  	_ =	swait.ge [sflag:s22], $0x80  }
0xe8: {  	[sflag:s22] =	ssyncset.done $0x0  }
0xe9: {  	[sflag:s22] =	ssyncadd.s32 $0xFFFFFF80  }
0xea: {  	_ =	swait.ge [sflag:s22], $0x80  }
0xeb: {  	[sflag:s22] =	ssyncset.done $0x0  }
0xec: {  	[sflag:s22] =	ssyncadd.s32 $0xFFFFFF80  }
0xed: {  	_ =	swait.ge [sflag:s22], $0x80  }
0xee: {  	[sflag:s22] =	ssyncset.done $0x0  }
0xef: {  	[sflag:s22] =	ssyncadd.s32 $0xFFFFFF80  }
0xf0: {  	_ =	swait.ge [sflag:s22], $0x80  }
0xf1: {  	[sflag:s22] =	ssyncset.done $0x0  }
.Ltmp0:
0xf2: {  	[sflag:s22] =	ssyncadd.s32 $0xFFFFFF80;
	(pc) =	sbr.rel @p0 .LBB2_2-.Ltmp0, $4  }
0xf3: {  	_ =	swait.ge [sflag:s22], $0x80  }
0xf4: {  	[sflag:s22] =	ssyncset.done $0x0  }
0xf5: {  	[sflag:s22] =	ssyncadd.s32 $0xFFFFFF80  }
0xf6: {  	_ =	swait.ge [sflag:s22], $0x80  }
0xf7: {  	[sflag:s22] =	ssyncset.done $0x0  }
0xf8: {  	s2 =	sadd.s32 s0, s10;
	[sflag:s22] =	ssyncadd.s32 $0xFFFFFF80  }
0xf9: {  	[tilespmem:s14], [sflag:$0x2] =	stream.linear.gather [hbm4b:s2+s3], $0x400, $0x38;
	[tilespmem:$0xD80] =	vst v63  }
0xfa: {  	_ =	swait.ge [sflag:s12], $0x400  }
0xfb: {  	[sflag:s12] =	ssyncset.done $0x0  }
0xfc: {  	[sflag:s12] =	ssyncadd.s32 $0xFFFFFC00  }
0xfd: {  	[spmem:s1] =	stream.indirect.scatter.add.f32 [tilespmem:s3], [sflag:$0x1], $0x1, s13, s13, $0xb8;
	[tilespmem:$0xD80] =	vst v63  }
0xfe: {  	_ = 	snop  }
0xff: {  	[spmem:s1] =	stream.indirect.scatter.add.f32 [tilespmem:s3], [sflag:$0x1], $0x1, s15, s13, $0xb8;
	[tilespmem:$0xD80] =	vst v63  }
0x100: {  	_ = 	snop  }
0x101: {  	[spmem:s1] =	stream.indirect.scatter.add.f32 [tilespmem:s3], [sflag:$0x1], $0x1, s16, s13, $0xb8;
	[tilespmem:$0xD80] =	vst v63  }
0x102: {  	_ = 	snop  }
0x103: {  	[spmem:s1] =	stream.indirect.scatter.add.f32 [tilespmem:s3], [sflag:$0x1], $0x1, s17, s13, $0xb8;
	[tilespmem:$0xD80] =	vst v63  }
0x104: {  	_ = 	snop  }
0x105: {  	[spmem:s1] =	stream.indirect.scatter.add.f32 [tilespmem:s3], [sflag:$0x1], $0x1, s18, s13, $0xb8;
	[tilespmem:$0xD80] =	vst v63  }
0x106: {  	_ = 	snop  }
0x107: {  	[spmem:s1] =	stream.indirect.scatter.add.f32 [tilespmem:s3], [sflag:$0x1], $0x1, s19, s13, $0xb8;
	[tilespmem:$0xD80] =	vst v63  }
0x108: {  	_ = 	snop  }
0x109: {  	[spmem:s1] =	stream.indirect.scatter.add.f32 [tilespmem:s3], [sflag:$0x1], $0x1, s20, s13, $0xb8;
	[tilespmem:$0xD80] =	vst v63  }
0x10a: {  	_ = 	snop  }
0x10b: {  	[spmem:s1] =	stream.indirect.scatter.add.f32 [tilespmem:s3], [sflag:$0x1], $0x1, s21, s13, $0xb8;
	[tilespmem:$0xD80] =	vst v63  }
0x10c: {  	_ =	swait.ge [sflag:s22], $0x80  }
0x10d: {  	[sflag:s22] =	ssyncset.done $0x0  }
0x10e: {  	[sflag:s22] =	ssyncadd.s32 $0xFFFFFF80  }
0x10f: {  	_ =	swait.ge [sflag:s22], $0x80  }
0x110: {  	[sflag:s22] =	ssyncset.done $0x0  }
0x111: {  	[sflag:s22] =	ssyncadd.s32 $0xFFFFFF80  }
0x112: {  	_ =	swait.ge [sflag:s22], $0x80  }
0x113: {  	[sflag:s22] =	ssyncset.done $0x0  }
0x114: {  	[sflag:s22] =	ssyncadd.s32 $0xFFFFFF80  }
0x115: {  	_ =	swait.ge [sflag:s22], $0x80  }
0x116: {  	[sflag:s22] =	ssyncset.done $0x0  }
0x117: {  	[sflag:s22] =	ssyncadd.s32 $0xFFFFFF80  }
0x118: {  	_ =	swait.ge [sflag:s22], $0x80  }
0x119: {  	[sflag:s22] =	ssyncset.done $0x0  }
0x11a: {  	[sflag:s22] =	ssyncadd.s32 $0xFFFFFF80  }
0x11b: {  	_ =	swait.ge [sflag:s22], $0x80  }
0x11c: {  	[sflag:s22] =	ssyncset.done $0x0  }
0x11d: {  	[sflag:s22] =	ssyncadd.s32 $0xFFFFFF80  }
0x11e: {  	_ =	swait.ge [sflag:s22], $0x80  }
0x11f: {  	[sflag:s22] =	ssyncset.done $0x0  }
0x120: {  	[sflag:s22] =	ssyncadd.s32 $0xFFFFFF80  }
0x121: {  	p0 =	seq.s32 s0, $0x400;
	_ =	swait.ge [sflag:s22], $0x80  }
0x122: {  	s0 =	sadd.s32 @!p0 s0, s9;
	[sflag:s22] =	ssyncset.done $0x0  }
0x123: {  	s4 =	simm.s32 @!p0 $0x80;
	s2 =	simm.s32 @!p0 $0x0;
	[sflag:s22] =	ssyncadd.s32 $0xFFFFFF80  }
0x124: {  	[tilespmem:s4], [sflag:$0x2] =	stream.linear.gather @!p0 [hbm4b:s0+s2], $0x400, $0x38;
	[tilespmem:$0xD80] =	vst v63  }
0x125: {  	s0 =	simm.s32 @!p0 $0x2  }
0x126: {  	_ =	swait.ge @!p0 [sflag:s0], $0x400  }
0x127: {  	[sflag:s0] =	ssyncset.done @!p0 $0x0  }
0x128: {  	[sflag:s0] =	ssyncadd.s32 @!p0 $0xFFFFFC00  }
0x129: {  	[spmem:s1] =	stream.indirect.scatter.add.f32 [tilespmem:s3], [sflag:$0x1], $0x1, s14, s13, $0xb8;
	[tilespmem:$0xD80] =	vst v63  }
0x12a: {  	_ = 	snop  }
0x12b: {  	[spmem:s1] =	stream.indirect.scatter.add.f32 [tilespmem:s3], [sflag:$0x1], $0x1, s23, s13, $0xb8;
	[tilespmem:$0xD80] =	vst v63  }
0x12c: {  	_ = 	snop  }
0x12d: {  	[spmem:s1] =	stream.indirect.scatter.add.f32 [tilespmem:s3], [sflag:$0x1], $0x1, s24, s13, $0xb8;
	[tilespmem:$0xD80] =	vst v63  }
0x12e: {  	_ = 	snop  }
0x12f: {  	[spmem:s1] =	stream.indirect.scatter.add.f32 [tilespmem:s3], [sflag:$0x1], $0x1, s25, s13, $0xb8;
	[tilespmem:$0xD80] =	vst v63  }
0x130: {  	_ = 	snop  }
0x131: {  	[spmem:s1] =	stream.indirect.scatter.add.f32 [tilespmem:s3], [sflag:$0x1], $0x1, s26, s13, $0xb8;
	[tilespmem:$0xD80] =	vst v63  }
0x132: {  	_ = 	snop  }
0x133: {  	[spmem:s1] =	stream.indirect.scatter.add.f32 [tilespmem:s3], [sflag:$0x1], $0x1, s28, s13, $0xb8;
	[tilespmem:$0xD80] =	vst v63  }
0x134: {  	_ = 	snop  }
0x135: {  	[spmem:s1] =	stream.indirect.scatter.add.f32 [tilespmem:s3], [sflag:$0x1], $0x1, s29, s13, $0xb8;
	[tilespmem:$0xD80] =	vst v63  }
0x136: {  	_ = 	snop  }
0x137: {  	[spmem:s1] =	stream.indirect.scatter.add.f32 [tilespmem:s3], [sflag:$0x1], $0x1, s30, s13, $0xb8;
	[tilespmem:$0xD80] =	vst v63  }
0x138: {  	_ =	swait.ge [sflag:s22], $0x80  }
0x139: {  	[sflag:s22] =	ssyncset.done $0x0  }
0x13a: {  	[sflag:s22] =	ssyncadd.s32 $0xFFFFFF80  }
0x13b: {  	_ =	swait.ge [sflag:s22], $0x80  }
0x13c: {  	[sflag:s22] =	ssyncset.done $0x0  }
0x13d: {  	[sflag:s22] =	ssyncadd.s32 $0xFFFFFF80  }
0x13e: {  	_ =	swait.ge [sflag:s22], $0x80  }
0x13f: {  	[sflag:s22] =	ssyncset.done $0x0  }
0x140: {  	[sflag:s22] =	ssyncadd.s32 $0xFFFFFF80  }
0x141: {  	_ =	swait.ge [sflag:s22], $0x80  }
0x142: {  	[sflag:s22] =	ssyncset.done $0x0  }
0x143: {  	[sflag:s22] =	ssyncadd.s32 $0xFFFFFF80  }
0x144: {  	_ =	swait.ge [sflag:s22], $0x80  }
0x145: {  	[sflag:s22] =	ssyncset.done $0x0  }
0x146: {  	[sflag:s22] =	ssyncadd.s32 $0xFFFFFF80  }
0x147: {  	_ =	swait.ge [sflag:s22], $0x80  }
0x148: {  	[sflag:s22] =	ssyncset.done $0x0  }
0x149: {  	[sflag:s22] =	ssyncadd.s32 $0xFFFFFF80  }
0x14a: {  	_ =	swait.ge [sflag:s22], $0x80  }
0x14b: {  	[sflag:s22] =	ssyncset.done $0x0  }
0x14c: {  	[sflag:s22] =	ssyncadd.s32 $0xFFFFFF80  }
0x14d: {  	_ =	swait.ge [sflag:s22], $0x80  }
0x14e: {  	[sflag:s22] =	ssyncset.done $0x0  }
0x14f: {  	[sflag:s22] =	ssyncadd.s32 $0xFFFFFF80  }
0x150: {  	[bflag:$0x0] =	sbarrier.arrive $0xFFFF  }
0x151: {  	[tilespmem:s11], [sflag:$0x2] =	stream.linear.gather [spmem:s5], $0x280, $0x38;
	[tilespmem:$0xD80] =	vst v63  }
0x152: {  	_ =	swait.ge [sflag:s12], $0x280  }
0x153: {  	[sflag:s12] =	ssyncset.done $0x0  }
0x154: {  	s7 =	rddreg [dreg:$0x6];
	[sflag:s12] =	ssyncadd.s32 $0xFFFFFD80  }
0x155: {  	[hbm4b:s7+s3] =	stream.linear.scatter [tilespmem:s11], [sflag:$0x2], $0x280, $0x38;
	[tilespmem:$0xD80] =	vst v63  }
0x156: {  	_ =	swait.ge [sflag:s12], $0x280  }
0x157: {  	s31 =	sadd.s32 $0x1, s31;
	s8 =	rddreg [dreg:$0x7]  }
0x158: {  	p0 =	sne.s32 s31, s8  }
.Ltmp1:
0x159: {  	_ = 	snop;
	(pc) =	sbr.rel @p0 .LBB2_1-.Ltmp1, $3  }
0x15a: {  	_ =	sdelay $0x1  }
0x15b: {  	[sflag:s12] =	ssyncset.done $0x0  }
0x15c: {  	[sflag:s12] =	ssyncadd.s32 $0xFFFFFD80  }
0x15d: {  	_ =	sfence.sel $0x180000  }
0x15e: {  	[bflag:$0x0] =	sbarrier.arrive $0xFFFF  }
0x15f: {  	_ =	strace $0x90000047  }
0x160: {  	s0 =	stileid.u32;
	[bflag:$0x2] =	sbarrier.arrive $0xFFFF  }
0x161: {  	p0 =	sne.s32 s0, $0x0;
	s0 =	rddreg [dreg:$0x3]  }
0x162: {  	s0 =	sadd.s32 @!p0 $0x100000, s0  }
0x163: {  	[sflag:s0] =	ssyncadd.tile.s32 @!p0 $0x1;
	_ =	shalt  }
.Lfunc_end2:
_tile_overlayer_lowered:
.L_overlay_start_2:
0x164: {  	(tag) =	ssettag $0x2  }
0x165: {  	s0 =	rddreg [dreg:$0x0];
	s2 =	stileid.u32  }
0x166: {  	s1 =	rddreg [dreg:$0x1];
	p0 =	sne.s32 s2, $0x0  }
0x167: {  	s3 =	rddreg [dreg:$0x2];
	[bflag:$0x3] =	sbarrier.arrive $0xFFFF;
	s2 =	simm.s32 @!p0 $0x1C02  }
0x168: {  	[timem:s3], [sflag:s2] =	dma.local @!p0 [hbm:s0], s1  }
0x169: {  	s0 =	simm.s32 @!p0 $0x2  }
0x16a: {  	_ =	swait.ge @!p0 [sflag:s0], s1  }
0x16b: {  	s1 =	ssub.s32 @!p0 $0x0, s1;
	[sflag:s0] =	ssyncset.done @!p0 $0x0  }
0x16c: {  	[sflag:s0] =	ssyncadd.s32 @!p0 s1  }
0x16d: {  	[bflag:$0x3] =	sbarrier.arrive $0xFFFF  }
0x16e: {  	_ =	shalt  }

</sc_bundles>
